<compile_context>
chip_gen: v7x
topology: tpu7x:2x2x1
jax: 0.10.2.dev20260603
libtpu: 0.0.44.dev20260713+nightly
codegen_flags: <defaults>
</compile_context>

<pallas_src>
import functools

import jax
import jax.numpy as jnp
from jax import lax
from jax.experimental import pallas as pl
from jax.experimental.pallas import tpu as pltpu
from jax.experimental.pallas import tpu_sc as plsc


def _node_proj_body(nf_ref, w_ref, b_ref, y_ref):
    y_ref[0] = jnp.dot(nf_ref[...], w_ref[...],
                       preferred_element_type=jnp.float32) + b_ref[0]


def _edge_proj_body(ef_ref, we_ref, be_ref, ep_ref):
    ep_ref[...] = jnp.dot(ef_ref[...], we_ref[...],
                          preferred_element_type=jnp.float32) + be_ref[...]


def _make_sc_kernel(N, E, D):
    H = D // 2
    NS = 16
    C = 80
    EPT = E // NS
    NCHUNK = EPT // C
    RPT = 624
    WB = 48
    REM = N - NS * RPT

    mesh = plsc.VectorSubcoreMesh(core_axis_name="c", subcore_axis_name="s")

    @functools.partial(
        pl.kernel,
        out_type=(
            jax.ShapeDtypeStruct((E, D), jnp.float32),
            jax.ShapeDtypeStruct((N, D), jnp.float32),
        ),
        mesh=mesh,
        scratch_types=[
            pltpu.VMEM((8, C), jnp.int32),
            pltpu.VMEM((C,), jnp.int32),
            pltpu.VMEM((C,), jnp.int32),
            pltpu.VMEM((C,), jnp.int32),
            pltpu.VMEM((C, H), jnp.float32),
            pltpu.VMEM((C, H), jnp.float32),
            pltpu.VMEM((C, H), jnp.float32),
            pltpu.VMEM((C, H), jnp.float32),
            pltpu.VMEM((WB, H), jnp.float32),
            pltpu.VMEM_SHARED((N, H), jnp.float32),
            pltpu.SemaphoreType.DMA,
        ],
    )
    def sck(y_hbm, ep_hbm, sr_hbm, edges_out, nodes_out,
            srbuf, qc, kc, vc, qbuf, kbuf, vbuf, epbuf, wb, acc, sem):
        c = lax.axis_index("c")
        s = lax.axis_index("s")
        cm = pl.multiple_of(c * H, H)

        qoff = (2 + c) * N
        koff = (4 + c) * N
        voff = (6 + c) * N

        nrow0 = s * RPT
        for i in range(RPT // WB):
            src = pl.multiple_of(c * N + nrow0 + i * WB, 8)
            dst = pl.multiple_of(nrow0 + i * WB, 8)
            pltpu.sync_copy(y_hbm.at[pl.ds(src, WB)], wb)
            pltpu.sync_copy(wb, acc.at[pl.ds(dst, WB)])

        @pl.when(s == NS - 1)
        def _init_rem():
            src = pl.multiple_of(c * N + NS * RPT, 8)
            pltpu.sync_copy(y_hbm.at[pl.ds(src, REM)], wb.at[pl.ds(0, REM)])
            pltpu.sync_copy(wb.at[pl.ds(0, REM)],
                            acc.at[pl.ds(NS * RPT, REM)])

        plsc.subcore_barrier()

        ebase = s * EPT

        def chunk_body(j, carry):
            e0 = pl.multiple_of(ebase + j * C, 8)
            pltpu.sync_copy(sr_hbm.at[s, j], srbuf)
            for t in range(C // 16):
                sl = pl.ds(t * 16, 16)
                sv = srbuf[0, sl]
                r = srbuf[1, sl]
                qc[sl] = r + qoff
                kc[sl] = sv + koff
                vc[sl] = sv + voff
            cp1 = pltpu.async_copy(y_hbm.at[qc], qbuf, sem)
            cp2 = pltpu.async_copy(y_hbm.at[kc], kbuf, sem)
            cp3 = pltpu.async_copy(y_hbm.at[vc], vbuf, sem)
            cp4 = pltpu.async_copy(
                ep_hbm.at[pl.ds(e0, C), pl.ds(cm, H)], epbuf, sem)
            cp1.wait()
            cp2.wait()
            cp3.wait()
            cp4.wait()

            def row_body(r, rcarry):
                for t in range(H // 16):
                    sl = pl.ds(t * 16, 16)
                    e = qbuf[r, sl] + kbuf[r, sl] + epbuf[r, sl]
                    qbuf[r, sl] = e
                    sig = 1.0 / (1.0 + jnp.exp(-e))
                    vbuf[r, sl] = sig * vbuf[r, sl]
                return rcarry

            lax.fori_loop(0, C, row_body, 0)
            pltpu.sync_copy(qbuf, edges_out.at[pl.ds(e0, C), pl.ds(cm, H)])
            pltpu.sync_copy(vbuf, acc.at[srbuf.at[1]], add=True)
            return carry

        lax.fori_loop(0, NCHUNK, chunk_body, 0)
        plsc.subcore_barrier()

        for i in range(RPT // WB):
            off = pl.multiple_of(nrow0 + i * WB, 8)
            pltpu.sync_copy(acc.at[pl.ds(off, WB)], wb)
            pltpu.sync_copy(wb, nodes_out.at[pl.ds(off, WB), pl.ds(cm, H)])

        @pl.when(s == NS - 1)
        def _wb_rem():
            off = pl.multiple_of(NS * RPT, 8)
            pltpu.sync_copy(acc.at[pl.ds(off, REM)], wb.at[pl.ds(0, REM)])
            pltpu.sync_copy(wb.at[pl.ds(0, REM)],
                            nodes_out.at[pl.ds(off, REM), pl.ds(cm, H)])

    return sck


def kernel(node_features, senders, receivers, edge_features,
           W_kernel, W_bias, We_kernel, We_bias):
    N, D = node_features.shape
    E = senders.shape[0]
    DE = edge_features.shape[1]
    H = D // 2

    BN = 1000
    y = pl.pallas_call(
        _node_proj_body,
        grid=(N // BN, 8),
        in_specs=[
            pl.BlockSpec((BN, D), lambda i, j: (i, 0)),
            pl.BlockSpec((D, H), lambda i, j: (0, j)),
            pl.BlockSpec((1, 1, H), lambda i, j: (j, 0, 0)),
        ],
        out_specs=pl.BlockSpec((1, BN, H), lambda i, j: (j, i, 0)),
        out_shape=jax.ShapeDtypeStruct((8, N, H), jnp.float32),
    )(node_features, W_kernel, W_bias.reshape(8, 1, H))
    y_flat = y.reshape(8 * N, H)

    BE = 2000
    ep = pl.pallas_call(
        _edge_proj_body,
        grid=(E // BE,),
        in_specs=[
            pl.BlockSpec((BE, DE), lambda i: (i, 0)),
            pl.BlockSpec((DE, D), lambda i: (0, 0)),
            pl.BlockSpec((1, D), lambda i: (0, 0)),
        ],
        out_specs=pl.BlockSpec((BE, D), lambda i: (i, 0)),
        out_shape=jax.ShapeDtypeStruct((E, D), jnp.float32),
    )(edge_features, We_kernel, We_bias.reshape(1, D))

    NS = 16
    C = 80
    NCHUNK = E // (NS * C)
    s4 = senders.astype(jnp.int32).reshape(NS, NCHUNK, 1, C)
    r4 = receivers.astype(jnp.int32).reshape(NS, NCHUNK, 1, C)
    sr = jnp.concatenate(
        [s4, r4, jnp.zeros((NS, NCHUNK, 6, C), jnp.int32)], axis=2)
    sck = _make_sc_kernel(N, E, D)
    edges, nodes = sck(y_flat, ep, sr)
    return (nodes, edges)

# --- scband reference (transcript-rebuilt; emitter-appended) ---
"""Pipeline reference for scband-residual-gated-gcn-19748259627401 (READ-ONLY COPY).

The authoritative reference and input builder live on the scoring server;
editing this copy changes nothing except your own understanding.
"""

import jax, jax.numpy as jnp
import numpy as np


def setup_inputs(seed: int = 0) -> dict:
    key = jax.random.key(seed)
    k1, k2, k3, k4, k5, k6 = jax.random.split(key, 6)
    N, E, D, DE = 10000, 160000, 256, 16
    node_features = jax.random.normal(k1, (N, D), dtype=jnp.float32)
    senders = jax.random.randint(k2, (E,), 0, N)
    receivers = jax.random.randint(k3, (E,), 0, N)
    edge_features = jax.random.normal(k4, (E, DE), dtype=jnp.float32)
    # xavier_normal init for Dense kernels, zero biases (flax default bias init)
    W_kernel = jax.random.normal(k5, (D, 4 * D), dtype=jnp.float32) * (2.0 / (D + 4 * D)) ** 0.5
    W_bias = jnp.zeros((4 * D,), dtype=jnp.float32)
    We_kernel = jax.random.normal(k6, (DE, D), dtype=jnp.float32) * (2.0 / (DE + D)) ** 0.5
    We_bias = jnp.zeros((D,), dtype=jnp.float32)
    return {
        "node_features": node_features,
        "senders": senders,
        "receivers": receivers,
        "edge_features": edge_features,
        "W_kernel": W_kernel,
        "W_bias": W_bias,
        "We_kernel": We_kernel,
        "We_bias": We_bias,
    }


def reference(node_features, senders, receivers, edge_features, W_kernel, W_bias, We_kernel, We_bias):
    num_nodes = node_features.shape[-2]
    # W = nn.Dense(4 * embed_dim)
    x = node_features @ W_kernel + W_bias
    h, Q, K, V = jnp.split(x, 4, axis=-1)
    key_edges = jnp.take_along_axis(K, senders[..., None], axis=-2)
    value_edges = jnp.take_along_axis(V, senders[..., None], axis=-2)
    query_edges = jnp.take_along_axis(Q, receivers[..., None], axis=-2)
    edges = query_edges + key_edges
    # W_e = nn.Dense(embed_dim) applied to edge_features
    edges = edges + (edge_features @ We_kernel + We_bias)
    eta = jax.nn.sigmoid(edges)
    nodes = h + jax.ops.segment_sum(eta * value_edges, receivers, num_segments=num_nodes)
    # original module returns a dict; we return the array outputs (node_features, edge_features)
    return (nodes, edges)

if __name__ == "__main__":
    import jax
    _d = setup_inputs()
    print(jax.jit(kernel)(*tuple(_d.values())))

</pallas_src>

<mosaic_0001>
#map = affine_map<(d0, d1) -> (0, 0)>
#map1 = affine_map<(d0, d1) -> (0, 0, 0, 0)>
module attributes {stable_mosaic.version = 14 : i64} {
  func.func @sck(%arg0: i32, %arg1: i32, %arg2: memref<80000x128xf32, #tpu.memory_space<hbm>>, %arg3: memref<160000x256xf32, #tpu.memory_space<hbm>>, %arg4: memref<16x125x8x80xi32, #tpu.memory_space<hbm>>, %arg5: memref<160000x256xf32, #tpu.memory_space<hbm>>, %arg6: memref<10000x256xf32, #tpu.memory_space<hbm>>, %arg7: memref<8x80xi32, #tpu.memory_space<vmem>>, %arg8: memref<80xi32, #tpu.memory_space<vmem>>, %arg9: memref<80xi32, #tpu.memory_space<vmem>>, %arg10: memref<80xi32, #tpu.memory_space<vmem>>, %arg11: memref<80x128xf32, #tpu.memory_space<vmem>>, %arg12: memref<80x128xf32, #tpu.memory_space<vmem>>, %arg13: memref<80x128xf32, #tpu.memory_space<vmem>>, %arg14: memref<80x128xf32, #tpu.memory_space<vmem>>, %arg15: memref<48x128xf32, #tpu.memory_space<vmem>>, %arg16: memref<10000x128xf32, #tpu.memory_space<vmem_shared>>, %arg17: memref<!tpu.dma_semaphore, #tpu.memory_space<semaphore_mem>>) attributes {dimension_semantics = [#tpu.dimension_semantics<core_parallel>, #tpu.dimension_semantics<subcore_parallel>], iteration_bounds = array<i64: 2, 16>, scalar_prefetch = 0 : i64, scratch_operands = 11 : i64, tpu.core_type = #tpu.core_type<sc_vector_subcore>, window_params = [{transform_indices = #map}, {transform_indices = #map}, {transform_indices = #map1}, {transform_indices = #map}, {transform_indices = #map}]} {
    %mul3A = arith.constant 128 : i32
    %mul3A_0 = arith.muli %arg0, %mul3A : i32
    %multiple_of3A = tpu.assume_multiple %mul3A_0, 128 : i32
    %add3A = arith.constant 2 : i32
    %add3A_1 = arith.addi %add3A, %arg0 : i32
    %mul3A_2 = arith.constant 10000 : i32
    %mul3A_3 = arith.muli %add3A_1, %mul3A_2 : i32
    %add3A_4 = arith.constant 4 : i32
    %add3A_5 = arith.addi %add3A_4, %arg0 : i32
    %mul3A_6 = arith.constant 10000 : i32
    %mul3A_7 = arith.muli %add3A_5, %mul3A_6 : i32
    %add3A_8 = arith.constant 6 : i32
    %add3A_9 = arith.addi %add3A_8, %arg0 : i32
    %mul3A_10 = arith.constant 10000 : i32
    %mul3A_11 = arith.muli %add3A_9, %mul3A_10 : i32
    %mul3A_12 = arith.constant 624 : i32
    %mul3A_13 = arith.muli %arg1, %mul3A_12 : i32
    %mul3A_14 = arith.constant 10000 : i32
    %mul3A_15 = arith.muli %arg0, %mul3A_14 : i32
    %add3A_16 = arith.addi %mul3A_15, %mul3A_13 : i32
    %add3A_17 = arith.constant 0 : i32
    %add3A_18 = arith.addi %add3A_16, %add3A_17 : i32
    %multiple_of3A_19 = tpu.assume_multiple %add3A_18, 8 : i32
    %add3A_20 = arith.constant 0 : i32
    %add3A_21 = arith.addi %mul3A_13, %add3A_20 : i32
    %multiple_of3A_22 = tpu.assume_multiple %add3A_21, 8 : i32
    "tpu.region"() ({
      %run_scoped3A = tpu.sem_alloc : memref<!tpu.dma_semaphore, #tpu.memory_space<semaphore_mem>>
      %dma_start3A = arith.constant 0 : i32
      %dma_start3A_185 = tpu.memref_slice %arg2[%multiple_of3A_19, %dma_start3A] : memref<80000x128xf32, #tpu.memory_space<hbm>> -> memref<48x128xf32, #tpu.memory_space<hbm>>
      %dma_start3A_186 = arith.constant 0 : i32
      %dma_start3A_187 = tpu.memref_slice %arg2[%multiple_of3A_19, %dma_start3A_186] : memref<80000x128xf32, #tpu.memory_space<hbm>> -> memref<48x128xf32, #tpu.memory_space<hbm>>
      tpu.enqueue_dma source(%dma_start3A_187 : memref<48x128xf32, #tpu.memory_space<hbm>>) target(%arg15 : memref<48x128xf32, #tpu.memory_space<vmem>>) target_semaphore(%run_scoped3A : memref<!tpu.dma_semaphore, #tpu.memory_space<semaphore_mem>>)
      %dma_wait3A = arith.constant 0 : i32
      %dma_wait3A_188 = tpu.memref_slice %arg2[%multiple_of3A_19, %dma_wait3A] : memref<80000x128xf32, #tpu.memory_space<hbm>> -> memref<48x128xf32, #tpu.memory_space<hbm>>
      %dma_wait3A_189 = arith.constant 0 : i32
      %dma_wait3A_190 = tpu.memref_slice %arg2[%multiple_of3A_19, %dma_wait3A_189] : memref<80000x128xf32, #tpu.memory_space<hbm>> -> memref<48x128xf32, #tpu.memory_space<hbm>>
      tpu.wait_dma2 semaphore(%run_scoped3A : memref<!tpu.dma_semaphore, #tpu.memory_space<semaphore_mem>>) src(%dma_wait3A_190 : memref<48x128xf32, #tpu.memory_space<hbm>>) dst(%arg15 : memref<48x128xf32, #tpu.memory_space<vmem>>)
      tpu.yield
    }) : () -> ()
    "tpu.region"() ({
      %run_scoped3A = tpu.sem_alloc : memref<!tpu.dma_semaphore, #tpu.memory_space<semaphore_mem>>
      %dma_start3A = arith.constant 0 : i32
      %dma_start3A_185 = tpu.memref_slice %arg16[%multiple_of3A_22, %dma_start3A] : memref<10000x128xf32, #tpu.memory_space<vmem_shared>> -> memref<48x128xf32, #tpu.memory_space<vmem_shared>>
      %dma_start3A_186 = arith.constant 0 : i32
      %dma_start3A_187 = tpu.memref_slice %arg16[%multiple_of3A_22, %dma_start3A_186] : memref<10000x128xf32, #tpu.memory_space<vmem_shared>> -> memref<48x128xf32, #tpu.memory_space<vmem_shared>>
      tpu.enqueue_dma source(%arg15 : memref<48x128xf32, #tpu.memory_space<vmem>>) target(%dma_start3A_187 : memref<48x128xf32, #tpu.memory_space<vmem_shared>>) target_semaphore(%run_scoped3A : memref<!tpu.dma_semaphore, #tpu.memory_space<semaphore_mem>>)
      %dma_wait3A = arith.constant 0 : i32
      %dma_wait3A_188 = tpu.memref_slice %arg16[%multiple_of3A_22, %dma_wait3A] : memref<10000x128xf32, #tpu.memory_space<vmem_shared>> -> memref<48x128xf32, #tpu.memory_space<vmem_shared>>
      %dma_wait3A_189 = arith.constant 0 : i32
      %dma_wait3A_190 = tpu.memref_slice %arg16[%multiple_of3A_22, %dma_wait3A_189] : memref<10000x128xf32, #tpu.memory_space<vmem_shared>> -> memref<48x128xf32, #tpu.memory_space<vmem_shared>>
      tpu.wait_dma2 semaphore(%run_scoped3A : memref<!tpu.dma_semaphore, #tpu.memory_space<semaphore_mem>>) src(%arg15 : memref<48x128xf32, #tpu.memory_space<vmem>>) dst(%dma_wait3A_190 : memref<48x128xf32, #tpu.memory_space<vmem_shared>>)
      tpu.yield
    }) : () -> ()
    %mul3A_23 = arith.constant 10000 : i32
    %mul3A_24 = arith.muli %arg0, %mul3A_23 : i32
    %add3A_25 = arith.addi %mul3A_24, %mul3A_13 : i32
    %add3A_26 = arith.constant 48 : i32
    %add3A_27 = arith.addi %add3A_25, %add3A_26 : i32
    %multiple_of3A_28 = tpu.assume_multiple %add3A_27, 8 : i32
    %add3A_29 = arith.constant 48 : i32
    %add3A_30 = arith.addi %mul3A_13, %add3A_29 : i32
    %multiple_of3A_31 = tpu.assume_multiple %add3A_30, 8 : i32
    "tpu.region"() ({
      %run_scoped3A = tpu.sem_alloc : memref<!tpu.dma_semaphore, #tpu.memory_space<semaphore_mem>>
      %dma_start3A = arith.constant 0 : i32
      %dma_start3A_185 = tpu.memref_slice %arg2[%multiple_of3A_28, %dma_start3A] : memref<80000x128xf32, #tpu.memory_space<hbm>> -> memref<48x128xf32, #tpu.memory_space<hbm>>
      %dma_start3A_186 = arith.constant 0 : i32
      %dma_start3A_187 = tpu.memref_slice %arg2[%multiple_of3A_28, %dma_start3A_186] : memref<80000x128xf32, #tpu.memory_space<hbm>> -> memref<48x128xf32, #tpu.memory_space<hbm>>
      tpu.enqueue_dma source(%dma_start3A_187 : memref<48x128xf32, #tpu.memory_space<hbm>>) target(%arg15 : memref<48x128xf32, #tpu.memory_space<vmem>>) target_semaphore(%run_scoped3A : memref<!tpu.dma_semaphore, #tpu.memory_space<semaphore_mem>>)
      %dma_wait3A = arith.constant 0 : i32
      %dma_wait3A_188 = tpu.memref_slice %arg2[%multiple_of3A_28, %dma_wait3A] : memref<80000x128xf32, #tpu.memory_space<hbm>> -> memref<48x128xf32, #tpu.memory_space<hbm>>
      %dma_wait3A_189 = arith.constant 0 : i32
      %dma_wait3A_190 = tpu.memref_slice %arg2[%multiple_of3A_28, %dma_wait3A_189] : memref<80000x128xf32, #tpu.memory_space<hbm>> -> memref<48x128xf32, #tpu.memory_space<hbm>>
      tpu.wait_dma2 semaphore(%run_scoped3A : memref<!tpu.dma_semaphore, #tpu.memory_space<semaphore_mem>>) src(%dma_wait3A_190 : memref<48x128xf32, #tpu.memory_space<hbm>>) dst(%arg15 : memref<48x128xf32, #tpu.memory_space<vmem>>)
      tpu.yield
    }) : () -> ()
    "tpu.region"() ({
      %run_scoped3A = tpu.sem_alloc : memref<!tpu.dma_semaphore, #tpu.memory_space<semaphore_mem>>
      %dma_start3A = arith.constant 0 : i32
      %dma_start3A_185 = tpu.memref_slice %arg16[%multiple_of3A_31, %dma_start3A] : memref<10000x128xf32, #tpu.memory_space<vmem_shared>> -> memref<48x128xf32, #tpu.memory_space<vmem_shared>>
      %dma_start3A_186 = arith.constant 0 : i32
      %dma_start3A_187 = tpu.memref_slice %arg16[%multiple_of3A_31, %dma_start3A_186] : memref<10000x128xf32, #tpu.memory_space<vmem_shared>> -> memref<48x128xf32, #tpu.memory_space<vmem_shared>>
      tpu.enqueue_dma source(%arg15 : memref<48x128xf32, #tpu.memory_space<vmem>>) target(%dma_start3A_187 : memref<48x128xf32, #tpu.memory_space<vmem_shared>>) target_semaphore(%run_scoped3A : memref<!tpu.dma_semaphore, #tpu.memory_space<semaphore_mem>>)
      %dma_wait3A = arith.constant 0 : i32
      %dma_wait3A_188 = tpu.memref_slice %arg16[%multiple_of3A_31, %dma_wait3A] : memref<10000x128xf32, #tpu.memory_space<vmem_shared>> -> memref<48x128xf32, #tpu.memory_space<vmem_shared>>
      %dma_wait3A_189 = arith.constant 0 : i32
      %dma_wait3A_190 = tpu.memref_slice %arg16[%multiple_of3A_31, %dma_wait3A_189] : memref<10000x128xf32, #tpu.memory_space<vmem_shared>> -> memref<48x128xf32, #tpu.memory_space<vmem_shared>>
      tpu.wait_dma2 semaphore(%run_scoped3A : memref<!tpu.dma_semaphore, #tpu.memory_space<semaphore_mem>>) src(%arg15 : memref<48x128xf32, #tpu.memory_space<vmem>>) dst(%dma_wait3A_190 : memref<48x128xf32, #tpu.memory_space<vmem_shared>>)
      tpu.yield
    }) : () -> ()
    %mul3A_32 = arith.constant 10000 : i32
    %mul3A_33 = arith.muli %arg0, %mul3A_32 : i32
    %add3A_34 = arith.addi %mul3A_33, %mul3A_13 : i32
    %add3A_35 = arith.constant 96 : i32
    %add3A_36 = arith.addi %add3A_34, %add3A_35 : i32
    %multiple_of3A_37 = tpu.assume_multiple %add3A_36, 8 : i32
    %add3A_38 = arith.constant 96 : i32
    %add3A_39 = arith.addi %mul3A_13, %add3A_38 : i32
    %multiple_of3A_40 = tpu.assume_multiple %add3A_39, 8 : i32
    "tpu.region"() ({
      %run_scoped3A = tpu.sem_alloc : memref<!tpu.dma_semaphore, #tpu.memory_space<semaphore_mem>>
      %dma_start3A = arith.constant 0 : i32
      %dma_start3A_185 = tpu.memref_slice %arg2[%multiple_of3A_37, %dma_start3A] : memref<80000x128xf32, #tpu.memory_space<hbm>> -> memref<48x128xf32, #tpu.memory_space<hbm>>
      %dma_start3A_186 = arith.constant 0 : i32
      %dma_start3A_187 = tpu.memref_slice %arg2[%multiple_of3A_37, %dma_start3A_186] : memref<80000x128xf32, #tpu.memory_space<hbm>> -> memref<48x128xf32, #tpu.memory_space<hbm>>
      tpu.enqueue_dma source(%dma_start3A_187 : memref<48x128xf32, #tpu.memory_space<hbm>>) target(%arg15 : memref<48x128xf32, #tpu.memory_space<vmem>>) target_semaphore(%run_scoped3A : memref<!tpu.dma_semaphore, #tpu.memory_space<semaphore_mem>>)
      %dma_wait3A = arith.constant 0 : i32
      %dma_wait3A_188 = tpu.memref_slice %arg2[%multiple_of3A_37, %dma_wait3A] : memref<80000x128xf32, #tpu.memory_space<hbm>> -> memref<48x128xf32, #tpu.memory_space<hbm>>
      %dma_wait3A_189 = arith.constant 0 : i32
      %dma_wait3A_190 = tpu.memref_slice %arg2[%multiple_of3A_37, %dma_wait3A_189] : memref<80000x128xf32, #tpu.memory_space<hbm>> -> memref<48x128xf32, #tpu.memory_space<hbm>>
      tpu.wait_dma2 semaphore(%run_scoped3A : memref<!tpu.dma_semaphore, #tpu.memory_space<semaphore_mem>>) src(%dma_wait3A_190 : memref<48x128xf32, #tpu.memory_space<hbm>>) dst(%arg15 : memref<48x128xf32, #tpu.memory_space<vmem>>)
      tpu.yield
    }) : () -> ()
    "tpu.region"() ({
      %run_scoped3A = tpu.sem_alloc : memref<!tpu.dma_semaphore, #tpu.memory_space<semaphore_mem>>
      %dma_start3A = arith.constant 0 : i32
      %dma_start3A_185 = tpu.memref_slice %arg16[%multiple_of3A_40, %dma_start3A] : memref<10000x128xf32, #tpu.memory_space<vmem_shared>> -> memref<48x128xf32, #tpu.memory_space<vmem_shared>>
      %dma_start3A_186 = arith.constant 0 : i32
      %dma_start3A_187 = tpu.memref_slice %arg16[%multiple_of3A_40, %dma_start3A_186] : memref<10000x128xf32, #tpu.memory_space<vmem_shared>> -> memref<48x128xf32, #tpu.memory_space<vmem_shared>>
      tpu.enqueue_dma source(%arg15 : memref<48x128xf32, #tpu.memory_space<vmem>>) target(%dma_start3A_187 : memref<48x128xf32, #tpu.memory_space<vmem_shared>>) target_semaphore(%run_scoped3A : memref<!tpu.dma_semaphore, #tpu.memory_space<semaphore_mem>>)
      %dma_wait3A = arith.constant 0 : i32
      %dma_wait3A_188 = tpu.memref_slice %arg16[%multiple_of3A_40, %dma_wait3A] : memref<10000x128xf32, #tpu.memory_space<vmem_shared>> -> memref<48x128xf32, #tpu.memory_space<vmem_shared>>
      %dma_wait3A_189 = arith.constant 0 : i32
      %dma_wait3A_190 = tpu.memref_slice %arg16[%multiple_of3A_40, %dma_wait3A_189] : memref<10000x128xf32, #tpu.memory_space<vmem_shared>> -> memref<48x128xf32, #tpu.memory_space<vmem_shared>>
      tpu.wait_dma2 semaphore(%run_scoped3A : memref<!tpu.dma_semaphore, #tpu.memory_space<semaphore_mem>>) src(%arg15 : memref<48x128xf32, #tpu.memory_space<vmem>>) dst(%dma_wait3A_190 : memref<48x128xf32, #tpu.memory_space<vmem_shared>>)
      tpu.yield
    }) : () -> ()
    %mul3A_41 = arith.constant 10000 : i32
    %mul3A_42 = arith.muli %arg0, %mul3A_41 : i32
    %add3A_43 = arith.addi %mul3A_42, %mul3A_13 : i32
    %add3A_44 = arith.constant 144 : i32
    %add3A_45 = arith.addi %add3A_43, %add3A_44 : i32
    %multiple_of3A_46 = tpu.assume_multiple %add3A_45, 8 : i32
    %add3A_47 = arith.constant 144 : i32
    %add3A_48 = arith.addi %mul3A_13, %add3A_47 : i32
    %multiple_of3A_49 = tpu.assume_multiple %add3A_48, 8 : i32
    "tpu.region"() ({
      %run_scoped3A = tpu.sem_alloc : memref<!tpu.dma_semaphore, #tpu.memory_space<semaphore_mem>>
      %dma_start3A = arith.constant 0 : i32
      %dma_start3A_185 = tpu.memref_slice %arg2[%multiple_of3A_46, %dma_start3A] : memref<80000x128xf32, #tpu.memory_space<hbm>> -> memref<48x128xf32, #tpu.memory_space<hbm>>
      %dma_start3A_186 = arith.constant 0 : i32
      %dma_start3A_187 = tpu.memref_slice %arg2[%multiple_of3A_46, %dma_start3A_186] : memref<80000x128xf32, #tpu.memory_space<hbm>> -> memref<48x128xf32, #tpu.memory_space<hbm>>
      tpu.enqueue_dma source(%dma_start3A_187 : memref<48x128xf32, #tpu.memory_space<hbm>>) target(%arg15 : memref<48x128xf32, #tpu.memory_space<vmem>>) target_semaphore(%run_scoped3A : memref<!tpu.dma_semaphore, #tpu.memory_space<semaphore_mem>>)
      %dma_wait3A = arith.constant 0 : i32
      %dma_wait3A_188 = tpu.memref_slice %arg2[%multiple_of3A_46, %dma_wait3A] : memref<80000x128xf32, #tpu.memory_space<hbm>> -> memref<48x128xf32, #tpu.memory_space<hbm>>
      %dma_wait3A_189 = arith.constant 0 : i32
      %dma_wait3A_190 = tpu.memref_slice %arg2[%multiple_of3A_46, %dma_wait3A_189] : memref<80000x128xf32, #tpu.memory_space<hbm>> -> memref<48x128xf32, #tpu.memory_space<hbm>>
      tpu.wait_dma2 semaphore(%run_scoped3A : memref<!tpu.dma_semaphore, #tpu.memory_space<semaphore_mem>>) src(%dma_wait3A_190 : memref<48x128xf32, #tpu.memory_space<hbm>>) dst(%arg15 : memref<48x128xf32, #tpu.memory_space<vmem>>)
      tpu.yield
    }) : () -> ()
    "tpu.region"() ({
      %run_scoped3A = tpu.sem_alloc : memref<!tpu.dma_semaphore, #tpu.memory_space<semaphore_mem>>
      %dma_start3A = arith.constant 0 : i32
      %dma_start3A_185 = tpu.memref_slice %arg16[%multiple_of3A_49, %dma_start3A] : memref<10000x128xf32, #tpu.memory_space<vmem_shared>> -> memref<48x128xf32, #tpu.memory_space<vmem_shared>>
      %dma_start3A_186 = arith.constant 0 : i32
      %dma_start3A_187 = tpu.memref_slice %arg16[%multiple_of3A_49, %dma_start3A_186] : memref<10000x128xf32, #tpu.memory_space<vmem_shared>> -> memref<48x128xf32, #tpu.memory_space<vmem_shared>>
      tpu.enqueue_dma source(%arg15 : memref<48x128xf32, #tpu.memory_space<vmem>>) target(%dma_start3A_187 : memref<48x128xf32, #tpu.memory_space<vmem_shared>>) target_semaphore(%run_scoped3A : memref<!tpu.dma_semaphore, #tpu.memory_space<semaphore_mem>>)
      %dma_wait3A = arith.constant 0 : i32
      %dma_wait3A_188 = tpu.memref_slice %arg16[%multiple_of3A_49, %dma_wait3A] : memref<10000x128xf32, #tpu.memory_space<vmem_shared>> -> memref<48x128xf32, #tpu.memory_space<vmem_shared>>
      %dma_wait3A_189 = arith.constant 0 : i32
      %dma_wait3A_190 = tpu.memref_slice %arg16[%multiple_of3A_49, %dma_wait3A_189] : memref<10000x128xf32, #tpu.memory_space<vmem_shared>> -> memref<48x128xf32, #tpu.memory_space<vmem_shared>>
      tpu.wait_dma2 semaphore(%run_scoped3A : memref<!tpu.dma_semaphore, #tpu.memory_space<semaphore_mem>>) src(%arg15 : memref<48x128xf32, #tpu.memory_space<vmem>>) dst(%dma_wait3A_190 : memref<48x128xf32, #tpu.memory_space<vmem_shared>>)
      tpu.yield
    }) : () -> ()
    %mul3A_50 = arith.constant 10000 : i32
    %mul3A_51 = arith.muli %arg0, %mul3A_50 : i32
    %add3A_52 = arith.addi %mul3A_51, %mul3A_13 : i32
    %add3A_53 = arith.constant 192 : i32
    %add3A_54 = arith.addi %add3A_52, %add3A_53 : i32
    %multiple_of3A_55 = tpu.assume_multiple %add3A_54, 8 : i32
    %add3A_56 = arith.constant 192 : i32
    %add3A_57 = arith.addi %mul3A_13, %add3A_56 : i32
    %multiple_of3A_58 = tpu.assume_multiple %add3A_57, 8 : i32
    "tpu.region"() ({
      %run_scoped3A = tpu.sem_alloc : memref<!tpu.dma_semaphore, #tpu.memory_space<semaphore_mem>>
      %dma_start3A = arith.constant 0 : i32
      %dma_start3A_185 = tpu.memref_slice %arg2[%multiple_of3A_55, %dma_start3A] : memref<80000x128xf32, #tpu.memory_space<hbm>> -> memref<48x128xf32, #tpu.memory_space<hbm>>
      %dma_start3A_186 = arith.constant 0 : i32
      %dma_start3A_187 = tpu.memref_slice %arg2[%multiple_of3A_55, %dma_start3A_186] : memref<80000x128xf32, #tpu.memory_space<hbm>> -> memref<48x128xf32, #tpu.memory_space<hbm>>
      tpu.enqueue_dma source(%dma_start3A_187 : memref<48x128xf32, #tpu.memory_space<hbm>>) target(%arg15 : memref<48x128xf32, #tpu.memory_space<vmem>>) target_semaphore(%run_scoped3A : memref<!tpu.dma_semaphore, #tpu.memory_space<semaphore_mem>>)
      %dma_wait3A = arith.constant 0 : i32
      %dma_wait3A_188 = tpu.memref_slice %arg2[%multiple_of3A_55, %dma_wait3A] : memref<80000x128xf32, #tpu.memory_space<hbm>> -> memref<48x128xf32, #tpu.memory_space<hbm>>
      %dma_wait3A_189 = arith.constant 0 : i32
      %dma_wait3A_190 = tpu.memref_slice %arg2[%multiple_of3A_55, %dma_wait3A_189] : memref<80000x128xf32, #tpu.memory_space<hbm>> -> memref<48x128xf32, #tpu.memory_space<hbm>>
      tpu.wait_dma2 semaphore(%run_scoped3A : memref<!tpu.dma_semaphore, #tpu.memory_space<semaphore_mem>>) src(%dma_wait3A_190 : memref<48x128xf32, #tpu.memory_space<hbm>>) dst(%arg15 : memref<48x128xf32, #tpu.memory_space<vmem>>)
      tpu.yield
    }) : () -> ()
    "tpu.region"() ({
      %run_scoped3A = tpu.sem_alloc : memref<!tpu.dma_semaphore, #tpu.memory_space<semaphore_mem>>
      %dma_start3A = arith.constant 0 : i32
      %dma_start3A_185 = tpu.memref_slice %arg16[%multiple_of3A_58, %dma_start3A] : memref<10000x128xf32, #tpu.memory_space<vmem_shared>> -> memref<48x128xf32, #tpu.memory_space<vmem_shared>>
      %dma_start3A_186 = arith.constant 0 : i32
      %dma_start3A_187 = tpu.memref_slice %arg16[%multiple_of3A_58, %dma_start3A_186] : memref<10000x128xf32, #tpu.memory_space<vmem_shared>> -> memref<48x128xf32, #tpu.memory_space<vmem_shared>>
      tpu.enqueue_dma source(%arg15 : memref<48x128xf32, #tpu.memory_space<vmem>>) target(%dma_start3A_187 : memref<48x128xf32, #tpu.memory_space<vmem_shared>>) target_semaphore(%run_scoped3A : memref<!tpu.dma_semaphore, #tpu.memory_space<semaphore_mem>>)
      %dma_wait3A = arith.constant 0 : i32
      %dma_wait3A_188 = tpu.memref_slice %arg16[%multiple_of3A_58, %dma_wait3A] : memref<10000x128xf32, #tpu.memory_space<vmem_shared>> -> memref<48x128xf32, #tpu.memory_space<vmem_shared>>
      %dma_wait3A_189 = arith.constant 0 : i32
      %dma_wait3A_190 = tpu.memref_slice %arg16[%multiple_of3A_58, %dma_wait3A_189] : memref<10000x128xf32, #tpu.memory_space<vmem_shared>> -> memref<48x128xf32, #tpu.memory_space<vmem_shared>>
      tpu.wait_dma2 semaphore(%run_scoped3A : memref<!tpu.dma_semaphore, #tpu.memory_space<semaphore_mem>>) src(%arg15 : memref<48x128xf32, #tpu.memory_space<vmem>>) dst(%dma_wait3A_190 : memref<48x128xf32, #tpu.memory_space<vmem_shared>>)
      tpu.yield
    }) : () -> ()
    %mul3A_59 = arith.constant 10000 : i32
    %mul3A_60 = arith.muli %arg0, %mul3A_59 : i32
    %add3A_61 = arith.addi %mul3A_60, %mul3A_13 : i32
    %add3A_62 = arith.constant 240 : i32
    %add3A_63 = arith.addi %add3A_61, %add3A_62 : i32
    %multiple_of3A_64 = tpu.assume_multiple %add3A_63, 8 : i32
    %add3A_65 = arith.constant 240 : i32
    %add3A_66 = arith.addi %mul3A_13, %add3A_65 : i32
    %multiple_of3A_67 = tpu.assume_multiple %add3A_66, 8 : i32
    "tpu.region"() ({
      %run_scoped3A = tpu.sem_alloc : memref<!tpu.dma_semaphore, #tpu.memory_space<semaphore_mem>>
      %dma_start3A = arith.constant 0 : i32
      %dma_start3A_185 = tpu.memref_slice %arg2[%multiple_of3A_64, %dma_start3A] : memref<80000x128xf32, #tpu.memory_space<hbm>> -> memref<48x128xf32, #tpu.memory_space<hbm>>
      %dma_start3A_186 = arith.constant 0 : i32
      %dma_start3A_187 = tpu.memref_slice %arg2[%multiple_of3A_64, %dma_start3A_186] : memref<80000x128xf32, #tpu.memory_space<hbm>> -> memref<48x128xf32, #tpu.memory_space<hbm>>
      tpu.enqueue_dma source(%dma_start3A_187 : memref<48x128xf32, #tpu.memory_space<hbm>>) target(%arg15 : memref<48x128xf32, #tpu.memory_space<vmem>>) target_semaphore(%run_scoped3A : memref<!tpu.dma_semaphore, #tpu.memory_space<semaphore_mem>>)
      %dma_wait3A = arith.constant 0 : i32
      %dma_wait3A_188 = tpu.memref_slice %arg2[%multiple_of3A_64, %dma_wait3A] : memref<80000x128xf32, #tpu.memory_space<hbm>> -> memref<48x128xf32, #tpu.memory_space<hbm>>
      %dma_wait3A_189 = arith.constant 0 : i32
      %dma_wait3A_190 = tpu.memref_slice %arg2[%multiple_of3A_64, %dma_wait3A_189] : memref<80000x128xf32, #tpu.memory_space<hbm>> -> memref<48x128xf32, #tpu.memory_space<hbm>>
      tpu.wait_dma2 semaphore(%run_scoped3A : memref<!tpu.dma_semaphore, #tpu.memory_space<semaphore_mem>>) src(%dma_wait3A_190 : memref<48x128xf32, #tpu.memory_space<hbm>>) dst(%arg15 : memref<48x128xf32, #tpu.memory_space<vmem>>)
      tpu.yield
    }) : () -> ()
    "tpu.region"() ({
      %run_scoped3A = tpu.sem_alloc : memref<!tpu.dma_semaphore, #tpu.memory_space<semaphore_mem>>
      %dma_start3A = arith.constant 0 : i32
      %dma_start3A_185 = tpu.memref_slice %arg16[%multiple_of3A_67, %dma_start3A] : memref<10000x128xf32, #tpu.memory_space<vmem_shared>> -> memref<48x128xf32, #tpu.memory_space<vmem_shared>>
      %dma_start3A_186 = arith.constant 0 : i32
      %dma_start3A_187 = tpu.memref_slice %arg16[%multiple_of3A_67, %dma_start3A_186] : memref<10000x128xf32, #tpu.memory_space<vmem_shared>> -> memref<48x128xf32, #tpu.memory_space<vmem_shared>>
      tpu.enqueue_dma source(%arg15 : memref<48x128xf32, #tpu.memory_space<vmem>>) target(%dma_start3A_187 : memref<48x128xf32, #tpu.memory_space<vmem_shared>>) target_semaphore(%run_scoped3A : memref<!tpu.dma_semaphore, #tpu.memory_space<semaphore_mem>>)
      %dma_wait3A = arith.constant 0 : i32
      %dma_wait3A_188 = tpu.memref_slice %arg16[%multiple_of3A_67, %dma_wait3A] : memref<10000x128xf32, #tpu.memory_space<vmem_shared>> -> memref<48x128xf32, #tpu.memory_space<vmem_shared>>
      %dma_wait3A_189 = arith.constant 0 : i32
      %dma_wait3A_190 = tpu.memref_slice %arg16[%multiple_of3A_67, %dma_wait3A_189] : memref<10000x128xf32, #tpu.memory_space<vmem_shared>> -> memref<48x128xf32, #tpu.memory_space<vmem_shared>>
      tpu.wait_dma2 semaphore(%run_scoped3A : memref<!tpu.dma_semaphore, #tpu.memory_space<semaphore_mem>>) src(%arg15 : memref<48x128xf32, #tpu.memory_space<vmem>>) dst(%dma_wait3A_190 : memref<48x128xf32, #tpu.memory_space<vmem_shared>>)
      tpu.yield
    }) : () -> ()
    %mul3A_68 = arith.constant 10000 : i32
    %mul3A_69 = arith.muli %arg0, %mul3A_68 : i32
    %add3A_70 = arith.addi %mul3A_69, %mul3A_13 : i32
    %add3A_71 = arith.constant 288 : i32
    %add3A_72 = arith.addi %add3A_70, %add3A_71 : i32
    %multiple_of3A_73 = tpu.assume_multiple %add3A_72, 8 : i32
    %add3A_74 = arith.constant 288 : i32
    %add3A_75 = arith.addi %mul3A_13, %add3A_74 : i32
    %multiple_of3A_76 = tpu.assume_multiple %add3A_75, 8 : i32
    "tpu.region"() ({
      %run_scoped3A = tpu.sem_alloc : memref<!tpu.dma_semaphore, #tpu.memory_space<semaphore_mem>>
      %dma_start3A = arith.constant 0 : i32
      %dma_start3A_185 = tpu.memref_slice %arg2[%multiple_of3A_73, %dma_start3A] : memref<80000x128xf32, #tpu.memory_space<hbm>> -> memref<48x128xf32, #tpu.memory_space<hbm>>
      %dma_start3A_186 = arith.constant 0 : i32
      %dma_start3A_187 = tpu.memref_slice %arg2[%multiple_of3A_73, %dma_start3A_186] : memref<80000x128xf32, #tpu.memory_space<hbm>> -> memref<48x128xf32, #tpu.memory_space<hbm>>
      tpu.enqueue_dma source(%dma_start3A_187 : memref<48x128xf32, #tpu.memory_space<hbm>>) target(%arg15 : memref<48x128xf32, #tpu.memory_space<vmem>>) target_semaphore(%run_scoped3A : memref<!tpu.dma_semaphore, #tpu.memory_space<semaphore_mem>>)
      %dma_wait3A = arith.constant 0 : i32
      %dma_wait3A_188 = tpu.memref_slice %arg2[%multiple_of3A_73, %dma_wait3A] : memref<80000x128xf32, #tpu.memory_space<hbm>> -> memref<48x128xf32, #tpu.memory_space<hbm>>
      %dma_wait3A_189 = arith.constant 0 : i32
      %dma_wait3A_190 = tpu.memref_slice %arg2[%multiple_of3A_73, %dma_wait3A_189] : memref<80000x128xf32, #tpu.memory_space<hbm>> -> memref<48x128xf32, #tpu.memory_space<hbm>>
      tpu.wait_dma2 semaphore(%run_scoped3A : memref<!tpu.dma_semaphore, #tpu.memory_space<semaphore_mem>>) src(%dma_wait3A_190 : memref<48x128xf32, #tpu.memory_space<hbm>>) dst(%arg15 : memref<48x128xf32, #tpu.memory_space<vmem>>)
      tpu.yield
    }) : () -> ()
    "tpu.region"() ({
      %run_scoped3A = tpu.sem_alloc : memref<!tpu.dma_semaphore, #tpu.memory_space<semaphore_mem>>
      %dma_start3A = arith.constant 0 : i32
      %dma_start3A_185 = tpu.memref_slice %arg16[%multiple_of3A_76, %dma_start3A] : memref<10000x128xf32, #tpu.memory_space<vmem_shared>> -> memref<48x128xf32, #tpu.memory_space<vmem_shared>>
      %dma_start3A_186 = arith.constant 0 : i32
      %dma_start3A_187 = tpu.memref_slice %arg16[%multiple_of3A_76, %dma_start3A_186] : memref<10000x128xf32, #tpu.memory_space<vmem_shared>> -> memref<48x128xf32, #tpu.memory_space<vmem_shared>>
      tpu.enqueue_dma source(%arg15 : memref<48x128xf32, #tpu.memory_space<vmem>>) target(%dma_start3A_187 : memref<48x128xf32, #tpu.memory_space<vmem_shared>>) target_semaphore(%run_scoped3A : memref<!tpu.dma_semaphore, #tpu.memory_space<semaphore_mem>>)
      %dma_wait3A = arith.constant 0 : i32
      %dma_wait3A_188 = tpu.memref_slice %arg16[%multiple_of3A_76, %dma_wait3A] : memref<10000x128xf32, #tpu.memory_space<vmem_shared>> -> memref<48x128xf32, #tpu.memory_space<vmem_shared>>
      %dma_wait3A_189 = arith.constant 0 : i32
      %dma_wait3A_190 = tpu.memref_slice %arg16[%multiple_of3A_76, %dma_wait3A_189] : memref<10000x128xf32, #tpu.memory_space<vmem_shared>> -> memref<48x128xf32, #tpu.memory_space<vmem_shared>>
      tpu.wait_dma2 semaphore(%run_scoped3A : memref<!tpu.dma_semaphore, #tpu.memory_space<semaphore_mem>>) src(%arg15 : memref<48x128xf32, #tpu.memory_space<vmem>>) dst(%dma_wait3A_190 : memref<48x128xf32, #tpu.memory_space<vmem_shared>>)
      tpu.yield
    }) : () -> ()
    %mul3A_77 = arith.constant 10000 : i32
    %mul3A_78 = arith.muli %arg0, %mul3A_77 : i32
    %add3A_79 = arith.addi %mul3A_78, %mul3A_13 : i32
    %add3A_80 = arith.constant 336 : i32
    %add3A_81 = arith.addi %add3A_79, %add3A_80 : i32
    %multiple_of3A_82 = tpu.assume_multiple %add3A_81, 8 : i32
    %add3A_83 = arith.constant 336 : i32
    %add3A_84 = arith.addi %mul3A_13, %add3A_83 : i32
    %multiple_of3A_85 = tpu.assume_multiple %add3A_84, 8 : i32
    "tpu.region"() ({
      %run_scoped3A = tpu.sem_alloc : memref<!tpu.dma_semaphore, #tpu.memory_space<semaphore_mem>>
      %dma_start3A = arith.constant 0 : i32
      %dma_start3A_185 = tpu.memref_slice %arg2[%multiple_of3A_82, %dma_start3A] : memref<80000x128xf32, #tpu.memory_space<hbm>> -> memref<48x128xf32, #tpu.memory_space<hbm>>
      %dma_start3A_186 = arith.constant 0 : i32
      %dma_start3A_187 = tpu.memref_slice %arg2[%multiple_of3A_82, %dma_start3A_186] : memref<80000x128xf32, #tpu.memory_space<hbm>> -> memref<48x128xf32, #tpu.memory_space<hbm>>
      tpu.enqueue_dma source(%dma_start3A_187 : memref<48x128xf32, #tpu.memory_space<hbm>>) target(%arg15 : memref<48x128xf32, #tpu.memory_space<vmem>>) target_semaphore(%run_scoped3A : memref<!tpu.dma_semaphore, #tpu.memory_space<semaphore_mem>>)
      %dma_wait3A = arith.constant 0 : i32
      %dma_wait3A_188 = tpu.memref_slice %arg2[%multiple_of3A_82, %dma_wait3A] : memref<80000x128xf32, #tpu.memory_space<hbm>> -> memref<48x128xf32, #tpu.memory_space<hbm>>
      %dma_wait3A_189 = arith.constant 0 : i32
      %dma_wait3A_190 = tpu.memref_slice %arg2[%multiple_of3A_82, %dma_wait3A_189] : memref<80000x128xf32, #tpu.memory_space<hbm>> -> memref<48x128xf32, #tpu.memory_space<hbm>>
      tpu.wait_dma2 semaphore(%run_scoped3A : memref<!tpu.dma_semaphore, #tpu.memory_space<semaphore_mem>>) src(%dma_wait3A_190 : memref<48x128xf32, #tpu.memory_space<hbm>>) dst(%arg15 : memref<48x128xf32, #tpu.memory_space<vmem>>)
      tpu.yield
    }) : () -> ()
    "tpu.region"() ({
      %run_scoped3A = tpu.sem_alloc : memref<!tpu.dma_semaphore, #tpu.memory_space<semaphore_mem>>
      %dma_start3A = arith.constant 0 : i32
      %dma_start3A_185 = tpu.memref_slice %arg16[%multiple_of3A_85, %dma_start3A] : memref<10000x128xf32, #tpu.memory_space<vmem_shared>> -> memref<48x128xf32, #tpu.memory_space<vmem_shared>>
      %dma_start3A_186 = arith.constant 0 : i32
      %dma_start3A_187 = tpu.memref_slice %arg16[%multiple_of3A_85, %dma_start3A_186] : memref<10000x128xf32, #tpu.memory_space<vmem_shared>> -> memref<48x128xf32, #tpu.memory_space<vmem_shared>>
      tpu.enqueue_dma source(%arg15 : memref<48x128xf32, #tpu.memory_space<vmem>>) target(%dma_start3A_187 : memref<48x128xf32, #tpu.memory_space<vmem_shared>>) target_semaphore(%run_scoped3A : memref<!tpu.dma_semaphore, #tpu.memory_space<semaphore_mem>>)
      %dma_wait3A = arith.constant 0 : i32
      %dma_wait3A_188 = tpu.memref_slice %arg16[%multiple_of3A_85, %dma_wait3A] : memref<10000x128xf32, #tpu.memory_space<vmem_shared>> -> memref<48x128xf32, #tpu.memory_space<vmem_shared>>
      %dma_wait3A_189 = arith.constant 0 : i32
      %dma_wait3A_190 = tpu.memref_slice %arg16[%multiple_of3A_85, %dma_wait3A_189] : memref<10000x128xf32, #tpu.memory_space<vmem_shared>> -> memref<48x128xf32, #tpu.memory_space<vmem_shared>>
      tpu.wait_dma2 semaphore(%run_scoped3A : memref<!tpu.dma_semaphore, #tpu.memory_space<semaphore_mem>>) src(%arg15 : memref<48x128xf32, #tpu.memory_space<vmem>>) dst(%dma_wait3A_190 : memref<48x128xf32, #tpu.memory_space<vmem_shared>>)
      tpu.yield
    }) : () -> ()
    %mul3A_86 = arith.constant 10000 : i32
    %mul3A_87 = arith.muli %arg0, %mul3A_86 : i32
    %add3A_88 = arith.addi %mul3A_87, %mul3A_13 : i32
    %add3A_89 = arith.constant 384 : i32
    %add3A_90 = arith.addi %add3A_88, %add3A_89 : i32
    %multiple_of3A_91 = tpu.assume_multiple %add3A_90, 8 : i32
    %add3A_92 = arith.constant 384 : i32
    %add3A_93 = arith.addi %mul3A_13, %add3A_92 : i32
    %multiple_of3A_94 = tpu.assume_multiple %add3A_93, 8 : i32
    "tpu.region"() ({
      %run_scoped3A = tpu.sem_alloc : memref<!tpu.dma_semaphore, #tpu.memory_space<semaphore_mem>>
      %dma_start3A = arith.constant 0 : i32
      %dma_start3A_185 = tpu.memref_slice %arg2[%multiple_of3A_91, %dma_start3A] : memref<80000x128xf32, #tpu.memory_space<hbm>> -> memref<48x128xf32, #tpu.memory_space<hbm>>
      %dma_start3A_186 = arith.constant 0 : i32
      %dma_start3A_187 = tpu.memref_slice %arg2[%multiple_of3A_91, %dma_start3A_186] : memref<80000x128xf32, #tpu.memory_space<hbm>> -> memref<48x128xf32, #tpu.memory_space<hbm>>
      tpu.enqueue_dma source(%dma_start3A_187 : memref<48x128xf32, #tpu.memory_space<hbm>>) target(%arg15 : memref<48x128xf32, #tpu.memory_space<vmem>>) target_semaphore(%run_scoped3A : memref<!tpu.dma_semaphore, #tpu.memory_space<semaphore_mem>>)
      %dma_wait3A = arith.constant 0 : i32
      %dma_wait3A_188 = tpu.memref_slice %arg2[%multiple_of3A_91, %dma_wait3A] : memref<80000x128xf32, #tpu.memory_space<hbm>> -> memref<48x128xf32, #tpu.memory_space<hbm>>
      %dma_wait3A_189 = arith.constant 0 : i32
      %dma_wait3A_190 = tpu.memref_slice %arg2[%multiple_of3A_91, %dma_wait3A_189] : memref<80000x128xf32, #tpu.memory_space<hbm>> -> memref<48x128xf32, #tpu.memory_space<hbm>>
      tpu.wait_dma2 semaphore(%run_scoped3A : memref<!tpu.dma_semaphore, #tpu.memory_space<semaphore_mem>>) src(%dma_wait3A_190 : memref<48x128xf32, #tpu.memory_space<hbm>>) dst(%arg15 : memref<48x128xf32, #tpu.memory_space<vmem>>)
      tpu.yield
    }) : () -> ()
    "tpu.region"() ({
      %run_scoped3A = tpu.sem_alloc : memref<!tpu.dma_semaphore, #tpu.memory_space<semaphore_mem>>
      %dma_start3A = arith.constant 0 : i32
      %dma_start3A_185 = tpu.memref_slice %arg16[%multiple_of3A_94, %dma_start3A] : memref<10000x128xf32, #tpu.memory_space<vmem_shared>> -> memref<48x128xf32, #tpu.memory_space<vmem_shared>>
      %dma_start3A_186 = arith.constant 0 : i32
      %dma_start3A_187 = tpu.memref_slice %arg16[%multiple_of3A_94, %dma_start3A_186] : memref<10000x128xf32, #tpu.memory_space<vmem_shared>> -> memref<48x128xf32, #tpu.memory_space<vmem_shared>>
      tpu.enqueue_dma source(%arg15 : memref<48x128xf32, #tpu.memory_space<vmem>>) target(%dma_start3A_187 : memref<48x128xf32, #tpu.memory_space<vmem_shared>>) target_semaphore(%run_scoped3A : memref<!tpu.dma_semaphore, #tpu.memory_space<semaphore_mem>>)
      %dma_wait3A = arith.constant 0 : i32
      %dma_wait3A_188 = tpu.memref_slice %arg16[%multiple_of3A_94, %dma_wait3A] : memref<10000x128xf32, #tpu.memory_space<vmem_shared>> -> memref<48x128xf32, #tpu.memory_space<vmem_shared>>
      %dma_wait3A_189 = arith.constant 0 : i32
      %dma_wait3A_190 = tpu.memref_slice %arg16[%multiple_of3A_94, %dma_wait3A_189] : memref<10000x128xf32, #tpu.memory_space<vmem_shared>> -> memref<48x128xf32, #tpu.memory_space<vmem_shared>>
      tpu.wait_dma2 semaphore(%run_scoped3A : memref<!tpu.dma_semaphore, #tpu.memory_space<semaphore_mem>>) src(%arg15 : memref<48x128xf32, #tpu.memory_space<vmem>>) dst(%dma_wait3A_190 : memref<48x128xf32, #tpu.memory_space<vmem_shared>>)
      tpu.yield
    }) : () -> ()
    %mul3A_95 = arith.constant 10000 : i32
    %mul3A_96 = arith.muli %arg0, %mul3A_95 : i32
    %add3A_97 = arith.addi %mul3A_96, %mul3A_13 : i32
    %add3A_98 = arith.constant 432 : i32
    %add3A_99 = arith.addi %add3A_97, %add3A_98 : i32
    %multiple_of3A_100 = tpu.assume_multiple %add3A_99, 8 : i32
    %add3A_101 = arith.constant 432 : i32
    %add3A_102 = arith.addi %mul3A_13, %add3A_101 : i32
    %multiple_of3A_103 = tpu.assume_multiple %add3A_102, 8 : i32
    "tpu.region"() ({
      %run_scoped3A = tpu.sem_alloc : memref<!tpu.dma_semaphore, #tpu.memory_space<semaphore_mem>>
      %dma_start3A = arith.constant 0 : i32
      %dma_start3A_185 = tpu.memref_slice %arg2[%multiple_of3A_100, %dma_start3A] : memref<80000x128xf32, #tpu.memory_space<hbm>> -> memref<48x128xf32, #tpu.memory_space<hbm>>
      %dma_start3A_186 = arith.constant 0 : i32
      %dma_start3A_187 = tpu.memref_slice %arg2[%multiple_of3A_100, %dma_start3A_186] : memref<80000x128xf32, #tpu.memory_space<hbm>> -> memref<48x128xf32, #tpu.memory_space<hbm>>
      tpu.enqueue_dma source(%dma_start3A_187 : memref<48x128xf32, #tpu.memory_space<hbm>>) target(%arg15 : memref<48x128xf32, #tpu.memory_space<vmem>>) target_semaphore(%run_scoped3A : memref<!tpu.dma_semaphore, #tpu.memory_space<semaphore_mem>>)
      %dma_wait3A = arith.constant 0 : i32
      %dma_wait3A_188 = tpu.memref_slice %arg2[%multiple_of3A_100, %dma_wait3A] : memref<80000x128xf32, #tpu.memory_space<hbm>> -> memref<48x128xf32, #tpu.memory_space<hbm>>
      %dma_wait3A_189 = arith.constant 0 : i32
      %dma_wait3A_190 = tpu.memref_slice %arg2[%multiple_of3A_100, %dma_wait3A_189] : memref<80000x128xf32, #tpu.memory_space<hbm>> -> memref<48x128xf32, #tpu.memory_space<hbm>>
      tpu.wait_dma2 semaphore(%run_scoped3A : memref<!tpu.dma_semaphore, #tpu.memory_space<semaphore_mem>>) src(%dma_wait3A_190 : memref<48x128xf32, #tpu.memory_space<hbm>>) dst(%arg15 : memref<48x128xf32, #tpu.memory_space<vmem>>)
      tpu.yield
    }) : () -> ()
    "tpu.region"() ({
      %run_scoped3A = tpu.sem_alloc : memref<!tpu.dma_semaphore, #tpu.memory_space<semaphore_mem>>
      %dma_start3A = arith.constant 0 : i32
      %dma_start3A_185 = tpu.memref_slice %arg16[%multiple_of3A_103, %dma_start3A] : memref<10000x128xf32, #tpu.memory_space<vmem_shared>> -> memref<48x128xf32, #tpu.memory_space<vmem_shared>>
      %dma_start3A_186 = arith.constant 0 : i32
      %dma_start3A_187 = tpu.memref_slice %arg16[%multiple_of3A_103, %dma_start3A_186] : memref<10000x128xf32, #tpu.memory_space<vmem_shared>> -> memref<48x128xf32, #tpu.memory_space<vmem_shared>>
      tpu.enqueue_dma source(%arg15 : memref<48x128xf32, #tpu.memory_space<vmem>>) target(%dma_start3A_187 : memref<48x128xf32, #tpu.memory_space<vmem_shared>>) target_semaphore(%run_scoped3A : memref<!tpu.dma_semaphore, #tpu.memory_space<semaphore_mem>>)
      %dma_wait3A = arith.constant 0 : i32
      %dma_wait3A_188 = tpu.memref_slice %arg16[%multiple_of3A_103, %dma_wait3A] : memref<10000x128xf32, #tpu.memory_space<vmem_shared>> -> memref<48x128xf32, #tpu.memory_space<vmem_shared>>
      %dma_wait3A_189 = arith.constant 0 : i32
      %dma_wait3A_190 = tpu.memref_slice %arg16[%multiple_of3A_103, %dma_wait3A_189] : memref<10000x128xf32, #tpu.memory_space<vmem_shared>> -> memref<48x128xf32, #tpu.memory_space<vmem_shared>>
      tpu.wait_dma2 semaphore(%run_scoped3A : memref<!tpu.dma_semaphore, #tpu.memory_space<semaphore_mem>>) src(%arg15 : memref<48x128xf32, #tpu.memory_space<vmem>>) dst(%dma_wait3A_190 : memref<48x128xf32, #tpu.memory_space<vmem_shared>>)
      tpu.yield
    }) : () -> ()
    %mul3A_104 = arith.constant 10000 : i32
    %mul3A_105 = arith.muli %arg0, %mul3A_104 : i32
    %add3A_106 = arith.addi %mul3A_105, %mul3A_13 : i32
    %add3A_107 = arith.constant 480 : i32
    %add3A_108 = arith.addi %add3A_106, %add3A_107 : i32
    %multiple_of3A_109 = tpu.assume_multiple %add3A_108, 8 : i32
    %add3A_110 = arith.constant 480 : i32
    %add3A_111 = arith.addi %mul3A_13, %add3A_110 : i32
    %multiple_of3A_112 = tpu.assume_multiple %add3A_111, 8 : i32
    "tpu.region"() ({
      %run_scoped3A = tpu.sem_alloc : memref<!tpu.dma_semaphore, #tpu.memory_space<semaphore_mem>>
      %dma_start3A = arith.constant 0 : i32
      %dma_start3A_185 = tpu.memref_slice %arg2[%multiple_of3A_109, %dma_start3A] : memref<80000x128xf32, #tpu.memory_space<hbm>> -> memref<48x128xf32, #tpu.memory_space<hbm>>
      %dma_start3A_186 = arith.constant 0 : i32
      %dma_start3A_187 = tpu.memref_slice %arg2[%multiple_of3A_109, %dma_start3A_186] : memref<80000x128xf32, #tpu.memory_space<hbm>> -> memref<48x128xf32, #tpu.memory_space<hbm>>
      tpu.enqueue_dma source(%dma_start3A_187 : memref<48x128xf32, #tpu.memory_space<hbm>>) target(%arg15 : memref<48x128xf32, #tpu.memory_space<vmem>>) target_semaphore(%run_scoped3A : memref<!tpu.dma_semaphore, #tpu.memory_space<semaphore_mem>>)
      %dma_wait3A = arith.constant 0 : i32
      %dma_wait3A_188 = tpu.memref_slice %arg2[%multiple_of3A_109, %dma_wait3A] : memref<80000x128xf32, #tpu.memory_space<hbm>> -> memref<48x128xf32, #tpu.memory_space<hbm>>
      %dma_wait3A_189 = arith.constant 0 : i32
      %dma_wait3A_190 = tpu.memref_slice %arg2[%multiple_of3A_109, %dma_wait3A_189] : memref<80000x128xf32, #tpu.memory_space<hbm>> -> memref<48x128xf32, #tpu.memory_space<hbm>>
      tpu.wait_dma2 semaphore(%run_scoped3A : memref<!tpu.dma_semaphore, #tpu.memory_space<semaphore_mem>>) src(%dma_wait3A_190 : memref<48x128xf32, #tpu.memory_space<hbm>>) dst(%arg15 : memref<48x128xf32, #tpu.memory_space<vmem>>)
      tpu.yield
    }) : () -> ()
    "tpu.region"() ({
      %run_scoped3A = tpu.sem_alloc : memref<!tpu.dma_semaphore, #tpu.memory_space<semaphore_mem>>
      %dma_start3A = arith.constant 0 : i32
      %dma_start3A_185 = tpu.memref_slice %arg16[%multiple_of3A_112, %dma_start3A] : memref<10000x128xf32, #tpu.memory_space<vmem_shared>> -> memref<48x128xf32, #tpu.memory_space<vmem_shared>>
      %dma_start3A_186 = arith.constant 0 : i32
      %dma_start3A_187 = tpu.memref_slice %arg16[%multiple_of3A_112, %dma_start3A_186] : memref<10000x128xf32, #tpu.memory_space<vmem_shared>> -> memref<48x128xf32, #tpu.memory_space<vmem_shared>>
      tpu.enqueue_dma source(%arg15 : memref<48x128xf32, #tpu.memory_space<vmem>>) target(%dma_start3A_187 : memref<48x128xf32, #tpu.memory_space<vmem_shared>>) target_semaphore(%run_scoped3A : memref<!tpu.dma_semaphore, #tpu.memory_space<semaphore_mem>>)
      %dma_wait3A = arith.constant 0 : i32
      %dma_wait3A_188 = tpu.memref_slice %arg16[%multiple_of3A_112, %dma_wait3A] : memref<10000x128xf32, #tpu.memory_space<vmem_shared>> -> memref<48x128xf32, #tpu.memory_space<vmem_shared>>
      %dma_wait3A_189 = arith.constant 0 : i32
      %dma_wait3A_190 = tpu.memref_slice %arg16[%multiple_of3A_112, %dma_wait3A_189] : memref<10000x128xf32, #tpu.memory_space<vmem_shared>> -> memref<48x128xf32, #tpu.memory_space<vmem_shared>>
      tpu.wait_dma2 semaphore(%run_scoped3A : memref<!tpu.dma_semaphore, #tpu.memory_space<semaphore_mem>>) src(%arg15 : memref<48x128xf32, #tpu.memory_space<vmem>>) dst(%dma_wait3A_190 : memref<48x128xf32, #tpu.memory_space<vmem_shared>>)
      tpu.yield
    }) : () -> ()
    %mul3A_113 = arith.constant 10000 : i32
    %mul3A_114 = arith.muli %arg0, %mul3A_113 : i32
    %add3A_115 = arith.addi %mul3A_114, %mul3A_13 : i32
    %add3A_116 = arith.constant 528 : i32
    %add3A_117 = arith.addi %add3A_115, %add3A_116 : i32
    %multiple_of3A_118 = tpu.assume_multiple %add3A_117, 8 : i32
    %add3A_119 = arith.constant 528 : i32
    %add3A_120 = arith.addi %mul3A_13, %add3A_119 : i32
    %multiple_of3A_121 = tpu.assume_multiple %add3A_120, 8 : i32
    "tpu.region"() ({
      %run_scoped3A = tpu.sem_alloc : memref<!tpu.dma_semaphore, #tpu.memory_space<semaphore_mem>>
      %dma_start3A = arith.constant 0 : i32
      %dma_start3A_185 = tpu.memref_slice %arg2[%multiple_of3A_118, %dma_start3A] : memref<80000x128xf32, #tpu.memory_space<hbm>> -> memref<48x128xf32, #tpu.memory_space<hbm>>
      %dma_start3A_186 = arith.constant 0 : i32
      %dma_start3A_187 = tpu.memref_slice %arg2[%multiple_of3A_118, %dma_start3A_186] : memref<80000x128xf32, #tpu.memory_space<hbm>> -> memref<48x128xf32, #tpu.memory_space<hbm>>
      tpu.enqueue_dma source(%dma_start3A_187 : memref<48x128xf32, #tpu.memory_space<hbm>>) target(%arg15 : memref<48x128xf32, #tpu.memory_space<vmem>>) target_semaphore(%run_scoped3A : memref<!tpu.dma_semaphore, #tpu.memory_space<semaphore_mem>>)
      %dma_wait3A = arith.constant 0 : i32
      %dma_wait3A_188 = tpu.memref_slice %arg2[%multiple_of3A_118, %dma_wait3A] : memref<80000x128xf32, #tpu.memory_space<hbm>> -> memref<48x128xf32, #tpu.memory_space<hbm>>
      %dma_wait3A_189 = arith.constant 0 : i32
      %dma_wait3A_190 = tpu.memref_slice %arg2[%multiple_of3A_118, %dma_wait3A_189] : memref<80000x128xf32, #tpu.memory_space<hbm>> -> memref<48x128xf32, #tpu.memory_space<hbm>>
      tpu.wait_dma2 semaphore(%run_scoped3A : memref<!tpu.dma_semaphore, #tpu.memory_space<semaphore_mem>>) src(%dma_wait3A_190 : memref<48x128xf32, #tpu.memory_space<hbm>>) dst(%arg15 : memref<48x128xf32, #tpu.memory_space<vmem>>)
      tpu.yield
    }) : () -> ()
    "tpu.region"() ({
      %run_scoped3A = tpu.sem_alloc : memref<!tpu.dma_semaphore, #tpu.memory_space<semaphore_mem>>
      %dma_start3A = arith.constant 0 : i32
      %dma_start3A_185 = tpu.memref_slice %arg16[%multiple_of3A_121, %dma_start3A] : memref<10000x128xf32, #tpu.memory_space<vmem_shared>> -> memref<48x128xf32, #tpu.memory_space<vmem_shared>>
      %dma_start3A_186 = arith.constant 0 : i32
      %dma_start3A_187 = tpu.memref_slice %arg16[%multiple_of3A_121, %dma_start3A_186] : memref<10000x128xf32, #tpu.memory_space<vmem_shared>> -> memref<48x128xf32, #tpu.memory_space<vmem_shared>>
      tpu.enqueue_dma source(%arg15 : memref<48x128xf32, #tpu.memory_space<vmem>>) target(%dma_start3A_187 : memref<48x128xf32, #tpu.memory_space<vmem_shared>>) target_semaphore(%run_scoped3A : memref<!tpu.dma_semaphore, #tpu.memory_space<semaphore_mem>>)
      %dma_wait3A = arith.constant 0 : i32
      %dma_wait3A_188 = tpu.memref_slice %arg16[%multiple_of3A_121, %dma_wait3A] : memref<10000x128xf32, #tpu.memory_space<vmem_shared>> -> memref<48x128xf32, #tpu.memory_space<vmem_shared>>
      %dma_wait3A_189 = arith.constant 0 : i32
      %dma_wait3A_190 = tpu.memref_slice %arg16[%multiple_of3A_121, %dma_wait3A_189] : memref<10000x128xf32, #tpu.memory_space<vmem_shared>> -> memref<48x128xf32, #tpu.memory_space<vmem_shared>>
      tpu.wait_dma2 semaphore(%run_scoped3A : memref<!tpu.dma_semaphore, #tpu.memory_space<semaphore_mem>>) src(%arg15 : memref<48x128xf32, #tpu.memory_space<vmem>>) dst(%dma_wait3A_190 : memref<48x128xf32, #tpu.memory_space<vmem_shared>>)
      tpu.yield
    }) : () -> ()
    %mul3A_122 = arith.constant 10000 : i32
    %mul3A_123 = arith.muli %arg0, %mul3A_122 : i32
    %add3A_124 = arith.addi %mul3A_123, %mul3A_13 : i32
    %add3A_125 = arith.constant 576 : i32
    %add3A_126 = arith.addi %add3A_124, %add3A_125 : i32
    %multiple_of3A_127 = tpu.assume_multiple %add3A_126, 8 : i32
    %add3A_128 = arith.constant 576 : i32
    %add3A_129 = arith.addi %mul3A_13, %add3A_128 : i32
    %multiple_of3A_130 = tpu.assume_multiple %add3A_129, 8 : i32
    "tpu.region"() ({
      %run_scoped3A = tpu.sem_alloc : memref<!tpu.dma_semaphore, #tpu.memory_space<semaphore_mem>>
      %dma_start3A = arith.constant 0 : i32
      %dma_start3A_185 = tpu.memref_slice %arg2[%multiple_of3A_127, %dma_start3A] : memref<80000x128xf32, #tpu.memory_space<hbm>> -> memref<48x128xf32, #tpu.memory_space<hbm>>
      %dma_start3A_186 = arith.constant 0 : i32
      %dma_start3A_187 = tpu.memref_slice %arg2[%multiple_of3A_127, %dma_start3A_186] : memref<80000x128xf32, #tpu.memory_space<hbm>> -> memref<48x128xf32, #tpu.memory_space<hbm>>
      tpu.enqueue_dma source(%dma_start3A_187 : memref<48x128xf32, #tpu.memory_space<hbm>>) target(%arg15 : memref<48x128xf32, #tpu.memory_space<vmem>>) target_semaphore(%run_scoped3A : memref<!tpu.dma_semaphore, #tpu.memory_space<semaphore_mem>>)
      %dma_wait3A = arith.constant 0 : i32
      %dma_wait3A_188 = tpu.memref_slice %arg2[%multiple_of3A_127, %dma_wait3A] : memref<80000x128xf32, #tpu.memory_space<hbm>> -> memref<48x128xf32, #tpu.memory_space<hbm>>
      %dma_wait3A_189 = arith.constant 0 : i32
      %dma_wait3A_190 = tpu.memref_slice %arg2[%multiple_of3A_127, %dma_wait3A_189] : memref<80000x128xf32, #tpu.memory_space<hbm>> -> memref<48x128xf32, #tpu.memory_space<hbm>>
      tpu.wait_dma2 semaphore(%run_scoped3A : memref<!tpu.dma_semaphore, #tpu.memory_space<semaphore_mem>>) src(%dma_wait3A_190 : memref<48x128xf32, #tpu.memory_space<hbm>>) dst(%arg15 : memref<48x128xf32, #tpu.memory_space<vmem>>)
      tpu.yield
    }) : () -> ()
    "tpu.region"() ({
      %run_scoped3A = tpu.sem_alloc : memref<!tpu.dma_semaphore, #tpu.memory_space<semaphore_mem>>
      %dma_start3A = arith.constant 0 : i32
      %dma_start3A_185 = tpu.memref_slice %arg16[%multiple_of3A_130, %dma_start3A] : memref<10000x128xf32, #tpu.memory_space<vmem_shared>> -> memref<48x128xf32, #tpu.memory_space<vmem_shared>>
      %dma_start3A_186 = arith.constant 0 : i32
      %dma_start3A_187 = tpu.memref_slice %arg16[%multiple_of3A_130, %dma_start3A_186] : memref<10000x128xf32, #tpu.memory_space<vmem_shared>> -> memref<48x128xf32, #tpu.memory_space<vmem_shared>>
      tpu.enqueue_dma source(%arg15 : memref<48x128xf32, #tpu.memory_space<vmem>>) target(%dma_start3A_187 : memref<48x128xf32, #tpu.memory_space<vmem_shared>>) target_semaphore(%run_scoped3A : memref<!tpu.dma_semaphore, #tpu.memory_space<semaphore_mem>>)
      %dma_wait3A = arith.constant 0 : i32
      %dma_wait3A_188 = tpu.memref_slice %arg16[%multiple_of3A_130, %dma_wait3A] : memref<10000x128xf32, #tpu.memory_space<vmem_shared>> -> memref<48x128xf32, #tpu.memory_space<vmem_shared>>
      %dma_wait3A_189 = arith.constant 0 : i32
      %dma_wait3A_190 = tpu.memref_slice %arg16[%multiple_of3A_130, %dma_wait3A_189] : memref<10000x128xf32, #tpu.memory_space<vmem_shared>> -> memref<48x128xf32, #tpu.memory_space<vmem_shared>>
      tpu.wait_dma2 semaphore(%run_scoped3A : memref<!tpu.dma_semaphore, #tpu.memory_space<semaphore_mem>>) src(%arg15 : memref<48x128xf32, #tpu.memory_space<vmem>>) dst(%dma_wait3A_190 : memref<48x128xf32, #tpu.memory_space<vmem_shared>>)
      tpu.yield
    }) : () -> ()
    %eq3A = arith.constant 15 : i32
    %eq3A_131 = arith.cmpi eq, %arg1, %eq3A : i32
    %convert_element_type3A = arith.extui %eq3A_131 : i1 to i32
    %cond3A = arith.constant 0 : i32
    %cond3A_132 = arith.cmpi ne, %convert_element_type3A, %cond3A : i32
    scf.if %cond3A_132 {
      %mul3A_185 = arith.constant 10000 : i32
      %mul3A_186 = arith.muli %arg0, %mul3A_185 : i32
      %add3A_187 = arith.constant 9984 : i32
      %add3A_188 = arith.addi %mul3A_186, %add3A_187 : i32
      %multiple_of3A_189 = tpu.assume_multiple %add3A_188, 8 : i32
      "tpu.region"() ({
        %run_scoped3A = tpu.sem_alloc : memref<!tpu.dma_semaphore, #tpu.memory_space<semaphore_mem>>
        %dma_start3A = arith.constant 0 : i32
        %dma_start3A_190 = arith.constant 0 : i32
        %dma_start3A_191 = tpu.memref_slice %arg15[%dma_start3A, %dma_start3A_190] : memref<48x128xf32, #tpu.memory_space<vmem>> -> memref<16x128xf32, #tpu.memory_space<vmem>>
        %dma_start3A_192 = arith.constant 0 : i32
        %dma_start3A_193 = tpu.memref_slice %arg2[%multiple_of3A_189, %dma_start3A_192] : memref<80000x128xf32, #tpu.memory_space<hbm>> -> memref<16x128xf32, #tpu.memory_space<hbm>>
        %dma_start3A_194 = arith.constant 0 : i32
        %dma_start3A_195 = arith.constant 0 : i32
        %dma_start3A_196 = tpu.memref_slice %arg15[%dma_start3A_194, %dma_start3A_195] : memref<48x128xf32, #tpu.memory_space<vmem>> -> memref<16x128xf32, #tpu.memory_space<vmem>>
        %dma_start3A_197 = arith.constant 0 : i32
        %dma_start3A_198 = tpu.memref_slice %arg2[%multiple_of3A_189, %dma_start3A_197] : memref<80000x128xf32, #tpu.memory_space<hbm>> -> memref<16x128xf32, #tpu.memory_space<hbm>>
        tpu.enqueue_dma source(%dma_start3A_198 : memref<16x128xf32, #tpu.memory_space<hbm>>) target(%dma_start3A_196 : memref<16x128xf32, #tpu.memory_space<vmem>>) target_semaphore(%run_scoped3A : memref<!tpu.dma_semaphore, #tpu.memory_space<semaphore_mem>>)
        %dma_wait3A = arith.constant 0 : i32
        %dma_wait3A_199 = arith.constant 0 : i32
        %dma_wait3A_200 = tpu.memref_slice %arg15[%dma_wait3A, %dma_wait3A_199] : memref<48x128xf32, #tpu.memory_space<vmem>> -> memref<16x128xf32, #tpu.memory_space<vmem>>
        %dma_wait3A_201 = arith.constant 0 : i32
        %dma_wait3A_202 = tpu.memref_slice %arg2[%multiple_of3A_189, %dma_wait3A_201] : memref<80000x128xf32, #tpu.memory_space<hbm>> -> memref<16x128xf32, #tpu.memory_space<hbm>>
        %dma_wait3A_203 = arith.constant 0 : i32
        %dma_wait3A_204 = arith.constant 0 : i32
        %dma_wait3A_205 = tpu.memref_slice %arg15[%dma_wait3A_203, %dma_wait3A_204] : memref<48x128xf32, #tpu.memory_space<vmem>> -> memref<16x128xf32, #tpu.memory_space<vmem>>
        %dma_wait3A_206 = arith.constant 0 : i32
        %dma_wait3A_207 = tpu.memref_slice %arg2[%multiple_of3A_189, %dma_wait3A_206] : memref<80000x128xf32, #tpu.memory_space<hbm>> -> memref<16x128xf32, #tpu.memory_space<hbm>>
        tpu.wait_dma2 semaphore(%run_scoped3A : memref<!tpu.dma_semaphore, #tpu.memory_space<semaphore_mem>>) src(%dma_wait3A_207 : memref<16x128xf32, #tpu.memory_space<hbm>>) dst(%dma_wait3A_205 : memref<16x128xf32, #tpu.memory_space<vmem>>)
        tpu.yield
      }) : () -> ()
      "tpu.region"() ({
        %run_scoped3A = tpu.sem_alloc : memref<!tpu.dma_semaphore, #tpu.memory_space<semaphore_mem>>
        %dma_start3A = arith.constant 0 : i32
        %dma_start3A_190 = arith.constant 0 : i32
        %dma_start3A_191 = tpu.memref_slice %arg15[%dma_start3A, %dma_start3A_190] : memref<48x128xf32, #tpu.memory_space<vmem>> -> memref<16x128xf32, #tpu.memory_space<vmem>>
        %dma_start3A_192 = arith.constant 9984 : i32
        %dma_start3A_193 = arith.constant 0 : i32
        %dma_start3A_194 = tpu.memref_slice %arg16[%dma_start3A_192, %dma_start3A_193] : memref<10000x128xf32, #tpu.memory_space<vmem_shared>> -> memref<16x128xf32, #tpu.memory_space<vmem_shared>>
        %dma_start3A_195 = arith.constant 9984 : i32
        %dma_start3A_196 = arith.constant 0 : i32
        %dma_start3A_197 = tpu.memref_slice %arg16[%dma_start3A_195, %dma_start3A_196] : memref<10000x128xf32, #tpu.memory_space<vmem_shared>> -> memref<16x128xf32, #tpu.memory_space<vmem_shared>>
        %dma_start3A_198 = arith.constant 0 : i32
        %dma_start3A_199 = arith.constant 0 : i32
        %dma_start3A_200 = tpu.memref_slice %arg15[%dma_start3A_198, %dma_start3A_199] : memref<48x128xf32, #tpu.memory_space<vmem>> -> memref<16x128xf32, #tpu.memory_space<vmem>>
        tpu.enqueue_dma source(%dma_start3A_200 : memref<16x128xf32, #tpu.memory_space<vmem>>) target(%dma_start3A_197 : memref<16x128xf32, #tpu.memory_space<vmem_shared>>) target_semaphore(%run_scoped3A : memref<!tpu.dma_semaphore, #tpu.memory_space<semaphore_mem>>)
        %dma_wait3A = arith.constant 0 : i32
        %dma_wait3A_201 = arith.constant 0 : i32
        %dma_wait3A_202 = tpu.memref_slice %arg15[%dma_wait3A, %dma_wait3A_201] : memref<48x128xf32, #tpu.memory_space<vmem>> -> memref<16x128xf32, #tpu.memory_space<vmem>>
        %dma_wait3A_203 = arith.constant 9984 : i32
        %dma_wait3A_204 = arith.constant 0 : i32
        %dma_wait3A_205 = tpu.memref_slice %arg16[%dma_wait3A_203, %dma_wait3A_204] : memref<10000x128xf32, #tpu.memory_space<vmem_shared>> -> memref<16x128xf32, #tpu.memory_space<vmem_shared>>
        %dma_wait3A_206 = arith.constant 9984 : i32
        %dma_wait3A_207 = arith.constant 0 : i32
        %dma_wait3A_208 = tpu.memref_slice %arg16[%dma_wait3A_206, %dma_wait3A_207] : memref<10000x128xf32, #tpu.memory_space<vmem_shared>> -> memref<16x128xf32, #tpu.memory_space<vmem_shared>>
        %dma_wait3A_209 = arith.constant 0 : i32
        %dma_wait3A_210 = arith.constant 0 : i32
        %dma_wait3A_211 = tpu.memref_slice %arg15[%dma_wait3A_209, %dma_wait3A_210] : memref<48x128xf32, #tpu.memory_space<vmem>> -> memref<16x128xf32, #tpu.memory_space<vmem>>
        tpu.wait_dma2 semaphore(%run_scoped3A : memref<!tpu.dma_semaphore, #tpu.memory_space<semaphore_mem>>) src(%dma_wait3A_211 : memref<16x128xf32, #tpu.memory_space<vmem>>) dst(%dma_wait3A_208 : memref<16x128xf32, #tpu.memory_space<vmem_shared>>)
        tpu.yield
      }) : () -> ()
    } else {
    }
    %barrier3A = arith.constant 0 : index
    tpu.barrier barrier_id(%barrier3A)
    %mul3A_133 = arith.constant 10000 : i32
    %mul3A_134 = arith.muli %arg1, %mul3A_133 : i32
    %scan3A = arith.constant 0 : i32
    %scan3A_135 = arith.constant 0 : i32
    %scan3A_136 = arith.constant 125 : i32
    %scan3A_137 = arith.addi %scan3A_135, %scan3A_136 : i32
    %scan3A_138 = arith.constant 1 : i32
    scf.for %scan3A_185 = %scan3A_135 to %scan3A_137 step %scan3A_138  : i32 {
      %mul3A_186 = arith.constant 80 : i32
      %mul3A_187 = arith.muli %scan3A_185, %mul3A_186 : i32
      %add3A_188 = arith.addi %mul3A_134, %mul3A_187 : i32
      %multiple_of3A_189 = tpu.assume_multiple %add3A_188, 8 : i32
      "tpu.region"() ({
        %run_scoped3A_354 = tpu.sem_alloc : memref<!tpu.dma_semaphore, #tpu.memory_space<semaphore_mem>>
        %dma_start3A_355 = arith.constant 0 : i32
        %dma_start3A_356 = arith.constant 0 : i32
        %dma_start3A_357 = tpu.memref_slice %arg4[%arg1, %scan3A_185, %dma_start3A_355, %dma_start3A_356] : memref<16x125x8x80xi32, #tpu.memory_space<hbm>> -> memref<1x1x8x80xi32, #tpu.memory_space<hbm>>
        %dma_start3A_358 = tpu.memref_squeeze %dma_start3A_357 : memref<1x1x8x80xi32, #tpu.memory_space<hbm>> -> memref<8x80xi32, #tpu.memory_space<hbm>>
        %dma_start3A_359 = arith.constant 0 : i32
        %dma_start3A_360 = arith.constant 0 : i32
        %dma_start3A_361 = tpu.memref_slice %arg4[%arg1, %scan3A_185, %dma_start3A_359, %dma_start3A_360] : memref<16x125x8x80xi32, #tpu.memory_space<hbm>> -> memref<1x1x8x80xi32, #tpu.memory_space<hbm>>
        %dma_start3A_362 = tpu.memref_squeeze %dma_start3A_361 : memref<1x1x8x80xi32, #tpu.memory_space<hbm>> -> memref<8x80xi32, #tpu.memory_space<hbm>>
        tpu.enqueue_dma source(%dma_start3A_362 : memref<8x80xi32, #tpu.memory_space<hbm>>) target(%arg7 : memref<8x80xi32, #tpu.memory_space<vmem>>) target_semaphore(%run_scoped3A_354 : memref<!tpu.dma_semaphore, #tpu.memory_space<semaphore_mem>>)
        %dma_wait3A_363 = arith.constant 0 : i32
        %dma_wait3A_364 = arith.constant 0 : i32
        %dma_wait3A_365 = tpu.memref_slice %arg4[%arg1, %scan3A_185, %dma_wait3A_363, %dma_wait3A_364] : memref<16x125x8x80xi32, #tpu.memory_space<hbm>> -> memref<1x1x8x80xi32, #tpu.memory_space<hbm>>
        %dma_wait3A_366 = tpu.memref_squeeze %dma_wait3A_365 : memref<1x1x8x80xi32, #tpu.memory_space<hbm>> -> memref<8x80xi32, #tpu.memory_space<hbm>>
        %dma_wait3A_367 = arith.constant 0 : i32
        %dma_wait3A_368 = arith.constant 0 : i32
        %dma_wait3A_369 = tpu.memref_slice %arg4[%arg1, %scan3A_185, %dma_wait3A_367, %dma_wait3A_368] : memref<16x125x8x80xi32, #tpu.memory_space<hbm>> -> memref<1x1x8x80xi32, #tpu.memory_space<hbm>>
        %dma_wait3A_370 = tpu.memref_squeeze %dma_wait3A_369 : memref<1x1x8x80xi32, #tpu.memory_space<hbm>> -> memref<8x80xi32, #tpu.memory_space<hbm>>
        tpu.wait_dma2 semaphore(%run_scoped3A_354 : memref<!tpu.dma_semaphore, #tpu.memory_space<semaphore_mem>>) src(%dma_wait3A_370 : memref<8x80xi32, #tpu.memory_space<hbm>>) dst(%arg7 : memref<8x80xi32, #tpu.memory_space<vmem>>)
        tpu.yield
      }) : () -> ()
      %get3A = arith.constant 0 : i32
      %get3A_190 = arith.index_cast %get3A : i32 to index
      %get3A_191 = arith.constant 0 : index
      %get3A_192 = tpu.vector_load %arg7[%get3A_190, %get3A_191] {strides = array<i32>} : memref<8x80xi32, #tpu.memory_space<vmem>>, vector<1x16xi32>,
      %get3A_193 = vector.shape_cast %get3A_192 : vector<1x16xi32> to vector<16xi32>
      %get3A_194 = arith.constant 1 : i32
      %get3A_195 = arith.index_cast %get3A_194 : i32 to index
      %get3A_196 = arith.constant 0 : index
      %get3A_197 = tpu.vector_load %arg7[%get3A_195, %get3A_196] {strides = array<i32>} : memref<8x80xi32, #tpu.memory_space<vmem>>, vector<1x16xi32>,
      %get3A_198 = vector.shape_cast %get3A_197 : vector<1x16xi32> to vector<16xi32>
      %add3A_199 = vector.broadcast %mul3A_3 : i32 to vector<16xi32>
      %add3A_200 = arith.addi %get3A_198, %add3A_199 : vector<16xi32>
      %swap3A = arith.constant 0 : index
      %swap3A_201 = tpu.vector_load %arg8[%swap3A] {strides = array<i32>} : memref<80xi32, #tpu.memory_space<vmem>>, vector<16xi32>,
      %swap3A_202 = vector.shape_cast %swap3A_201 : vector<16xi32> to vector<16xi32>
      %swap3A_203 = vector.shape_cast %add3A_200 : vector<16xi32> to vector<16xi32>
      tpu.vector_store %arg8[%swap3A], %swap3A_203 {strides = array<i32>} : memref<80xi32, #tpu.memory_space<vmem>>, vector<16xi32>,
      %add3A_204 = vector.broadcast %mul3A_7 : i32 to vector<16xi32>
      %add3A_205 = arith.addi %get3A_193, %add3A_204 : vector<16xi32>
      %swap3A_206 = arith.constant 0 : index
      %swap3A_207 = tpu.vector_load %arg9[%swap3A_206] {strides = array<i32>} : memref<80xi32, #tpu.memory_space<vmem>>, vector<16xi32>,
      %swap3A_208 = vector.shape_cast %swap3A_207 : vector<16xi32> to vector<16xi32>
      %swap3A_209 = vector.shape_cast %add3A_205 : vector<16xi32> to vector<16xi32>
      tpu.vector_store %arg9[%swap3A_206], %swap3A_209 {strides = array<i32>} : memref<80xi32, #tpu.memory_space<vmem>>, vector<16xi32>,
      %add3A_210 = vector.broadcast %mul3A_11 : i32 to vector<16xi32>
      %add3A_211 = arith.addi %get3A_193, %add3A_210 : vector<16xi32>
      %swap3A_212 = arith.constant 0 : index
      %swap3A_213 = tpu.vector_load %arg10[%swap3A_212] {strides = array<i32>} : memref<80xi32, #tpu.memory_space<vmem>>, vector<16xi32>,
      %swap3A_214 = vector.shape_cast %swap3A_213 : vector<16xi32> to vector<16xi32>
      %swap3A_215 = vector.shape_cast %add3A_211 : vector<16xi32> to vector<16xi32>
      tpu.vector_store %arg10[%swap3A_212], %swap3A_215 {strides = array<i32>} : memref<80xi32, #tpu.memory_space<vmem>>, vector<16xi32>,
      %get3A_216 = arith.constant 0 : i32
      %get3A_217 = arith.index_cast %get3A_216 : i32 to index
      %get3A_218 = arith.constant 16 : index
      %get3A_219 = tpu.vector_load %arg7[%get3A_217, %get3A_218] {strides = array<i32>} : memref<8x80xi32, #tpu.memory_space<vmem>>, vector<1x16xi32>,
      %get3A_220 = vector.shape_cast %get3A_219 : vector<1x16xi32> to vector<16xi32>
      %get3A_221 = arith.constant 1 : i32
      %get3A_222 = arith.index_cast %get3A_221 : i32 to index
      %get3A_223 = arith.constant 16 : index
      %get3A_224 = tpu.vector_load %arg7[%get3A_222, %get3A_223] {strides = array<i32>} : memref<8x80xi32, #tpu.memory_space<vmem>>, vector<1x16xi32>,
      %get3A_225 = vector.shape_cast %get3A_224 : vector<1x16xi32> to vector<16xi32>
      %add3A_226 = vector.broadcast %mul3A_3 : i32 to vector<16xi32>
      %add3A_227 = arith.addi %get3A_225, %add3A_226 : vector<16xi32>
      %swap3A_228 = arith.constant 16 : index
      %swap3A_229 = tpu.vector_load %arg8[%swap3A_228] {strides = array<i32>} : memref<80xi32, #tpu.memory_space<vmem>>, vector<16xi32>,
      %swap3A_230 = vector.shape_cast %swap3A_229 : vector<16xi32> to vector<16xi32>
      %swap3A_231 = vector.shape_cast %add3A_227 : vector<16xi32> to vector<16xi32>
      tpu.vector_store %arg8[%swap3A_228], %swap3A_231 {strides = array<i32>} : memref<80xi32, #tpu.memory_space<vmem>>, vector<16xi32>,
      %add3A_232 = vector.broadcast %mul3A_7 : i32 to vector<16xi32>
      %add3A_233 = arith.addi %get3A_220, %add3A_232 : vector<16xi32>
      %swap3A_234 = arith.constant 16 : index
      %swap3A_235 = tpu.vector_load %arg9[%swap3A_234] {strides = array<i32>} : memref<80xi32, #tpu.memory_space<vmem>>, vector<16xi32>,
      %swap3A_236 = vector.shape_cast %swap3A_235 : vector<16xi32> to vector<16xi32>
      %swap3A_237 = vector.shape_cast %add3A_233 : vector<16xi32> to vector<16xi32>
      tpu.vector_store %arg9[%swap3A_234], %swap3A_237 {strides = array<i32>} : memref<80xi32, #tpu.memory_space<vmem>>, vector<16xi32>,
      %add3A_238 = vector.broadcast %mul3A_11 : i32 to vector<16xi32>
      %add3A_239 = arith.addi %get3A_220, %add3A_238 : vector<16xi32>
      %swap3A_240 = arith.constant 16 : index
      %swap3A_241 = tpu.vector_load %arg10[%swap3A_240] {strides = array<i32>} : memref<80xi32, #tpu.memory_space<vmem>>, vector<16xi32>,
      %swap3A_242 = vector.shape_cast %swap3A_241 : vector<16xi32> to vector<16xi32>
      %swap3A_243 = vector.shape_cast %add3A_239 : vector<16xi32> to vector<16xi32>
      tpu.vector_store %arg10[%swap3A_240], %swap3A_243 {strides = array<i32>} : memref<80xi32, #tpu.memory_space<vmem>>, vector<16xi32>,
      %get3A_244 = arith.constant 0 : i32
      %get3A_245 = arith.index_cast %get3A_244 : i32 to index
      %get3A_246 = arith.constant 32 : index
      %get3A_247 = tpu.vector_load %arg7[%get3A_245, %get3A_246] {strides = array<i32>} : memref<8x80xi32, #tpu.memory_space<vmem>>, vector<1x16xi32>,
      %get3A_248 = vector.shape_cast %get3A_247 : vector<1x16xi32> to vector<16xi32>
      %get3A_249 = arith.constant 1 : i32
      %get3A_250 = arith.index_cast %get3A_249 : i32 to index
      %get3A_251 = arith.constant 32 : index
      %get3A_252 = tpu.vector_load %arg7[%get3A_250, %get3A_251] {strides = array<i32>} : memref<8x80xi32, #tpu.memory_space<vmem>>, vector<1x16xi32>,
      %get3A_253 = vector.shape_cast %get3A_252 : vector<1x16xi32> to vector<16xi32>
      %add3A_254 = vector.broadcast %mul3A_3 : i32 to vector<16xi32>
      %add3A_255 = arith.addi %get3A_253, %add3A_254 : vector<16xi32>
      %swap3A_256 = arith.constant 32 : index
      %swap3A_257 = tpu.vector_load %arg8[%swap3A_256] {strides = array<i32>} : memref<80xi32, #tpu.memory_space<vmem>>, vector<16xi32>,
      %swap3A_258 = vector.shape_cast %swap3A_257 : vector<16xi32> to vector<16xi32>
      %swap3A_259 = vector.shape_cast %add3A_255 : vector<16xi32> to vector<16xi32>
      tpu.vector_store %arg8[%swap3A_256], %swap3A_259 {strides = array<i32>} : memref<80xi32, #tpu.memory_space<vmem>>, vector<16xi32>,
      %add3A_260 = vector.broadcast %mul3A_7 : i32 to vector<16xi32>
      %add3A_261 = arith.addi %get3A_248, %add3A_260 : vector<16xi32>
      %swap3A_262 = arith.constant 32 : index
      %swap3A_263 = tpu.vector_load %arg9[%swap3A_262] {strides = array<i32>} : memref<80xi32, #tpu.memory_space<vmem>>, vector<16xi32>,
      %swap3A_264 = vector.shape_cast %swap3A_263 : vector<16xi32> to vector<16xi32>
      %swap3A_265 = vector.shape_cast %add3A_261 : vector<16xi32> to vector<16xi32>
      tpu.vector_store %arg9[%swap3A_262], %swap3A_265 {strides = array<i32>} : memref<80xi32, #tpu.memory_space<vmem>>, vector<16xi32>,
      %add3A_266 = vector.broadcast %mul3A_11 : i32 to vector<16xi32>
      %add3A_267 = arith.addi %get3A_248, %add3A_266 : vector<16xi32>
      %swap3A_268 = arith.constant 32 : index
      %swap3A_269 = tpu.vector_load %arg10[%swap3A_268] {strides = array<i32>} : memref<80xi32, #tpu.memory_space<vmem>>, vector<16xi32>,
      %swap3A_270 = vector.shape_cast %swap3A_269 : vector<16xi32> to vector<16xi32>
      %swap3A_271 = vector.shape_cast %add3A_267 : vector<16xi32> to vector<16xi32>
      tpu.vector_store %arg10[%swap3A_268], %swap3A_271 {strides = array<i32>} : memref<80xi32, #tpu.memory_space<vmem>>, vector<16xi32>,
      %get3A_272 = arith.constant 0 : i32
      %get3A_273 = arith.index_cast %get3A_272 : i32 to index
      %get3A_274 = arith.constant 48 : index
      %get3A_275 = tpu.vector_load %arg7[%get3A_273, %get3A_274] {strides = array<i32>} : memref<8x80xi32, #tpu.memory_space<vmem>>, vector<1x16xi32>,
      %get3A_276 = vector.shape_cast %get3A_275 : vector<1x16xi32> to vector<16xi32>
      %get3A_277 = arith.constant 1 : i32
      %get3A_278 = arith.index_cast %get3A_277 : i32 to index
      %get3A_279 = arith.constant 48 : index
      %get3A_280 = tpu.vector_load %arg7[%get3A_278, %get3A_279] {strides = array<i32>} : memref<8x80xi32, #tpu.memory_space<vmem>>, vector<1x16xi32>,
      %get3A_281 = vector.shape_cast %get3A_280 : vector<1x16xi32> to vector<16xi32>
      %add3A_282 = vector.broadcast %mul3A_3 : i32 to vector<16xi32>
      %add3A_283 = arith.addi %get3A_281, %add3A_282 : vector<16xi32>
      %swap3A_284 = arith.constant 48 : index
      %swap3A_285 = tpu.vector_load %arg8[%swap3A_284] {strides = array<i32>} : memref<80xi32, #tpu.memory_space<vmem>>, vector<16xi32>,
      %swap3A_286 = vector.shape_cast %swap3A_285 : vector<16xi32> to vector<16xi32>
      %swap3A_287 = vector.shape_cast %add3A_283 : vector<16xi32> to vector<16xi32>
      tpu.vector_store %arg8[%swap3A_284], %swap3A_287 {strides = array<i32>} : memref<80xi32, #tpu.memory_space<vmem>>, vector<16xi32>,
      %add3A_288 = vector.broadcast %mul3A_7 : i32 to vector<16xi32>
      %add3A_289 = arith.addi %get3A_276, %add3A_288 : vector<16xi32>
      %swap3A_290 = arith.constant 48 : index
      %swap3A_291 = tpu.vector_load %arg9[%swap3A_290] {strides = array<i32>} : memref<80xi32, #tpu.memory_space<vmem>>, vector<16xi32>,
      %swap3A_292 = vector.shape_cast %swap3A_291 : vector<16xi32> to vector<16xi32>
      %swap3A_293 = vector.shape_cast %add3A_289 : vector<16xi32> to vector<16xi32>
      tpu.vector_store %arg9[%swap3A_290], %swap3A_293 {strides = array<i32>} : memref<80xi32, #tpu.memory_space<vmem>>, vector<16xi32>,
      %add3A_294 = vector.broadcast %mul3A_11 : i32 to vector<16xi32>
      %add3A_295 = arith.addi %get3A_276, %add3A_294 : vector<16xi32>
      %swap3A_296 = arith.constant 48 : index
      %swap3A_297 = tpu.vector_load %arg10[%swap3A_296] {strides = array<i32>} : memref<80xi32, #tpu.memory_space<vmem>>, vector<16xi32>,
      %swap3A_298 = vector.shape_cast %swap3A_297 : vector<16xi32> to vector<16xi32>
      %swap3A_299 = vector.shape_cast %add3A_295 : vector<16xi32> to vector<16xi32>
      tpu.vector_store %arg10[%swap3A_296], %swap3A_299 {strides = array<i32>} : memref<80xi32, #tpu.memory_space<vmem>>, vector<16xi32>,
      %get3A_300 = arith.constant 0 : i32
      %get3A_301 = arith.index_cast %get3A_300 : i32 to index
      %get3A_302 = arith.constant 64 : index
      %get3A_303 = tpu.vector_load %arg7[%get3A_301, %get3A_302] {strides = array<i32>} : memref<8x80xi32, #tpu.memory_space<vmem>>, vector<1x16xi32>,
      %get3A_304 = vector.shape_cast %get3A_303 : vector<1x16xi32> to vector<16xi32>
      %get3A_305 = arith.constant 1 : i32
      %get3A_306 = arith.index_cast %get3A_305 : i32 to index
      %get3A_307 = arith.constant 64 : index
      %get3A_308 = tpu.vector_load %arg7[%get3A_306, %get3A_307] {strides = array<i32>} : memref<8x80xi32, #tpu.memory_space<vmem>>, vector<1x16xi32>,
      %get3A_309 = vector.shape_cast %get3A_308 : vector<1x16xi32> to vector<16xi32>
      %add3A_310 = vector.broadcast %mul3A_3 : i32 to vector<16xi32>
      %add3A_311 = arith.addi %get3A_309, %add3A_310 : vector<16xi32>
      %swap3A_312 = arith.constant 64 : index
      %swap3A_313 = tpu.vector_load %arg8[%swap3A_312] {strides = array<i32>} : memref<80xi32, #tpu.memory_space<vmem>>, vector<16xi32>,
      %swap3A_314 = vector.shape_cast %swap3A_313 : vector<16xi32> to vector<16xi32>
      %swap3A_315 = vector.shape_cast %add3A_311 : vector<16xi32> to vector<16xi32>
      tpu.vector_store %arg8[%swap3A_312], %swap3A_315 {strides = array<i32>} : memref<80xi32, #tpu.memory_space<vmem>>, vector<16xi32>,
      %add3A_316 = vector.broadcast %mul3A_7 : i32 to vector<16xi32>
      %add3A_317 = arith.addi %get3A_304, %add3A_316 : vector<16xi32>
      %swap3A_318 = arith.constant 64 : index
      %swap3A_319 = tpu.vector_load %arg9[%swap3A_318] {strides = array<i32>} : memref<80xi32, #tpu.memory_space<vmem>>, vector<16xi32>,
      %swap3A_320 = vector.shape_cast %swap3A_319 : vector<16xi32> to vector<16xi32>
      %swap3A_321 = vector.shape_cast %add3A_317 : vector<16xi32> to vector<16xi32>
      tpu.vector_store %arg9[%swap3A_318], %swap3A_321 {strides = array<i32>} : memref<80xi32, #tpu.memory_space<vmem>>, vector<16xi32>,
      %add3A_322 = vector.broadcast %mul3A_11 : i32 to vector<16xi32>
      %add3A_323 = arith.addi %get3A_304, %add3A_322 : vector<16xi32>
      %swap3A_324 = arith.constant 64 : index
      %swap3A_325 = tpu.vector_load %arg10[%swap3A_324] {strides = array<i32>} : memref<80xi32, #tpu.memory_space<vmem>>, vector<16xi32>,
      %swap3A_326 = vector.shape_cast %swap3A_325 : vector<16xi32> to vector<16xi32>
      %swap3A_327 = vector.shape_cast %add3A_323 : vector<16xi32> to vector<16xi32>
      tpu.vector_store %arg10[%swap3A_324], %swap3A_327 {strides = array<i32>} : memref<80xi32, #tpu.memory_space<vmem>>, vector<16xi32>,
      %dma_start3A = arith.constant 0 : i32
      %dma_start3A_328 = arith.constant 0 : i32
      %dma_start3A_329 = tpu.memref_slice %arg2[%dma_start3A, %dma_start3A_328] : memref<80000x128xf32, #tpu.memory_space<hbm>> -> memref<80000x128xf32, #tpu.memory_space<hbm>>
      tpu.enqueue_indirect_dma source(%dma_start3A_329 : memref<80000x128xf32, #tpu.memory_space<hbm>>) target(%arg11 : memref<80x128xf32, #tpu.memory_space<vmem>>) offsets(%arg8 : memref<80xi32, #tpu.memory_space<vmem>>) semaphore(%arg17 : memref<!tpu.dma_semaphore, #tpu.memory_space<semaphore_mem>>)
      %dma_start3A_330 = arith.constant 0 : i32
      %dma_start3A_331 = arith.constant 0 : i32
      %dma_start3A_332 = tpu.memref_slice %arg2[%dma_start3A_330, %dma_start3A_331] : memref<80000x128xf32, #tpu.memory_space<hbm>> -> memref<80000x128xf32, #tpu.memory_space<hbm>>
      tpu.enqueue_indirect_dma source(%dma_start3A_332 : memref<80000x128xf32, #tpu.memory_space<hbm>>) target(%arg12 : memref<80x128xf32, #tpu.memory_space<vmem>>) offsets(%arg9 : memref<80xi32, #tpu.memory_space<vmem>>) semaphore(%arg17 : memref<!tpu.dma_semaphore, #tpu.memory_space<semaphore_mem>>)
      %dma_start3A_333 = arith.constant 0 : i32
      %dma_start3A_334 = arith.constant 0 : i32
      %dma_start3A_335 = tpu.memref_slice %arg2[%dma_start3A_333, %dma_start3A_334] : memref<80000x128xf32, #tpu.memory_space<hbm>> -> memref<80000x128xf32, #tpu.memory_space<hbm>>
      tpu.enqueue_indirect_dma source(%dma_start3A_335 : memref<80000x128xf32, #tpu.memory_space<hbm>>) target(%arg13 : memref<80x128xf32, #tpu.memory_space<vmem>>) offsets(%arg10 : memref<80xi32, #tpu.memory_space<vmem>>) semaphore(%arg17 : memref<!tpu.dma_semaphore, #tpu.memory_space<semaphore_mem>>)
      %dma_start3A_336 = tpu.memref_slice %arg3[%multiple_of3A_189, %multiple_of3A] : memref<160000x256xf32, #tpu.memory_space<hbm>> -> memref<80x128xf32, #tpu.memory_space<hbm>>
      %dma_start3A_337 = tpu.memref_slice %arg3[%multiple_of3A_189, %multiple_of3A] : memref<160000x256xf32, #tpu.memory_space<hbm>> -> memref<80x128xf32, #tpu.memory_space<hbm>>
      tpu.enqueue_dma source(%dma_start3A_337 : memref<80x128xf32, #tpu.memory_space<hbm>>) target(%arg14 : memref<80x128xf32, #tpu.memory_space<vmem>>) target_semaphore(%arg17 : memref<!tpu.dma_semaphore, #tpu.memory_space<semaphore_mem>>)
      %dma_wait3A = arith.constant 0 : i32
      %dma_wait3A_338 = arith.constant 0 : i32
      %dma_wait3A_339 = tpu.memref_slice %arg2[%dma_wait3A, %dma_wait3A_338] : memref<80000x128xf32, #tpu.memory_space<hbm>> -> memref<80000x128xf32, #tpu.memory_space<hbm>>
      tpu.wait_indirect_dma semaphore(%arg17 : memref<!tpu.dma_semaphore, #tpu.memory_space<semaphore_mem>>) src(%dma_wait3A_339 : memref<80000x128xf32, #tpu.memory_space<hbm>>) dst(%arg11 : memref<80x128xf32, #tpu.memory_space<vmem>>)
      %dma_wait3A_340 = arith.constant 0 : i32
      %dma_wait3A_341 = arith.constant 0 : i32
      %dma_wait3A_342 = tpu.memref_slice %arg2[%dma_wait3A_340, %dma_wait3A_341] : memref<80000x128xf32, #tpu.memory_space<hbm>> -> memref<80000x128xf32, #tpu.memory_space<hbm>>
      tpu.wait_indirect_dma semaphore(%arg17 : memref<!tpu.dma_semaphore, #tpu.memory_space<semaphore_mem>>) src(%dma_wait3A_342 : memref<80000x128xf32, #tpu.memory_space<hbm>>) dst(%arg12 : memref<80x128xf32, #tpu.memory_space<vmem>>)
      %dma_wait3A_343 = arith.constant 0 : i32
      %dma_wait3A_344 = arith.constant 0 : i32
      %dma_wait3A_345 = tpu.memref_slice %arg2[%dma_wait3A_343, %dma_wait3A_344] : memref<80000x128xf32, #tpu.memory_space<hbm>> -> memref<80000x128xf32, #tpu.memory_space<hbm>>
      tpu.wait_indirect_dma semaphore(%arg17 : memref<!tpu.dma_semaphore, #tpu.memory_space<semaphore_mem>>) src(%dma_wait3A_345 : memref<80000x128xf32, #tpu.memory_space<hbm>>) dst(%arg13 : memref<80x128xf32, #tpu.memory_space<vmem>>)
      %dma_wait3A_346 = tpu.memref_slice %arg3[%multiple_of3A_189, %multiple_of3A] : memref<160000x256xf32, #tpu.memory_space<hbm>> -> memref<80x128xf32, #tpu.memory_space<hbm>>
      %dma_wait3A_347 = tpu.memref_slice %arg3[%multiple_of3A_189, %multiple_of3A] : memref<160000x256xf32, #tpu.memory_space<hbm>> -> memref<80x128xf32, #tpu.memory_space<hbm>>
      tpu.wait_dma2 semaphore(%arg17 : memref<!tpu.dma_semaphore, #tpu.memory_space<semaphore_mem>>) src(%dma_wait3A_347 : memref<80x128xf32, #tpu.memory_space<hbm>>) dst(%arg14 : memref<80x128xf32, #tpu.memory_space<vmem>>)
      %scan3A_348 = arith.constant 0 : i32
      %scan3A_349 = arith.constant 0 : i32
      %scan3A_350 = arith.constant 80 : i32
      %scan3A_351 = arith.addi %scan3A_349, %scan3A_350 : i32
      %scan3A_352 = arith.constant 1 : i32
      scf.for %scan3A_354 = %scan3A_349 to %scan3A_351 step %scan3A_352  : i32 {
        %get3A_355 = arith.index_cast %scan3A_354 : i32 to index
        %get3A_356 = arith.constant 0 : index
        %get3A_357 = tpu.vector_load %arg11[%get3A_355, %get3A_356] {strides = array<i32>} : memref<80x128xf32, #tpu.memory_space<vmem>>, vector<1x16xf32>,
        %get3A_358 = vector.shape_cast %get3A_357 : vector<1x16xf32> to vector<16xf32>
        %get3A_359 = arith.index_cast %scan3A_354 : i32 to index
        %get3A_360 = arith.constant 0 : index
        %get3A_361 = tpu.vector_load %arg12[%get3A_359, %get3A_360] {strides = array<i32>} : memref<80x128xf32, #tpu.memory_space<vmem>>, vector<1x16xf32>,
        %get3A_362 = vector.shape_cast %get3A_361 : vector<1x16xf32> to vector<16xf32>
        %add3A_363 = arith.addf %get3A_358, %get3A_362 : vector<16xf32>
        %get3A_364 = arith.index_cast %scan3A_354 : i32 to index
        %get3A_365 = arith.constant 0 : index
        %get3A_366 = tpu.vector_load %arg14[%get3A_364, %get3A_365] {strides = array<i32>} : memref<80x128xf32, #tpu.memory_space<vmem>>, vector<1x16xf32>,
        %get3A_367 = vector.shape_cast %get3A_366 : vector<1x16xf32> to vector<16xf32>
        %add3A_368 = arith.addf %add3A_363, %get3A_367 : vector<16xf32>
        %swap3A_369 = arith.index_cast %scan3A_354 : i32 to index
        %swap3A_370 = arith.constant 0 : index
        %swap3A_371 = tpu.vector_load %arg11[%swap3A_369, %swap3A_370] {strides = array<i32>} : memref<80x128xf32, #tpu.memory_space<vmem>>, vector<1x16xf32>,
        %swap3A_372 = vector.shape_cast %swap3A_371 : vector<1x16xf32> to vector<16xf32>
        %swap3A_373 = vector.shape_cast %add3A_368 : vector<16xf32> to vector<1x16xf32>
        tpu.vector_store %arg11[%swap3A_369, %swap3A_370], %swap3A_373 {strides = array<i32>} : memref<80x128xf32, #tpu.memory_space<vmem>>, vector<1x16xf32>,
        %neg3A = arith.constant 0.000000e+00 : f32
        %neg3A_374 = vector.broadcast %neg3A : f32 to vector<16xf32>
        %neg3A_375 = arith.subf %neg3A_374, %add3A_368 : vector<16xf32>
        %exp3A = math.exp %neg3A_375 : vector<16xf32>
        %add3A_376 = arith.constant 1.000000e+00 : f32
        %add3A_377 = vector.broadcast %add3A_376 : f32 to vector<16xf32>
        %add3A_378 = arith.addf %add3A_377, %exp3A : vector<16xf32>
        %div3A = arith.constant 1.000000e+00 : f32
        %div3A_379 = vector.broadcast %div3A : f32 to vector<16xf32>
        %div3A_380 = arith.divf %div3A_379, %add3A_378 : vector<16xf32>
        %get3A_381 = arith.index_cast %scan3A_354 : i32 to index
        %get3A_382 = arith.constant 0 : index
        %get3A_383 = tpu.vector_load %arg13[%get3A_381, %get3A_382] {strides = array<i32>} : memref<80x128xf32, #tpu.memory_space<vmem>>, vector<1x16xf32>,
        %get3A_384 = vector.shape_cast %get3A_383 : vector<1x16xf32> to vector<16xf32>
        %mul3A_385 = arith.mulf %div3A_380, %get3A_384 : vector<16xf32>
        %swap3A_386 = arith.index_cast %scan3A_354 : i32 to index
        %swap3A_387 = arith.constant 0 : index
        %swap3A_388 = tpu.vector_load %arg13[%swap3A_386, %swap3A_387] {strides = array<i32>} : memref<80x128xf32, #tpu.memory_space<vmem>>, vector<1x16xf32>,
        %swap3A_389 = vector.shape_cast %swap3A_388 : vector<1x16xf32> to vector<16xf32>
        %swap3A_390 = vector.shape_cast %mul3A_385 : vector<16xf32> to vector<1x16xf32>
        tpu.vector_store %arg13[%swap3A_386, %swap3A_387], %swap3A_390 {strides = array<i32>} : memref<80x128xf32, #tpu.memory_space<vmem>>, vector<1x16xf32>,
        %get3A_391 = arith.index_cast %scan3A_354 : i32 to index
        %get3A_392 = arith.constant 16 : index
        %get3A_393 = tpu.vector_load %arg11[%get3A_391, %get3A_392] {strides = array<i32>} : memref<80x128xf32, #tpu.memory_space<vmem>>, vector<1x16xf32>,
        %get3A_394 = vector.shape_cast %get3A_393 : vector<1x16xf32> to vector<16xf32>
        %get3A_395 = arith.index_cast %scan3A_354 : i32 to index
        %get3A_396 = arith.constant 16 : index
        %get3A_397 = tpu.vector_load %arg12[%get3A_395, %get3A_396] {strides = array<i32>} : memref<80x128xf32, #tpu.memory_space<vmem>>, vector<1x16xf32>,
        %get3A_398 = vector.shape_cast %get3A_397 : vector<1x16xf32> to vector<16xf32>
        %add3A_399 = arith.addf %get3A_394, %get3A_398 : vector<16xf32>
        %get3A_400 = arith.index_cast %scan3A_354 : i32 to index
        %get3A_401 = arith.constant 16 : index
        %get3A_402 = tpu.vector_load %arg14[%get3A_400, %get3A_401] {strides = array<i32>} : memref<80x128xf32, #tpu.memory_space<vmem>>, vector<1x16xf32>,
        %get3A_403 = vector.shape_cast %get3A_402 : vector<1x16xf32> to vector<16xf32>
        %add3A_404 = arith.addf %add3A_399, %get3A_403 : vector<16xf32>
        %swap3A_405 = arith.index_cast %scan3A_354 : i32 to index
        %swap3A_406 = arith.constant 16 : index
        %swap3A_407 = tpu.vector_load %arg11[%swap3A_405, %swap3A_406] {strides = array<i32>} : memref<80x128xf32, #tpu.memory_space<vmem>>, vector<1x16xf32>,
        %swap3A_408 = vector.shape_cast %swap3A_407 : vector<1x16xf32> to vector<16xf32>
        %swap3A_409 = vector.shape_cast %add3A_404 : vector<16xf32> to vector<1x16xf32>
        tpu.vector_store %arg11[%swap3A_405, %swap3A_406], %swap3A_409 {strides = array<i32>} : memref<80x128xf32, #tpu.memory_space<vmem>>, vector<1x16xf32>,
        %neg3A_410 = arith.constant 0.000000e+00 : f32
        %neg3A_411 = vector.broadcast %neg3A_410 : f32 to vector<16xf32>
        %neg3A_412 = arith.subf %neg3A_411, %add3A_404 : vector<16xf32>
        %exp3A_413 = math.exp %neg3A_412 : vector<16xf32>
        %add3A_414 = arith.constant 1.000000e+00 : f32
        %add3A_415 = vector.broadcast %add3A_414 : f32 to vector<16xf32>
        %add3A_416 = arith.addf %add3A_415, %exp3A_413 : vector<16xf32>
        %div3A_417 = arith.constant 1.000000e+00 : f32
        %div3A_418 = vector.broadcast %div3A_417 : f32 to vector<16xf32>
        %div3A_419 = arith.divf %div3A_418, %add3A_416 : vector<16xf32>
        %get3A_420 = arith.index_cast %scan3A_354 : i32 to index
        %get3A_421 = arith.constant 16 : index
        %get3A_422 = tpu.vector_load %arg13[%get3A_420, %get3A_421] {strides = array<i32>} : memref<80x128xf32, #tpu.memory_space<vmem>>, vector<1x16xf32>,
        %get3A_423 = vector.shape_cast %get3A_422 : vector<1x16xf32> to vector<16xf32>
        %mul3A_424 = arith.mulf %div3A_419, %get3A_423 : vector<16xf32>
        %swap3A_425 = arith.index_cast %scan3A_354 : i32 to index
        %swap3A_426 = arith.constant 16 : index
        %swap3A_427 = tpu.vector_load %arg13[%swap3A_425, %swap3A_426] {strides = array<i32>} : memref<80x128xf32, #tpu.memory_space<vmem>>, vector<1x16xf32>,
        %swap3A_428 = vector.shape_cast %swap3A_427 : vector<1x16xf32> to vector<16xf32>
        %swap3A_429 = vector.shape_cast %mul3A_424 : vector<16xf32> to vector<1x16xf32>
        tpu.vector_store %arg13[%swap3A_425, %swap3A_426], %swap3A_429 {strides = array<i32>} : memref<80x128xf32, #tpu.memory_space<vmem>>, vector<1x16xf32>,
        %get3A_430 = arith.index_cast %scan3A_354 : i32 to index
        %get3A_431 = arith.constant 32 : index
        %get3A_432 = tpu.vector_load %arg11[%get3A_430, %get3A_431] {strides = array<i32>} : memref<80x128xf32, #tpu.memory_space<vmem>>, vector<1x16xf32>,
        %get3A_433 = vector.shape_cast %get3A_432 : vector<1x16xf32> to vector<16xf32>
        %get3A_434 = arith.index_cast %scan3A_354 : i32 to index
        %get3A_435 = arith.constant 32 : index
        %get3A_436 = tpu.vector_load %arg12[%get3A_434, %get3A_435] {strides = array<i32>} : memref<80x128xf32, #tpu.memory_space<vmem>>, vector<1x16xf32>,
        %get3A_437 = vector.shape_cast %get3A_436 : vector<1x16xf32> to vector<16xf32>
        %add3A_438 = arith.addf %get3A_433, %get3A_437 : vector<16xf32>
        %get3A_439 = arith.index_cast %scan3A_354 : i32 to index
        %get3A_440 = arith.constant 32 : index
        %get3A_441 = tpu.vector_load %arg14[%get3A_439, %get3A_440] {strides = array<i32>} : memref<80x128xf32, #tpu.memory_space<vmem>>, vector<1x16xf32>,
        %get3A_442 = vector.shape_cast %get3A_441 : vector<1x16xf32> to vector<16xf32>
        %add3A_443 = arith.addf %add3A_438, %get3A_442 : vector<16xf32>
        %swap3A_444 = arith.index_cast %scan3A_354 : i32 to index
        %swap3A_445 = arith.constant 32 : index
        %swap3A_446 = tpu.vector_load %arg11[%swap3A_444, %swap3A_445] {strides = array<i32>} : memref<80x128xf32, #tpu.memory_space<vmem>>, vector<1x16xf32>,
        %swap3A_447 = vector.shape_cast %swap3A_446 : vector<1x16xf32> to vector<16xf32>
        %swap3A_448 = vector.shape_cast %add3A_443 : vector<16xf32> to vector<1x16xf32>
        tpu.vector_store %arg11[%swap3A_444, %swap3A_445], %swap3A_448 {strides = array<i32>} : memref<80x128xf32, #tpu.memory_space<vmem>>, vector<1x16xf32>,
        %neg3A_449 = arith.constant 0.000000e+00 : f32
        %neg3A_450 = vector.broadcast %neg3A_449 : f32 to vector<16xf32>
        %neg3A_451 = arith.subf %neg3A_450, %add3A_443 : vector<16xf32>
        %exp3A_452 = math.exp %neg3A_451 : vector<16xf32>
        %add3A_453 = arith.constant 1.000000e+00 : f32
        %add3A_454 = vector.broadcast %add3A_453 : f32 to vector<16xf32>
        %add3A_455 = arith.addf %add3A_454, %exp3A_452 : vector<16xf32>
        %div3A_456 = arith.constant 1.000000e+00 : f32
        %div3A_457 = vector.broadcast %div3A_456 : f32 to vector<16xf32>
        %div3A_458 = arith.divf %div3A_457, %add3A_455 : vector<16xf32>
        %get3A_459 = arith.index_cast %scan3A_354 : i32 to index
        %get3A_460 = arith.constant 32 : index
        %get3A_461 = tpu.vector_load %arg13[%get3A_459, %get3A_460] {strides = array<i32>} : memref<80x128xf32, #tpu.memory_space<vmem>>, vector<1x16xf32>,
        %get3A_462 = vector.shape_cast %get3A_461 : vector<1x16xf32> to vector<16xf32>
        %mul3A_463 = arith.mulf %div3A_458, %get3A_462 : vector<16xf32>
        %swap3A_464 = arith.index_cast %scan3A_354 : i32 to index
        %swap3A_465 = arith.constant 32 : index
        %swap3A_466 = tpu.vector_load %arg13[%swap3A_464, %swap3A_465] {strides = array<i32>} : memref<80x128xf32, #tpu.memory_space<vmem>>, vector<1x16xf32>,
        %swap3A_467 = vector.shape_cast %swap3A_466 : vector<1x16xf32> to vector<16xf32>
        %swap3A_468 = vector.shape_cast %mul3A_463 : vector<16xf32> to vector<1x16xf32>
        tpu.vector_store %arg13[%swap3A_464, %swap3A_465], %swap3A_468 {strides = array<i32>} : memref<80x128xf32, #tpu.memory_space<vmem>>, vector<1x16xf32>,
        %get3A_469 = arith.index_cast %scan3A_354 : i32 to index
        %get3A_470 = arith.constant 48 : index
        %get3A_471 = tpu.vector_load %arg11[%get3A_469, %get3A_470] {strides = array<i32>} : memref<80x128xf32, #tpu.memory_space<vmem>>, vector<1x16xf32>,
        %get3A_472 = vector.shape_cast %get3A_471 : vector<1x16xf32> to vector<16xf32>
        %get3A_473 = arith.index_cast %scan3A_354 : i32 to index
        %get3A_474 = arith.constant 48 : index
        %get3A_475 = tpu.vector_load %arg12[%get3A_473, %get3A_474] {strides = array<i32>} : memref<80x128xf32, #tpu.memory_space<vmem>>, vector<1x16xf32>,
        %get3A_476 = vector.shape_cast %get3A_475 : vector<1x16xf32> to vector<16xf32>
        %add3A_477 = arith.addf %get3A_472, %get3A_476 : vector<16xf32>
        %get3A_478 = arith.index_cast %scan3A_354 : i32 to index
        %get3A_479 = arith.constant 48 : index
        %get3A_480 = tpu.vector_load %arg14[%get3A_478, %get3A_479] {strides = array<i32>} : memref<80x128xf32, #tpu.memory_space<vmem>>, vector<1x16xf32>,
        %get3A_481 = vector.shape_cast %get3A_480 : vector<1x16xf32> to vector<16xf32>
        %add3A_482 = arith.addf %add3A_477, %get3A_481 : vector<16xf32>
        %swap3A_483 = arith.index_cast %scan3A_354 : i32 to index
        %swap3A_484 = arith.constant 48 : index
        %swap3A_485 = tpu.vector_load %arg11[%swap3A_483, %swap3A_484] {strides = array<i32>} : memref<80x128xf32, #tpu.memory_space<vmem>>, vector<1x16xf32>,
        %swap3A_486 = vector.shape_cast %swap3A_485 : vector<1x16xf32> to vector<16xf32>
        %swap3A_487 = vector.shape_cast %add3A_482 : vector<16xf32> to vector<1x16xf32>
        tpu.vector_store %arg11[%swap3A_483, %swap3A_484], %swap3A_487 {strides = array<i32>} : memref<80x128xf32, #tpu.memory_space<vmem>>, vector<1x16xf32>,
        %neg3A_488 = arith.constant 0.000000e+00 : f32
        %neg3A_489 = vector.broadcast %neg3A_488 : f32 to vector<16xf32>
        %neg3A_490 = arith.subf %neg3A_489, %add3A_482 : vector<16xf32>
        %exp3A_491 = math.exp %neg3A_490 : vector<16xf32>
        %add3A_492 = arith.constant 1.000000e+00 : f32
        %add3A_493 = vector.broadcast %add3A_492 : f32 to vector<16xf32>
        %add3A_494 = arith.addf %add3A_493, %exp3A_491 : vector<16xf32>
        %div3A_495 = arith.constant 1.000000e+00 : f32
        %div3A_496 = vector.broadcast %div3A_495 : f32 to vector<16xf32>
        %div3A_497 = arith.divf %div3A_496, %add3A_494 : vector<16xf32>
        %get3A_498 = arith.index_cast %scan3A_354 : i32 to index
        %get3A_499 = arith.constant 48 : index
        %get3A_500 = tpu.vector_load %arg13[%get3A_498, %get3A_499] {strides = array<i32>} : memref<80x128xf32, #tpu.memory_space<vmem>>, vector<1x16xf32>,
        %get3A_501 = vector.shape_cast %get3A_500 : vector<1x16xf32> to vector<16xf32>
        %mul3A_502 = arith.mulf %div3A_497, %get3A_501 : vector<16xf32>
        %swap3A_503 = arith.index_cast %scan3A_354 : i32 to index
        %swap3A_504 = arith.constant 48 : index
        %swap3A_505 = tpu.vector_load %arg13[%swap3A_503, %swap3A_504] {strides = array<i32>} : memref<80x128xf32, #tpu.memory_space<vmem>>, vector<1x16xf32>,
        %swap3A_506 = vector.shape_cast %swap3A_505 : vector<1x16xf32> to vector<16xf32>
        %swap3A_507 = vector.shape_cast %mul3A_502 : vector<16xf32> to vector<1x16xf32>
        tpu.vector_store %arg13[%swap3A_503, %swap3A_504], %swap3A_507 {strides = array<i32>} : memref<80x128xf32, #tpu.memory_space<vmem>>, vector<1x16xf32>,
        %get3A_508 = arith.index_cast %scan3A_354 : i32 to index
        %get3A_509 = arith.constant 64 : index
        %get3A_510 = tpu.vector_load %arg11[%get3A_508, %get3A_509] {strides = array<i32>} : memref<80x128xf32, #tpu.memory_space<vmem>>, vector<1x16xf32>,
        %get3A_511 = vector.shape_cast %get3A_510 : vector<1x16xf32> to vector<16xf32>
        %get3A_512 = arith.index_cast %scan3A_354 : i32 to index
        %get3A_513 = arith.constant 64 : index
        %get3A_514 = tpu.vector_load %arg12[%get3A_512, %get3A_513] {strides = array<i32>} : memref<80x128xf32, #tpu.memory_space<vmem>>, vector<1x16xf32>,
        %get3A_515 = vector.shape_cast %get3A_514 : vector<1x16xf32> to vector<16xf32>
        %add3A_516 = arith.addf %get3A_511, %get3A_515 : vector<16xf32>
        %get3A_517 = arith.index_cast %scan3A_354 : i32 to index
        %get3A_518 = arith.constant 64 : index
        %get3A_519 = tpu.vector_load %arg14[%get3A_517, %get3A_518] {strides = array<i32>} : memref<80x128xf32, #tpu.memory_space<vmem>>, vector<1x16xf32>,
        %get3A_520 = vector.shape_cast %get3A_519 : vector<1x16xf32> to vector<16xf32>
        %add3A_521 = arith.addf %add3A_516, %get3A_520 : vector<16xf32>
        %swap3A_522 = arith.index_cast %scan3A_354 : i32 to index
        %swap3A_523 = arith.constant 64 : index
        %swap3A_524 = tpu.vector_load %arg11[%swap3A_522, %swap3A_523] {strides = array<i32>} : memref<80x128xf32, #tpu.memory_space<vmem>>, vector<1x16xf32>,
        %swap3A_525 = vector.shape_cast %swap3A_524 : vector<1x16xf32> to vector<16xf32>
        %swap3A_526 = vector.shape_cast %add3A_521 : vector<16xf32> to vector<1x16xf32>
        tpu.vector_store %arg11[%swap3A_522, %swap3A_523], %swap3A_526 {strides = array<i32>} : memref<80x128xf32, #tpu.memory_space<vmem>>, vector<1x16xf32>,
        %neg3A_527 = arith.constant 0.000000e+00 : f32
        %neg3A_528 = vector.broadcast %neg3A_527 : f32 to vector<16xf32>
        %neg3A_529 = arith.subf %neg3A_528, %add3A_521 : vector<16xf32>
        %exp3A_530 = math.exp %neg3A_529 : vector<16xf32>
        %add3A_531 = arith.constant 1.000000e+00 : f32
        %add3A_532 = vector.broadcast %add3A_531 : f32 to vector<16xf32>
        %add3A_533 = arith.addf %add3A_532, %exp3A_530 : vector<16xf32>
        %div3A_534 = arith.constant 1.000000e+00 : f32
        %div3A_535 = vector.broadcast %div3A_534 : f32 to vector<16xf32>
        %div3A_536 = arith.divf %div3A_535, %add3A_533 : vector<16xf32>
        %get3A_537 = arith.index_cast %scan3A_354 : i32 to index
        %get3A_538 = arith.constant 64 : index
        %get3A_539 = tpu.vector_load %arg13[%get3A_537, %get3A_538] {strides = array<i32>} : memref<80x128xf32, #tpu.memory_space<vmem>>, vector<1x16xf32>,
        %get3A_540 = vector.shape_cast %get3A_539 : vector<1x16xf32> to vector<16xf32>
        %mul3A_541 = arith.mulf %div3A_536, %get3A_540 : vector<16xf32>
        %swap3A_542 = arith.index_cast %scan3A_354 : i32 to index
        %swap3A_543 = arith.constant 64 : index
        %swap3A_544 = tpu.vector_load %arg13[%swap3A_542, %swap3A_543] {strides = array<i32>} : memref<80x128xf32, #tpu.memory_space<vmem>>, vector<1x16xf32>,
        %swap3A_545 = vector.shape_cast %swap3A_544 : vector<1x16xf32> to vector<16xf32>
        %swap3A_546 = vector.shape_cast %mul3A_541 : vector<16xf32> to vector<1x16xf32>
        tpu.vector_store %arg13[%swap3A_542, %swap3A_543], %swap3A_546 {strides = array<i32>} : memref<80x128xf32, #tpu.memory_space<vmem>>, vector<1x16xf32>,
        %get3A_547 = arith.index_cast %scan3A_354 : i32 to index
        %get3A_548 = arith.constant 80 : index
        %get3A_549 = tpu.vector_load %arg11[%get3A_547, %get3A_548] {strides = array<i32>} : memref<80x128xf32, #tpu.memory_space<vmem>>, vector<1x16xf32>,
        %get3A_550 = vector.shape_cast %get3A_549 : vector<1x16xf32> to vector<16xf32>
        %get3A_551 = arith.index_cast %scan3A_354 : i32 to index
        %get3A_552 = arith.constant 80 : index
        %get3A_553 = tpu.vector_load %arg12[%get3A_551, %get3A_552] {strides = array<i32>} : memref<80x128xf32, #tpu.memory_space<vmem>>, vector<1x16xf32>,
        %get3A_554 = vector.shape_cast %get3A_553 : vector<1x16xf32> to vector<16xf32>
        %add3A_555 = arith.addf %get3A_550, %get3A_554 : vector<16xf32>
        %get3A_556 = arith.index_cast %scan3A_354 : i32 to index
        %get3A_557 = arith.constant 80 : index
        %get3A_558 = tpu.vector_load %arg14[%get3A_556, %get3A_557] {strides = array<i32>} : memref<80x128xf32, #tpu.memory_space<vmem>>, vector<1x16xf32>,
        %get3A_559 = vector.shape_cast %get3A_558 : vector<1x16xf32> to vector<16xf32>
        %add3A_560 = arith.addf %add3A_555, %get3A_559 : vector<16xf32>
        %swap3A_561 = arith.index_cast %scan3A_354 : i32 to index
        %swap3A_562 = arith.constant 80 : index
        %swap3A_563 = tpu.vector_load %arg11[%swap3A_561, %swap3A_562] {strides = array<i32>} : memref<80x128xf32, #tpu.memory_space<vmem>>, vector<1x16xf32>,
        %swap3A_564 = vector.shape_cast %swap3A_563 : vector<1x16xf32> to vector<16xf32>
        %swap3A_565 = vector.shape_cast %add3A_560 : vector<16xf32> to vector<1x16xf32>
        tpu.vector_store %arg11[%swap3A_561, %swap3A_562], %swap3A_565 {strides = array<i32>} : memref<80x128xf32, #tpu.memory_space<vmem>>, vector<1x16xf32>,
        %neg3A_566 = arith.constant 0.000000e+00 : f32
        %neg3A_567 = vector.broadcast %neg3A_566 : f32 to vector<16xf32>
        %neg3A_568 = arith.subf %neg3A_567, %add3A_560 : vector<16xf32>
        %exp3A_569 = math.exp %neg3A_568 : vector<16xf32>
        %add3A_570 = arith.constant 1.000000e+00 : f32
        %add3A_571 = vector.broadcast %add3A_570 : f32 to vector<16xf32>
        %add3A_572 = arith.addf %add3A_571, %exp3A_569 : vector<16xf32>
        %div3A_573 = arith.constant 1.000000e+00 : f32
        %div3A_574 = vector.broadcast %div3A_573 : f32 to vector<16xf32>
        %div3A_575 = arith.divf %div3A_574, %add3A_572 : vector<16xf32>
        %get3A_576 = arith.index_cast %scan3A_354 : i32 to index
        %get3A_577 = arith.constant 80 : index
        %get3A_578 = tpu.vector_load %arg13[%get3A_576, %get3A_577] {strides = array<i32>} : memref<80x128xf32, #tpu.memory_space<vmem>>, vector<1x16xf32>,
        %get3A_579 = vector.shape_cast %get3A_578 : vector<1x16xf32> to vector<16xf32>
        %mul3A_580 = arith.mulf %div3A_575, %get3A_579 : vector<16xf32>
        %swap3A_581 = arith.index_cast %scan3A_354 : i32 to index
        %swap3A_582 = arith.constant 80 : index
        %swap3A_583 = tpu.vector_load %arg13[%swap3A_581, %swap3A_582] {strides = array<i32>} : memref<80x128xf32, #tpu.memory_space<vmem>>, vector<1x16xf32>,
        %swap3A_584 = vector.shape_cast %swap3A_583 : vector<1x16xf32> to vector<16xf32>
        %swap3A_585 = vector.shape_cast %mul3A_580 : vector<16xf32> to vector<1x16xf32>
        tpu.vector_store %arg13[%swap3A_581, %swap3A_582], %swap3A_585 {strides = array<i32>} : memref<80x128xf32, #tpu.memory_space<vmem>>, vector<1x16xf32>,
        %get3A_586 = arith.index_cast %scan3A_354 : i32 to index
        %get3A_587 = arith.constant 96 : index
        %get3A_588 = tpu.vector_load %arg11[%get3A_586, %get3A_587] {strides = array<i32>} : memref<80x128xf32, #tpu.memory_space<vmem>>, vector<1x16xf32>,
        %get3A_589 = vector.shape_cast %get3A_588 : vector<1x16xf32> to vector<16xf32>
        %get3A_590 = arith.index_cast %scan3A_354 : i32 to index
        %get3A_591 = arith.constant 96 : index
        %get3A_592 = tpu.vector_load %arg12[%get3A_590, %get3A_591] {strides = array<i32>} : memref<80x128xf32, #tpu.memory_space<vmem>>, vector<1x16xf32>,
        %get3A_593 = vector.shape_cast %get3A_592 : vector<1x16xf32> to vector<16xf32>
        %add3A_594 = arith.addf %get3A_589, %get3A_593 : vector<16xf32>
        %get3A_595 = arith.index_cast %scan3A_354 : i32 to index
        %get3A_596 = arith.constant 96 : index
        %get3A_597 = tpu.vector_load %arg14[%get3A_595, %get3A_596] {strides = array<i32>} : memref<80x128xf32, #tpu.memory_space<vmem>>, vector<1x16xf32>,
        %get3A_598 = vector.shape_cast %get3A_597 : vector<1x16xf32> to vector<16xf32>
        %add3A_599 = arith.addf %add3A_594, %get3A_598 : vector<16xf32>
        %swap3A_600 = arith.index_cast %scan3A_354 : i32 to index
        %swap3A_601 = arith.constant 96 : index
        %swap3A_602 = tpu.vector_load %arg11[%swap3A_600, %swap3A_601] {strides = array<i32>} : memref<80x128xf32, #tpu.memory_space<vmem>>, vector<1x16xf32>,
        %swap3A_603 = vector.shape_cast %swap3A_602 : vector<1x16xf32> to vector<16xf32>
        %swap3A_604 = vector.shape_cast %add3A_599 : vector<16xf32> to vector<1x16xf32>
        tpu.vector_store %arg11[%swap3A_600, %swap3A_601], %swap3A_604 {strides = array<i32>} : memref<80x128xf32, #tpu.memory_space<vmem>>, vector<1x16xf32>,
        %neg3A_605 = arith.constant 0.000000e+00 : f32
        %neg3A_606 = vector.broadcast %neg3A_605 : f32 to vector<16xf32>
        %neg3A_607 = arith.subf %neg3A_606, %add3A_599 : vector<16xf32>
        %exp3A_608 = math.exp %neg3A_607 : vector<16xf32>
        %add3A_609 = arith.constant 1.000000e+00 : f32
        %add3A_610 = vector.broadcast %add3A_609 : f32 to vector<16xf32>
        %add3A_611 = arith.addf %add3A_610, %exp3A_608 : vector<16xf32>
        %div3A_612 = arith.constant 1.000000e+00 : f32
        %div3A_613 = vector.broadcast %div3A_612 : f32 to vector<16xf32>
        %div3A_614 = arith.divf %div3A_613, %add3A_611 : vector<16xf32>
        %get3A_615 = arith.index_cast %scan3A_354 : i32 to index
        %get3A_616 = arith.constant 96 : index
        %get3A_617 = tpu.vector_load %arg13[%get3A_615, %get3A_616] {strides = array<i32>} : memref<80x128xf32, #tpu.memory_space<vmem>>, vector<1x16xf32>,
        %get3A_618 = vector.shape_cast %get3A_617 : vector<1x16xf32> to vector<16xf32>
        %mul3A_619 = arith.mulf %div3A_614, %get3A_618 : vector<16xf32>
        %swap3A_620 = arith.index_cast %scan3A_354 : i32 to index
        %swap3A_621 = arith.constant 96 : index
        %swap3A_622 = tpu.vector_load %arg13[%swap3A_620, %swap3A_621] {strides = array<i32>} : memref<80x128xf32, #tpu.memory_space<vmem>>, vector<1x16xf32>,
        %swap3A_623 = vector.shape_cast %swap3A_622 : vector<1x16xf32> to vector<16xf32>
        %swap3A_624 = vector.shape_cast %mul3A_619 : vector<16xf32> to vector<1x16xf32>
        tpu.vector_store %arg13[%swap3A_620, %swap3A_621], %swap3A_624 {strides = array<i32>} : memref<80x128xf32, #tpu.memory_space<vmem>>, vector<1x16xf32>,
        %get3A_625 = arith.index_cast %scan3A_354 : i32 to index
        %get3A_626 = arith.constant 112 : index
        %get3A_627 = tpu.vector_load %arg11[%get3A_625, %get3A_626] {strides = array<i32>} : memref<80x128xf32, #tpu.memory_space<vmem>>, vector<1x16xf32>,
        %get3A_628 = vector.shape_cast %get3A_627 : vector<1x16xf32> to vector<16xf32>
        %get3A_629 = arith.index_cast %scan3A_354 : i32 to index
        %get3A_630 = arith.constant 112 : index
        %get3A_631 = tpu.vector_load %arg12[%get3A_629, %get3A_630] {strides = array<i32>} : memref<80x128xf32, #tpu.memory_space<vmem>>, vector<1x16xf32>,
        %get3A_632 = vector.shape_cast %get3A_631 : vector<1x16xf32> to vector<16xf32>
        %add3A_633 = arith.addf %get3A_628, %get3A_632 : vector<16xf32>
        %get3A_634 = arith.index_cast %scan3A_354 : i32 to index
        %get3A_635 = arith.constant 112 : index
        %get3A_636 = tpu.vector_load %arg14[%get3A_634, %get3A_635] {strides = array<i32>} : memref<80x128xf32, #tpu.memory_space<vmem>>, vector<1x16xf32>,
        %get3A_637 = vector.shape_cast %get3A_636 : vector<1x16xf32> to vector<16xf32>
        %add3A_638 = arith.addf %add3A_633, %get3A_637 : vector<16xf32>
        %swap3A_639 = arith.index_cast %scan3A_354 : i32 to index
        %swap3A_640 = arith.constant 112 : index
        %swap3A_641 = tpu.vector_load %arg11[%swap3A_639, %swap3A_640] {strides = array<i32>} : memref<80x128xf32, #tpu.memory_space<vmem>>, vector<1x16xf32>,
        %swap3A_642 = vector.shape_cast %swap3A_641 : vector<1x16xf32> to vector<16xf32>
        %swap3A_643 = vector.shape_cast %add3A_638 : vector<16xf32> to vector<1x16xf32>
        tpu.vector_store %arg11[%swap3A_639, %swap3A_640], %swap3A_643 {strides = array<i32>} : memref<80x128xf32, #tpu.memory_space<vmem>>, vector<1x16xf32>,
        %neg3A_644 = arith.constant 0.000000e+00 : f32
        %neg3A_645 = vector.broadcast %neg3A_644 : f32 to vector<16xf32>
        %neg3A_646 = arith.subf %neg3A_645, %add3A_638 : vector<16xf32>
        %exp3A_647 = math.exp %neg3A_646 : vector<16xf32>
        %add3A_648 = arith.constant 1.000000e+00 : f32
        %add3A_649 = vector.broadcast %add3A_648 : f32 to vector<16xf32>
        %add3A_650 = arith.addf %add3A_649, %exp3A_647 : vector<16xf32>
        %div3A_651 = arith.constant 1.000000e+00 : f32
        %div3A_652 = vector.broadcast %div3A_651 : f32 to vector<16xf32>
        %div3A_653 = arith.divf %div3A_652, %add3A_650 : vector<16xf32>
        %get3A_654 = arith.index_cast %scan3A_354 : i32 to index
        %get3A_655 = arith.constant 112 : index
        %get3A_656 = tpu.vector_load %arg13[%get3A_654, %get3A_655] {strides = array<i32>} : memref<80x128xf32, #tpu.memory_space<vmem>>, vector<1x16xf32>,
        %get3A_657 = vector.shape_cast %get3A_656 : vector<1x16xf32> to vector<16xf32>
        %mul3A_658 = arith.mulf %div3A_653, %get3A_657 : vector<16xf32>
        %swap3A_659 = arith.index_cast %scan3A_354 : i32 to index
        %swap3A_660 = arith.constant 112 : index
        %swap3A_661 = tpu.vector_load %arg13[%swap3A_659, %swap3A_660] {strides = array<i32>} : memref<80x128xf32, #tpu.memory_space<vmem>>, vector<1x16xf32>,
        %swap3A_662 = vector.shape_cast %swap3A_661 : vector<1x16xf32> to vector<16xf32>
        %swap3A_663 = vector.shape_cast %mul3A_658 : vector<16xf32> to vector<1x16xf32>
        tpu.vector_store %arg13[%swap3A_659, %swap3A_660], %swap3A_663 {strides = array<i32>} : memref<80x128xf32, #tpu.memory_space<vmem>>, vector<1x16xf32>,
      }
      %scan3A_353 = arith.constant 80 : i32
      "tpu.region"() ({
        %run_scoped3A_354 = tpu.sem_alloc : memref<!tpu.dma_semaphore, #tpu.memory_space<semaphore_mem>>
        %dma_start3A_355 = tpu.memref_slice %arg5[%multiple_of3A_189, %multiple_of3A] : memref<160000x256xf32, #tpu.memory_space<hbm>> -> memref<80x128xf32, #tpu.memory_space<hbm>>
        %dma_start3A_356 = tpu.memref_slice %arg5[%multiple_of3A_189, %multiple_of3A] : memref<160000x256xf32, #tpu.memory_space<hbm>> -> memref<80x128xf32, #tpu.memory_space<hbm>>
        tpu.enqueue_dma source(%arg11 : memref<80x128xf32, #tpu.memory_space<vmem>>) target(%dma_start3A_356 : memref<80x128xf32, #tpu.memory_space<hbm>>) target_semaphore(%run_scoped3A_354 : memref<!tpu.dma_semaphore, #tpu.memory_space<semaphore_mem>>)
        %dma_wait3A_357 = tpu.memref_slice %arg5[%multiple_of3A_189, %multiple_of3A] : memref<160000x256xf32, #tpu.memory_space<hbm>> -> memref<80x128xf32, #tpu.memory_space<hbm>>
        %dma_wait3A_358 = tpu.memref_slice %arg5[%multiple_of3A_189, %multiple_of3A] : memref<160000x256xf32, #tpu.memory_space<hbm>> -> memref<80x128xf32, #tpu.memory_space<hbm>>
        tpu.wait_dma2 semaphore(%run_scoped3A_354 : memref<!tpu.dma_semaphore, #tpu.memory_space<semaphore_mem>>) src(%arg11 : memref<80x128xf32, #tpu.memory_space<vmem>>) dst(%dma_wait3A_358 : memref<80x128xf32, #tpu.memory_space<hbm>>)
        tpu.yield
      }) : () -> ()
      %run_scoped3A = arith.constant 1 : i32
      "tpu.region"() ({
        %run_scoped3A_354 = tpu.sem_alloc : memref<!tpu.dma_semaphore, #tpu.memory_space<semaphore_mem>>
        %dma_start3A_355 = arith.constant 0 : i32
        %dma_start3A_356 = tpu.memref_slice %arg7[%run_scoped3A, %dma_start3A_355] : memref<8x80xi32, #tpu.memory_space<vmem>> -> memref<1x80xi32, #tpu.memory_space<vmem>>
        %dma_start3A_357 = tpu.memref_squeeze %dma_start3A_356 : memref<1x80xi32, #tpu.memory_space<vmem>> -> memref<80xi32, #tpu.memory_space<vmem>>
        %dma_start3A_358 = arith.constant 0 : i32
        %dma_start3A_359 = arith.constant 0 : i32
        %dma_start3A_360 = tpu.memref_slice %arg16[%dma_start3A_358, %dma_start3A_359] : memref<10000x128xf32, #tpu.memory_space<vmem_shared>> -> memref<10000x128xf32, #tpu.memory_space<vmem_shared>>
        tpu.enqueue_indirect_dma source(%arg13 : memref<80x128xf32, #tpu.memory_space<vmem>>) target(%dma_start3A_360 : memref<10000x128xf32, #tpu.memory_space<vmem_shared>>) offsets(%dma_start3A_357 : memref<80xi32, #tpu.memory_space<vmem>>) semaphore(%run_scoped3A_354 : memref<!tpu.dma_semaphore, #tpu.memory_space<semaphore_mem>>) {add = true}
        %dma_wait3A_361 = arith.constant 0 : i32
        %dma_wait3A_362 = tpu.memref_slice %arg7[%run_scoped3A, %dma_wait3A_361] : memref<8x80xi32, #tpu.memory_space<vmem>> -> memref<1x80xi32, #tpu.memory_space<vmem>>
        %dma_wait3A_363 = tpu.memref_squeeze %dma_wait3A_362 : memref<1x80xi32, #tpu.memory_space<vmem>> -> memref<80xi32, #tpu.memory_space<vmem>>
        %dma_wait3A_364 = arith.constant 0 : i32
        %dma_wait3A_365 = arith.constant 0 : i32
        %dma_wait3A_366 = tpu.memref_slice %arg16[%dma_wait3A_364, %dma_wait3A_365] : memref<10000x128xf32, #tpu.memory_space<vmem_shared>> -> memref<10000x128xf32, #tpu.memory_space<vmem_shared>>
        tpu.wait_indirect_dma semaphore(%run_scoped3A_354 : memref<!tpu.dma_semaphore, #tpu.memory_space<semaphore_mem>>) src(%arg13 : memref<80x128xf32, #tpu.memory_space<vmem>>) dst(%dma_wait3A_366 : memref<10000x128xf32, #tpu.memory_space<vmem_shared>>)
        tpu.yield
      }) : () -> ()
    }
    %scan3A_139 = arith.constant 125 : i32
    %barrier3A_140 = arith.constant 0 : index
    tpu.barrier barrier_id(%barrier3A_140)
    %add3A_141 = arith.constant 0 : i32
    %add3A_142 = arith.addi %mul3A_13, %add3A_141 : i32
    %multiple_of3A_143 = tpu.assume_multiple %add3A_142, 8 : i32
    "tpu.region"() ({
      %run_scoped3A = tpu.sem_alloc : memref<!tpu.dma_semaphore, #tpu.memory_space<semaphore_mem>>
      %dma_start3A = arith.constant 0 : i32
      %dma_start3A_185 = tpu.memref_slice %arg16[%multiple_of3A_143, %dma_start3A] : memref<10000x128xf32, #tpu.memory_space<vmem_shared>> -> memref<48x128xf32, #tpu.memory_space<vmem_shared>>
      %dma_start3A_186 = arith.constant 0 : i32
      %dma_start3A_187 = tpu.memref_slice %arg16[%multiple_of3A_143, %dma_start3A_186] : memref<10000x128xf32, #tpu.memory_space<vmem_shared>> -> memref<48x128xf32, #tpu.memory_space<vmem_shared>>
      tpu.enqueue_dma source(%dma_start3A_187 : memref<48x128xf32, #tpu.memory_space<vmem_shared>>) target(%arg15 : memref<48x128xf32, #tpu.memory_space<vmem>>) target_semaphore(%run_scoped3A : memref<!tpu.dma_semaphore, #tpu.memory_space<semaphore_mem>>)
      %dma_wait3A = arith.constant 0 : i32
      %dma_wait3A_188 = tpu.memref_slice %arg16[%multiple_of3A_143, %dma_wait3A] : memref<10000x128xf32, #tpu.memory_space<vmem_shared>> -> memref<48x128xf32, #tpu.memory_space<vmem_shared>>
      %dma_wait3A_189 = arith.constant 0 : i32
      %dma_wait3A_190 = tpu.memref_slice %arg16[%multiple_of3A_143, %dma_wait3A_189] : memref<10000x128xf32, #tpu.memory_space<vmem_shared>> -> memref<48x128xf32, #tpu.memory_space<vmem_shared>>
      tpu.wait_dma2 semaphore(%run_scoped3A : memref<!tpu.dma_semaphore, #tpu.memory_space<semaphore_mem>>) src(%dma_wait3A_190 : memref<48x128xf32, #tpu.memory_space<vmem_shared>>) dst(%arg15 : memref<48x128xf32, #tpu.memory_space<vmem>>)
      tpu.yield
    }) : () -> ()
    "tpu.region"() ({
      %run_scoped3A = tpu.sem_alloc : memref<!tpu.dma_semaphore, #tpu.memory_space<semaphore_mem>>
      %dma_start3A = tpu.memref_slice %arg6[%multiple_of3A_143, %multiple_of3A] : memref<10000x256xf32, #tpu.memory_space<hbm>> -> memref<48x128xf32, #tpu.memory_space<hbm>>
      %dma_start3A_185 = tpu.memref_slice %arg6[%multiple_of3A_143, %multiple_of3A] : memref<10000x256xf32, #tpu.memory_space<hbm>> -> memref<48x128xf32, #tpu.memory_space<hbm>>
      tpu.enqueue_dma source(%arg15 : memref<48x128xf32, #tpu.memory_space<vmem>>) target(%dma_start3A_185 : memref<48x128xf32, #tpu.memory_space<hbm>>) target_semaphore(%run_scoped3A : memref<!tpu.dma_semaphore, #tpu.memory_space<semaphore_mem>>)
      %dma_wait3A = tpu.memref_slice %arg6[%multiple_of3A_143, %multiple_of3A] : memref<10000x256xf32, #tpu.memory_space<hbm>> -> memref<48x128xf32, #tpu.memory_space<hbm>>
      %dma_wait3A_186 = tpu.memref_slice %arg6[%multiple_of3A_143, %multiple_of3A] : memref<10000x256xf32, #tpu.memory_space<hbm>> -> memref<48x128xf32, #tpu.memory_space<hbm>>
      tpu.wait_dma2 semaphore(%run_scoped3A : memref<!tpu.dma_semaphore, #tpu.memory_space<semaphore_mem>>) src(%arg15 : memref<48x128xf32, #tpu.memory_space<vmem>>) dst(%dma_wait3A_186 : memref<48x128xf32, #tpu.memory_space<hbm>>)
      tpu.yield
    }) : () -> ()
    %add3A_144 = arith.constant 48 : i32
    %add3A_145 = arith.addi %mul3A_13, %add3A_144 : i32
    %multiple_of3A_146 = tpu.assume_multiple %add3A_145, 8 : i32
    "tpu.region"() ({
      %run_scoped3A = tpu.sem_alloc : memref<!tpu.dma_semaphore, #tpu.memory_space<semaphore_mem>>
      %dma_start3A = arith.constant 0 : i32
      %dma_start3A_185 = tpu.memref_slice %arg16[%multiple_of3A_146, %dma_start3A] : memref<10000x128xf32, #tpu.memory_space<vmem_shared>> -> memref<48x128xf32, #tpu.memory_space<vmem_shared>>
      %dma_start3A_186 = arith.constant 0 : i32
      %dma_start3A_187 = tpu.memref_slice %arg16[%multiple_of3A_146, %dma_start3A_186] : memref<10000x128xf32, #tpu.memory_space<vmem_shared>> -> memref<48x128xf32, #tpu.memory_space<vmem_shared>>
      tpu.enqueue_dma source(%dma_start3A_187 : memref<48x128xf32, #tpu.memory_space<vmem_shared>>) target(%arg15 : memref<48x128xf32, #tpu.memory_space<vmem>>) target_semaphore(%run_scoped3A : memref<!tpu.dma_semaphore, #tpu.memory_space<semaphore_mem>>)
      %dma_wait3A = arith.constant 0 : i32
      %dma_wait3A_188 = tpu.memref_slice %arg16[%multiple_of3A_146, %dma_wait3A] : memref<10000x128xf32, #tpu.memory_space<vmem_shared>> -> memref<48x128xf32, #tpu.memory_space<vmem_shared>>
      %dma_wait3A_189 = arith.constant 0 : i32
      %dma_wait3A_190 = tpu.memref_slice %arg16[%multiple_of3A_146, %dma_wait3A_189] : memref<10000x128xf32, #tpu.memory_space<vmem_shared>> -> memref<48x128xf32, #tpu.memory_space<vmem_shared>>
      tpu.wait_dma2 semaphore(%run_scoped3A : memref<!tpu.dma_semaphore, #tpu.memory_space<semaphore_mem>>) src(%dma_wait3A_190 : memref<48x128xf32, #tpu.memory_space<vmem_shared>>) dst(%arg15 : memref<48x128xf32, #tpu.memory_space<vmem>>)
      tpu.yield
    }) : () -> ()
    "tpu.region"() ({
      %run_scoped3A = tpu.sem_alloc : memref<!tpu.dma_semaphore, #tpu.memory_space<semaphore_mem>>
      %dma_start3A = tpu.memref_slice %arg6[%multiple_of3A_146, %multiple_of3A] : memref<10000x256xf32, #tpu.memory_space<hbm>> -> memref<48x128xf32, #tpu.memory_space<hbm>>
      %dma_start3A_185 = tpu.memref_slice %arg6[%multiple_of3A_146, %multiple_of3A] : memref<10000x256xf32, #tpu.memory_space<hbm>> -> memref<48x128xf32, #tpu.memory_space<hbm>>
      tpu.enqueue_dma source(%arg15 : memref<48x128xf32, #tpu.memory_space<vmem>>) target(%dma_start3A_185 : memref<48x128xf32, #tpu.memory_space<hbm>>) target_semaphore(%run_scoped3A : memref<!tpu.dma_semaphore, #tpu.memory_space<semaphore_mem>>)
      %dma_wait3A = tpu.memref_slice %arg6[%multiple_of3A_146, %multiple_of3A] : memref<10000x256xf32, #tpu.memory_space<hbm>> -> memref<48x128xf32, #tpu.memory_space<hbm>>
      %dma_wait3A_186 = tpu.memref_slice %arg6[%multiple_of3A_146, %multiple_of3A] : memref<10000x256xf32, #tpu.memory_space<hbm>> -> memref<48x128xf32, #tpu.memory_space<hbm>>
      tpu.wait_dma2 semaphore(%run_scoped3A : memref<!tpu.dma_semaphore, #tpu.memory_space<semaphore_mem>>) src(%arg15 : memref<48x128xf32, #tpu.memory_space<vmem>>) dst(%dma_wait3A_186 : memref<48x128xf32, #tpu.memory_space<hbm>>)
      tpu.yield
    }) : () -> ()
    %add3A_147 = arith.constant 96 : i32
    %add3A_148 = arith.addi %mul3A_13, %add3A_147 : i32
    %multiple_of3A_149 = tpu.assume_multiple %add3A_148, 8 : i32
    "tpu.region"() ({
      %run_scoped3A = tpu.sem_alloc : memref<!tpu.dma_semaphore, #tpu.memory_space<semaphore_mem>>
      %dma_start3A = arith.constant 0 : i32
      %dma_start3A_185 = tpu.memref_slice %arg16[%multiple_of3A_149, %dma_start3A] : memref<10000x128xf32, #tpu.memory_space<vmem_shared>> -> memref<48x128xf32, #tpu.memory_space<vmem_shared>>
      %dma_start3A_186 = arith.constant 0 : i32
      %dma_start3A_187 = tpu.memref_slice %arg16[%multiple_of3A_149, %dma_start3A_186] : memref<10000x128xf32, #tpu.memory_space<vmem_shared>> -> memref<48x128xf32, #tpu.memory_space<vmem_shared>>
      tpu.enqueue_dma source(%dma_start3A_187 : memref<48x128xf32, #tpu.memory_space<vmem_shared>>) target(%arg15 : memref<48x128xf32, #tpu.memory_space<vmem>>) target_semaphore(%run_scoped3A : memref<!tpu.dma_semaphore, #tpu.memory_space<semaphore_mem>>)
      %dma_wait3A = arith.constant 0 : i32
      %dma_wait3A_188 = tpu.memref_slice %arg16[%multiple_of3A_149, %dma_wait3A] : memref<10000x128xf32, #tpu.memory_space<vmem_shared>> -> memref<48x128xf32, #tpu.memory_space<vmem_shared>>
      %dma_wait3A_189 = arith.constant 0 : i32
      %dma_wait3A_190 = tpu.memref_slice %arg16[%multiple_of3A_149, %dma_wait3A_189] : memref<10000x128xf32, #tpu.memory_space<vmem_shared>> -> memref<48x128xf32, #tpu.memory_space<vmem_shared>>
      tpu.wait_dma2 semaphore(%run_scoped3A : memref<!tpu.dma_semaphore, #tpu.memory_space<semaphore_mem>>) src(%dma_wait3A_190 : memref<48x128xf32, #tpu.memory_space<vmem_shared>>) dst(%arg15 : memref<48x128xf32, #tpu.memory_space<vmem>>)
      tpu.yield
    }) : () -> ()
    "tpu.region"() ({
      %run_scoped3A = tpu.sem_alloc : memref<!tpu.dma_semaphore, #tpu.memory_space<semaphore_mem>>
      %dma_start3A = tpu.memref_slice %arg6[%multiple_of3A_149, %multiple_of3A] : memref<10000x256xf32, #tpu.memory_space<hbm>> -> memref<48x128xf32, #tpu.memory_space<hbm>>
      %dma_start3A_185 = tpu.memref_slice %arg6[%multiple_of3A_149, %multiple_of3A] : memref<10000x256xf32, #tpu.memory_space<hbm>> -> memref<48x128xf32, #tpu.memory_space<hbm>>
      tpu.enqueue_dma source(%arg15 : memref<48x128xf32, #tpu.memory_space<vmem>>) target(%dma_start3A_185 : memref<48x128xf32, #tpu.memory_space<hbm>>) target_semaphore(%run_scoped3A : memref<!tpu.dma_semaphore, #tpu.memory_space<semaphore_mem>>)
      %dma_wait3A = tpu.memref_slice %arg6[%multiple_of3A_149, %multiple_of3A] : memref<10000x256xf32, #tpu.memory_space<hbm>> -> memref<48x128xf32, #tpu.memory_space<hbm>>
      %dma_wait3A_186 = tpu.memref_slice %arg6[%multiple_of3A_149, %multiple_of3A] : memref<10000x256xf32, #tpu.memory_space<hbm>> -> memref<48x128xf32, #tpu.memory_space<hbm>>
      tpu.wait_dma2 semaphore(%run_scoped3A : memref<!tpu.dma_semaphore, #tpu.memory_space<semaphore_mem>>) src(%arg15 : memref<48x128xf32, #tpu.memory_space<vmem>>) dst(%dma_wait3A_186 : memref<48x128xf32, #tpu.memory_space<hbm>>)
      tpu.yield
    }) : () -> ()
    %add3A_150 = arith.constant 144 : i32
    %add3A_151 = arith.addi %mul3A_13, %add3A_150 : i32
    %multiple_of3A_152 = tpu.assume_multiple %add3A_151, 8 : i32
    "tpu.region"() ({
      %run_scoped3A = tpu.sem_alloc : memref<!tpu.dma_semaphore, #tpu.memory_space<semaphore_mem>>
      %dma_start3A = arith.constant 0 : i32
      %dma_start3A_185 = tpu.memref_slice %arg16[%multiple_of3A_152, %dma_start3A] : memref<10000x128xf32, #tpu.memory_space<vmem_shared>> -> memref<48x128xf32, #tpu.memory_space<vmem_shared>>
      %dma_start3A_186 = arith.constant 0 : i32
      %dma_start3A_187 = tpu.memref_slice %arg16[%multiple_of3A_152, %dma_start3A_186] : memref<10000x128xf32, #tpu.memory_space<vmem_shared>> -> memref<48x128xf32, #tpu.memory_space<vmem_shared>>
      tpu.enqueue_dma source(%dma_start3A_187 : memref<48x128xf32, #tpu.memory_space<vmem_shared>>) target(%arg15 : memref<48x128xf32, #tpu.memory_space<vmem>>) target_semaphore(%run_scoped3A : memref<!tpu.dma_semaphore, #tpu.memory_space<semaphore_mem>>)
      %dma_wait3A = arith.constant 0 : i32
      %dma_wait3A_188 = tpu.memref_slice %arg16[%multiple_of3A_152, %dma_wait3A] : memref<10000x128xf32, #tpu.memory_space<vmem_shared>> -> memref<48x128xf32, #tpu.memory_space<vmem_shared>>
      %dma_wait3A_189 = arith.constant 0 : i32
      %dma_wait3A_190 = tpu.memref_slice %arg16[%multiple_of3A_152, %dma_wait3A_189] : memref<10000x128xf32, #tpu.memory_space<vmem_shared>> -> memref<48x128xf32, #tpu.memory_space<vmem_shared>>
      tpu.wait_dma2 semaphore(%run_scoped3A : memref<!tpu.dma_semaphore, #tpu.memory_space<semaphore_mem>>) src(%dma_wait3A_190 : memref<48x128xf32, #tpu.memory_space<vmem_shared>>) dst(%arg15 : memref<48x128xf32, #tpu.memory_space<vmem>>)
      tpu.yield
    }) : () -> ()
    "tpu.region"() ({
      %run_scoped3A = tpu.sem_alloc : memref<!tpu.dma_semaphore, #tpu.memory_space<semaphore_mem>>
      %dma_start3A = tpu.memref_slice %arg6[%multiple_of3A_152, %multiple_of3A] : memref<10000x256xf32, #tpu.memory_space<hbm>> -> memref<48x128xf32, #tpu.memory_space<hbm>>
      %dma_start3A_185 = tpu.memref_slice %arg6[%multiple_of3A_152, %multiple_of3A] : memref<10000x256xf32, #tpu.memory_space<hbm>> -> memref<48x128xf32, #tpu.memory_space<hbm>>
      tpu.enqueue_dma source(%arg15 : memref<48x128xf32, #tpu.memory_space<vmem>>) target(%dma_start3A_185 : memref<48x128xf32, #tpu.memory_space<hbm>>) target_semaphore(%run_scoped3A : memref<!tpu.dma_semaphore, #tpu.memory_space<semaphore_mem>>)
      %dma_wait3A = tpu.memref_slice %arg6[%multiple_of3A_152, %multiple_of3A] : memref<10000x256xf32, #tpu.memory_space<hbm>> -> memref<48x128xf32, #tpu.memory_space<hbm>>
      %dma_wait3A_186 = tpu.memref_slice %arg6[%multiple_of3A_152, %multiple_of3A] : memref<10000x256xf32, #tpu.memory_space<hbm>> -> memref<48x128xf32, #tpu.memory_space<hbm>>
      tpu.wait_dma2 semaphore(%run_scoped3A : memref<!tpu.dma_semaphore, #tpu.memory_space<semaphore_mem>>) src(%arg15 : memref<48x128xf32, #tpu.memory_space<vmem>>) dst(%dma_wait3A_186 : memref<48x128xf32, #tpu.memory_space<hbm>>)
      tpu.yield
    }) : () -> ()
    %add3A_153 = arith.constant 192 : i32
    %add3A_154 = arith.addi %mul3A_13, %add3A_153 : i32
    %multiple_of3A_155 = tpu.assume_multiple %add3A_154, 8 : i32
    "tpu.region"() ({
      %run_scoped3A = tpu.sem_alloc : memref<!tpu.dma_semaphore, #tpu.memory_space<semaphore_mem>>
      %dma_start3A = arith.constant 0 : i32
      %dma_start3A_185 = tpu.memref_slice %arg16[%multiple_of3A_155, %dma_start3A] : memref<10000x128xf32, #tpu.memory_space<vmem_shared>> -> memref<48x128xf32, #tpu.memory_space<vmem_shared>>
      %dma_start3A_186 = arith.constant 0 : i32
      %dma_start3A_187 = tpu.memref_slice %arg16[%multiple_of3A_155, %dma_start3A_186] : memref<10000x128xf32, #tpu.memory_space<vmem_shared>> -> memref<48x128xf32, #tpu.memory_space<vmem_shared>>
      tpu.enqueue_dma source(%dma_start3A_187 : memref<48x128xf32, #tpu.memory_space<vmem_shared>>) target(%arg15 : memref<48x128xf32, #tpu.memory_space<vmem>>) target_semaphore(%run_scoped3A : memref<!tpu.dma_semaphore, #tpu.memory_space<semaphore_mem>>)
      %dma_wait3A = arith.constant 0 : i32
      %dma_wait3A_188 = tpu.memref_slice %arg16[%multiple_of3A_155, %dma_wait3A] : memref<10000x128xf32, #tpu.memory_space<vmem_shared>> -> memref<48x128xf32, #tpu.memory_space<vmem_shared>>
      %dma_wait3A_189 = arith.constant 0 : i32
      %dma_wait3A_190 = tpu.memref_slice %arg16[%multiple_of3A_155, %dma_wait3A_189] : memref<10000x128xf32, #tpu.memory_space<vmem_shared>> -> memref<48x128xf32, #tpu.memory_space<vmem_shared>>
      tpu.wait_dma2 semaphore(%run_scoped3A : memref<!tpu.dma_semaphore, #tpu.memory_space<semaphore_mem>>) src(%dma_wait3A_190 : memref<48x128xf32, #tpu.memory_space<vmem_shared>>) dst(%arg15 : memref<48x128xf32, #tpu.memory_space<vmem>>)
      tpu.yield
    }) : () -> ()
    "tpu.region"() ({
      %run_scoped3A = tpu.sem_alloc : memref<!tpu.dma_semaphore, #tpu.memory_space<semaphore_mem>>
      %dma_start3A = tpu.memref_slice %arg6[%multiple_of3A_155, %multiple_of3A] : memref<10000x256xf32, #tpu.memory_space<hbm>> -> memref<48x128xf32, #tpu.memory_space<hbm>>
      %dma_start3A_185 = tpu.memref_slice %arg6[%multiple_of3A_155, %multiple_of3A] : memref<10000x256xf32, #tpu.memory_space<hbm>> -> memref<48x128xf32, #tpu.memory_space<hbm>>
      tpu.enqueue_dma source(%arg15 : memref<48x128xf32, #tpu.memory_space<vmem>>) target(%dma_start3A_185 : memref<48x128xf32, #tpu.memory_space<hbm>>) target_semaphore(%run_scoped3A : memref<!tpu.dma_semaphore, #tpu.memory_space<semaphore_mem>>)
      %dma_wait3A = tpu.memref_slice %arg6[%multiple_of3A_155, %multiple_of3A] : memref<10000x256xf32, #tpu.memory_space<hbm>> -> memref<48x128xf32, #tpu.memory_space<hbm>>
      %dma_wait3A_186 = tpu.memref_slice %arg6[%multiple_of3A_155, %multiple_of3A] : memref<10000x256xf32, #tpu.memory_space<hbm>> -> memref<48x128xf32, #tpu.memory_space<hbm>>
      tpu.wait_dma2 semaphore(%run_scoped3A : memref<!tpu.dma_semaphore, #tpu.memory_space<semaphore_mem>>) src(%arg15 : memref<48x128xf32, #tpu.memory_space<vmem>>) dst(%dma_wait3A_186 : memref<48x128xf32, #tpu.memory_space<hbm>>)
      tpu.yield
    }) : () -> ()
    %add3A_156 = arith.constant 240 : i32
    %add3A_157 = arith.addi %mul3A_13, %add3A_156 : i32
    %multiple_of3A_158 = tpu.assume_multiple %add3A_157, 8 : i32
    "tpu.region"() ({
      %run_scoped3A = tpu.sem_alloc : memref<!tpu.dma_semaphore, #tpu.memory_space<semaphore_mem>>
      %dma_start3A = arith.constant 0 : i32
      %dma_start3A_185 = tpu.memref_slice %arg16[%multiple_of3A_158, %dma_start3A] : memref<10000x128xf32, #tpu.memory_space<vmem_shared>> -> memref<48x128xf32, #tpu.memory_space<vmem_shared>>
      %dma_start3A_186 = arith.constant 0 : i32
      %dma_start3A_187 = tpu.memref_slice %arg16[%multiple_of3A_158, %dma_start3A_186] : memref<10000x128xf32, #tpu.memory_space<vmem_shared>> -> memref<48x128xf32, #tpu.memory_space<vmem_shared>>
      tpu.enqueue_dma source(%dma_start3A_187 : memref<48x128xf32, #tpu.memory_space<vmem_shared>>) target(%arg15 : memref<48x128xf32, #tpu.memory_space<vmem>>) target_semaphore(%run_scoped3A : memref<!tpu.dma_semaphore, #tpu.memory_space<semaphore_mem>>)
      %dma_wait3A = arith.constant 0 : i32
      %dma_wait3A_188 = tpu.memref_slice %arg16[%multiple_of3A_158, %dma_wait3A] : memref<10000x128xf32, #tpu.memory_space<vmem_shared>> -> memref<48x128xf32, #tpu.memory_space<vmem_shared>>
      %dma_wait3A_189 = arith.constant 0 : i32
      %dma_wait3A_190 = tpu.memref_slice %arg16[%multiple_of3A_158, %dma_wait3A_189] : memref<10000x128xf32, #tpu.memory_space<vmem_shared>> -> memref<48x128xf32, #tpu.memory_space<vmem_shared>>
      tpu.wait_dma2 semaphore(%run_scoped3A : memref<!tpu.dma_semaphore, #tpu.memory_space<semaphore_mem>>) src(%dma_wait3A_190 : memref<48x128xf32, #tpu.memory_space<vmem_shared>>) dst(%arg15 : memref<48x128xf32, #tpu.memory_space<vmem>>)
      tpu.yield
    }) : () -> ()
    "tpu.region"() ({
      %run_scoped3A = tpu.sem_alloc : memref<!tpu.dma_semaphore, #tpu.memory_space<semaphore_mem>>
      %dma_start3A = tpu.memref_slice %arg6[%multiple_of3A_158, %multiple_of3A] : memref<10000x256xf32, #tpu.memory_space<hbm>> -> memref<48x128xf32, #tpu.memory_space<hbm>>
      %dma_start3A_185 = tpu.memref_slice %arg6[%multiple_of3A_158, %multiple_of3A] : memref<10000x256xf32, #tpu.memory_space<hbm>> -> memref<48x128xf32, #tpu.memory_space<hbm>>
      tpu.enqueue_dma source(%arg15 : memref<48x128xf32, #tpu.memory_space<vmem>>) target(%dma_start3A_185 : memref<48x128xf32, #tpu.memory_space<hbm>>) target_semaphore(%run_scoped3A : memref<!tpu.dma_semaphore, #tpu.memory_space<semaphore_mem>>)
      %dma_wait3A = tpu.memref_slice %arg6[%multiple_of3A_158, %multiple_of3A] : memref<10000x256xf32, #tpu.memory_space<hbm>> -> memref<48x128xf32, #tpu.memory_space<hbm>>
      %dma_wait3A_186 = tpu.memref_slice %arg6[%multiple_of3A_158, %multiple_of3A] : memref<10000x256xf32, #tpu.memory_space<hbm>> -> memref<48x128xf32, #tpu.memory_space<hbm>>
      tpu.wait_dma2 semaphore(%run_scoped3A : memref<!tpu.dma_semaphore, #tpu.memory_space<semaphore_mem>>) src(%arg15 : memref<48x128xf32, #tpu.memory_space<vmem>>) dst(%dma_wait3A_186 : memref<48x128xf32, #tpu.memory_space<hbm>>)
      tpu.yield
    }) : () -> ()
    %add3A_159 = arith.constant 288 : i32
    %add3A_160 = arith.addi %mul3A_13, %add3A_159 : i32
    %multiple_of3A_161 = tpu.assume_multiple %add3A_160, 8 : i32
    "tpu.region"() ({
      %run_scoped3A = tpu.sem_alloc : memref<!tpu.dma_semaphore, #tpu.memory_space<semaphore_mem>>
      %dma_start3A = arith.constant 0 : i32
      %dma_start3A_185 = tpu.memref_slice %arg16[%multiple_of3A_161, %dma_start3A] : memref<10000x128xf32, #tpu.memory_space<vmem_shared>> -> memref<48x128xf32, #tpu.memory_space<vmem_shared>>
      %dma_start3A_186 = arith.constant 0 : i32
      %dma_start3A_187 = tpu.memref_slice %arg16[%multiple_of3A_161, %dma_start3A_186] : memref<10000x128xf32, #tpu.memory_space<vmem_shared>> -> memref<48x128xf32, #tpu.memory_space<vmem_shared>>
      tpu.enqueue_dma source(%dma_start3A_187 : memref<48x128xf32, #tpu.memory_space<vmem_shared>>) target(%arg15 : memref<48x128xf32, #tpu.memory_space<vmem>>) target_semaphore(%run_scoped3A : memref<!tpu.dma_semaphore, #tpu.memory_space<semaphore_mem>>)
      %dma_wait3A = arith.constant 0 : i32
      %dma_wait3A_188 = tpu.memref_slice %arg16[%multiple_of3A_161, %dma_wait3A] : memref<10000x128xf32, #tpu.memory_space<vmem_shared>> -> memref<48x128xf32, #tpu.memory_space<vmem_shared>>
      %dma_wait3A_189 = arith.constant 0 : i32
      %dma_wait3A_190 = tpu.memref_slice %arg16[%multiple_of3A_161, %dma_wait3A_189] : memref<10000x128xf32, #tpu.memory_space<vmem_shared>> -> memref<48x128xf32, #tpu.memory_space<vmem_shared>>
      tpu.wait_dma2 semaphore(%run_scoped3A : memref<!tpu.dma_semaphore, #tpu.memory_space<semaphore_mem>>) src(%dma_wait3A_190 : memref<48x128xf32, #tpu.memory_space<vmem_shared>>) dst(%arg15 : memref<48x128xf32, #tpu.memory_space<vmem>>)
      tpu.yield
    }) : () -> ()
    "tpu.region"() ({
      %run_scoped3A = tpu.sem_alloc : memref<!tpu.dma_semaphore, #tpu.memory_space<semaphore_mem>>
      %dma_start3A = tpu.memref_slice %arg6[%multiple_of3A_161, %multiple_of3A] : memref<10000x256xf32, #tpu.memory_space<hbm>> -> memref<48x128xf32, #tpu.memory_space<hbm>>
      %dma_start3A_185 = tpu.memref_slice %arg6[%multiple_of3A_161, %multiple_of3A] : memref<10000x256xf32, #tpu.memory_space<hbm>> -> memref<48x128xf32, #tpu.memory_space<hbm>>
      tpu.enqueue_dma source(%arg15 : memref<48x128xf32, #tpu.memory_space<vmem>>) target(%dma_start3A_185 : memref<48x128xf32, #tpu.memory_space<hbm>>) target_semaphore(%run_scoped3A : memref<!tpu.dma_semaphore, #tpu.memory_space<semaphore_mem>>)
      %dma_wait3A = tpu.memref_slice %arg6[%multiple_of3A_161, %multiple_of3A] : memref<10000x256xf32, #tpu.memory_space<hbm>> -> memref<48x128xf32, #tpu.memory_space<hbm>>
      %dma_wait3A_186 = tpu.memref_slice %arg6[%multiple_of3A_161, %multiple_of3A] : memref<10000x256xf32, #tpu.memory_space<hbm>> -> memref<48x128xf32, #tpu.memory_space<hbm>>
      tpu.wait_dma2 semaphore(%run_scoped3A : memref<!tpu.dma_semaphore, #tpu.memory_space<semaphore_mem>>) src(%arg15 : memref<48x128xf32, #tpu.memory_space<vmem>>) dst(%dma_wait3A_186 : memref<48x128xf32, #tpu.memory_space<hbm>>)
      tpu.yield
    }) : () -> ()
    %add3A_162 = arith.constant 336 : i32
    %add3A_163 = arith.addi %mul3A_13, %add3A_162 : i32
    %multiple_of3A_164 = tpu.assume_multiple %add3A_163, 8 : i32
    "tpu.region"() ({
      %run_scoped3A = tpu.sem_alloc : memref<!tpu.dma_semaphore, #tpu.memory_space<semaphore_mem>>
      %dma_start3A = arith.constant 0 : i32
      %dma_start3A_185 = tpu.memref_slice %arg16[%multiple_of3A_164, %dma_start3A] : memref<10000x128xf32, #tpu.memory_space<vmem_shared>> -> memref<48x128xf32, #tpu.memory_space<vmem_shared>>
      %dma_start3A_186 = arith.constant 0 : i32
      %dma_start3A_187 = tpu.memref_slice %arg16[%multiple_of3A_164, %dma_start3A_186] : memref<10000x128xf32, #tpu.memory_space<vmem_shared>> -> memref<48x128xf32, #tpu.memory_space<vmem_shared>>
      tpu.enqueue_dma source(%dma_start3A_187 : memref<48x128xf32, #tpu.memory_space<vmem_shared>>) target(%arg15 : memref<48x128xf32, #tpu.memory_space<vmem>>) target_semaphore(%run_scoped3A : memref<!tpu.dma_semaphore, #tpu.memory_space<semaphore_mem>>)
      %dma_wait3A = arith.constant 0 : i32
      %dma_wait3A_188 = tpu.memref_slice %arg16[%multiple_of3A_164, %dma_wait3A] : memref<10000x128xf32, #tpu.memory_space<vmem_shared>> -> memref<48x128xf32, #tpu.memory_space<vmem_shared>>
      %dma_wait3A_189 = arith.constant 0 : i32
      %dma_wait3A_190 = tpu.memref_slice %arg16[%multiple_of3A_164, %dma_wait3A_189] : memref<10000x128xf32, #tpu.memory_space<vmem_shared>> -> memref<48x128xf32, #tpu.memory_space<vmem_shared>>
      tpu.wait_dma2 semaphore(%run_scoped3A : memref<!tpu.dma_semaphore, #tpu.memory_space<semaphore_mem>>) src(%dma_wait3A_190 : memref<48x128xf32, #tpu.memory_space<vmem_shared>>) dst(%arg15 : memref<48x128xf32, #tpu.memory_space<vmem>>)
      tpu.yield
    }) : () -> ()
    "tpu.region"() ({
      %run_scoped3A = tpu.sem_alloc : memref<!tpu.dma_semaphore, #tpu.memory_space<semaphore_mem>>
      %dma_start3A = tpu.memref_slice %arg6[%multiple_of3A_164, %multiple_of3A] : memref<10000x256xf32, #tpu.memory_space<hbm>> -> memref<48x128xf32, #tpu.memory_space<hbm>>
      %dma_start3A_185 = tpu.memref_slice %arg6[%multiple_of3A_164, %multiple_of3A] : memref<10000x256xf32, #tpu.memory_space<hbm>> -> memref<48x128xf32, #tpu.memory_space<hbm>>
      tpu.enqueue_dma source(%arg15 : memref<48x128xf32, #tpu.memory_space<vmem>>) target(%dma_start3A_185 : memref<48x128xf32, #tpu.memory_space<hbm>>) target_semaphore(%run_scoped3A : memref<!tpu.dma_semaphore, #tpu.memory_space<semaphore_mem>>)
      %dma_wait3A = tpu.memref_slice %arg6[%multiple_of3A_164, %multiple_of3A] : memref<10000x256xf32, #tpu.memory_space<hbm>> -> memref<48x128xf32, #tpu.memory_space<hbm>>
      %dma_wait3A_186 = tpu.memref_slice %arg6[%multiple_of3A_164, %multiple_of3A] : memref<10000x256xf32, #tpu.memory_space<hbm>> -> memref<48x128xf32, #tpu.memory_space<hbm>>
      tpu.wait_dma2 semaphore(%run_scoped3A : memref<!tpu.dma_semaphore, #tpu.memory_space<semaphore_mem>>) src(%arg15 : memref<48x128xf32, #tpu.memory_space<vmem>>) dst(%dma_wait3A_186 : memref<48x128xf32, #tpu.memory_space<hbm>>)
      tpu.yield
    }) : () -> ()
    %add3A_165 = arith.constant 384 : i32
    %add3A_166 = arith.addi %mul3A_13, %add3A_165 : i32
    %multiple_of3A_167 = tpu.assume_multiple %add3A_166, 8 : i32
    "tpu.region"() ({
      %run_scoped3A = tpu.sem_alloc : memref<!tpu.dma_semaphore, #tpu.memory_space<semaphore_mem>>
      %dma_start3A = arith.constant 0 : i32
      %dma_start3A_185 = tpu.memref_slice %arg16[%multiple_of3A_167, %dma_start3A] : memref<10000x128xf32, #tpu.memory_space<vmem_shared>> -> memref<48x128xf32, #tpu.memory_space<vmem_shared>>
      %dma_start3A_186 = arith.constant 0 : i32
      %dma_start3A_187 = tpu.memref_slice %arg16[%multiple_of3A_167, %dma_start3A_186] : memref<10000x128xf32, #tpu.memory_space<vmem_shared>> -> memref<48x128xf32, #tpu.memory_space<vmem_shared>>
      tpu.enqueue_dma source(%dma_start3A_187 : memref<48x128xf32, #tpu.memory_space<vmem_shared>>) target(%arg15 : memref<48x128xf32, #tpu.memory_space<vmem>>) target_semaphore(%run_scoped3A : memref<!tpu.dma_semaphore, #tpu.memory_space<semaphore_mem>>)
      %dma_wait3A = arith.constant 0 : i32
      %dma_wait3A_188 = tpu.memref_slice %arg16[%multiple_of3A_167, %dma_wait3A] : memref<10000x128xf32, #tpu.memory_space<vmem_shared>> -> memref<48x128xf32, #tpu.memory_space<vmem_shared>>
      %dma_wait3A_189 = arith.constant 0 : i32
      %dma_wait3A_190 = tpu.memref_slice %arg16[%multiple_of3A_167, %dma_wait3A_189] : memref<10000x128xf32, #tpu.memory_space<vmem_shared>> -> memref<48x128xf32, #tpu.memory_space<vmem_shared>>
      tpu.wait_dma2 semaphore(%run_scoped3A : memref<!tpu.dma_semaphore, #tpu.memory_space<semaphore_mem>>) src(%dma_wait3A_190 : memref<48x128xf32, #tpu.memory_space<vmem_shared>>) dst(%arg15 : memref<48x128xf32, #tpu.memory_space<vmem>>)
      tpu.yield
    }) : () -> ()
    "tpu.region"() ({
      %run_scoped3A = tpu.sem_alloc : memref<!tpu.dma_semaphore, #tpu.memory_space<semaphore_mem>>
      %dma_start3A = tpu.memref_slice %arg6[%multiple_of3A_167, %multiple_of3A] : memref<10000x256xf32, #tpu.memory_space<hbm>> -> memref<48x128xf32, #tpu.memory_space<hbm>>
      %dma_start3A_185 = tpu.memref_slice %arg6[%multiple_of3A_167, %multiple_of3A] : memref<10000x256xf32, #tpu.memory_space<hbm>> -> memref<48x128xf32, #tpu.memory_space<hbm>>
      tpu.enqueue_dma source(%arg15 : memref<48x128xf32, #tpu.memory_space<vmem>>) target(%dma_start3A_185 : memref<48x128xf32, #tpu.memory_space<hbm>>) target_semaphore(%run_scoped3A : memref<!tpu.dma_semaphore, #tpu.memory_space<semaphore_mem>>)
      %dma_wait3A = tpu.memref_slice %arg6[%multiple_of3A_167, %multiple_of3A] : memref<10000x256xf32, #tpu.memory_space<hbm>> -> memref<48x128xf32, #tpu.memory_space<hbm>>
      %dma_wait3A_186 = tpu.memref_slice %arg6[%multiple_of3A_167, %multiple_of3A] : memref<10000x256xf32, #tpu.memory_space<hbm>> -> memref<48x128xf32, #tpu.memory_space<hbm>>
      tpu.wait_dma2 semaphore(%run_scoped3A : memref<!tpu.dma_semaphore, #tpu.memory_space<semaphore_mem>>) src(%arg15 : memref<48x128xf32, #tpu.memory_space<vmem>>) dst(%dma_wait3A_186 : memref<48x128xf32, #tpu.memory_space<hbm>>)
      tpu.yield
    }) : () -> ()
    %add3A_168 = arith.constant 432 : i32
    %add3A_169 = arith.addi %mul3A_13, %add3A_168 : i32
    %multiple_of3A_170 = tpu.assume_multiple %add3A_169, 8 : i32
    "tpu.region"() ({
      %run_scoped3A = tpu.sem_alloc : memref<!tpu.dma_semaphore, #tpu.memory_space<semaphore_mem>>
      %dma_start3A = arith.constant 0 : i32
      %dma_start3A_185 = tpu.memref_slice %arg16[%multiple_of3A_170, %dma_start3A] : memref<10000x128xf32, #tpu.memory_space<vmem_shared>> -> memref<48x128xf32, #tpu.memory_space<vmem_shared>>
      %dma_start3A_186 = arith.constant 0 : i32
      %dma_start3A_187 = tpu.memref_slice %arg16[%multiple_of3A_170, %dma_start3A_186] : memref<10000x128xf32, #tpu.memory_space<vmem_shared>> -> memref<48x128xf32, #tpu.memory_space<vmem_shared>>
      tpu.enqueue_dma source(%dma_start3A_187 : memref<48x128xf32, #tpu.memory_space<vmem_shared>>) target(%arg15 : memref<48x128xf32, #tpu.memory_space<vmem>>) target_semaphore(%run_scoped3A : memref<!tpu.dma_semaphore, #tpu.memory_space<semaphore_mem>>)
      %dma_wait3A = arith.constant 0 : i32
      %dma_wait3A_188 = tpu.memref_slice %arg16[%multiple_of3A_170, %dma_wait3A] : memref<10000x128xf32, #tpu.memory_space<vmem_shared>> -> memref<48x128xf32, #tpu.memory_space<vmem_shared>>
      %dma_wait3A_189 = arith.constant 0 : i32
      %dma_wait3A_190 = tpu.memref_slice %arg16[%multiple_of3A_170, %dma_wait3A_189] : memref<10000x128xf32, #tpu.memory_space<vmem_shared>> -> memref<48x128xf32, #tpu.memory_space<vmem_shared>>
      tpu.wait_dma2 semaphore(%run_scoped3A : memref<!tpu.dma_semaphore, #tpu.memory_space<semaphore_mem>>) src(%dma_wait3A_190 : memref<48x128xf32, #tpu.memory_space<vmem_shared>>) dst(%arg15 : memref<48x128xf32, #tpu.memory_space<vmem>>)
      tpu.yield
    }) : () -> ()
    "tpu.region"() ({
      %run_scoped3A = tpu.sem_alloc : memref<!tpu.dma_semaphore, #tpu.memory_space<semaphore_mem>>
      %dma_start3A = tpu.memref_slice %arg6[%multiple_of3A_170, %multiple_of3A] : memref<10000x256xf32, #tpu.memory_space<hbm>> -> memref<48x128xf32, #tpu.memory_space<hbm>>
      %dma_start3A_185 = tpu.memref_slice %arg6[%multiple_of3A_170, %multiple_of3A] : memref<10000x256xf32, #tpu.memory_space<hbm>> -> memref<48x128xf32, #tpu.memory_space<hbm>>
      tpu.enqueue_dma source(%arg15 : memref<48x128xf32, #tpu.memory_space<vmem>>) target(%dma_start3A_185 : memref<48x128xf32, #tpu.memory_space<hbm>>) target_semaphore(%run_scoped3A : memref<!tpu.dma_semaphore, #tpu.memory_space<semaphore_mem>>)
      %dma_wait3A = tpu.memref_slice %arg6[%multiple_of3A_170, %multiple_of3A] : memref<10000x256xf32, #tpu.memory_space<hbm>> -> memref<48x128xf32, #tpu.memory_space<hbm>>
      %dma_wait3A_186 = tpu.memref_slice %arg6[%multiple_of3A_170, %multiple_of3A] : memref<10000x256xf32, #tpu.memory_space<hbm>> -> memref<48x128xf32, #tpu.memory_space<hbm>>
      tpu.wait_dma2 semaphore(%run_scoped3A : memref<!tpu.dma_semaphore, #tpu.memory_space<semaphore_mem>>) src(%arg15 : memref<48x128xf32, #tpu.memory_space<vmem>>) dst(%dma_wait3A_186 : memref<48x128xf32, #tpu.memory_space<hbm>>)
      tpu.yield
    }) : () -> ()
    %add3A_171 = arith.constant 480 : i32
    %add3A_172 = arith.addi %mul3A_13, %add3A_171 : i32
    %multiple_of3A_173 = tpu.assume_multiple %add3A_172, 8 : i32
    "tpu.region"() ({
      %run_scoped3A = tpu.sem_alloc : memref<!tpu.dma_semaphore, #tpu.memory_space<semaphore_mem>>
      %dma_start3A = arith.constant 0 : i32
      %dma_start3A_185 = tpu.memref_slice %arg16[%multiple_of3A_173, %dma_start3A] : memref<10000x128xf32, #tpu.memory_space<vmem_shared>> -> memref<48x128xf32, #tpu.memory_space<vmem_shared>>
      %dma_start3A_186 = arith.constant 0 : i32
      %dma_start3A_187 = tpu.memref_slice %arg16[%multiple_of3A_173, %dma_start3A_186] : memref<10000x128xf32, #tpu.memory_space<vmem_shared>> -> memref<48x128xf32, #tpu.memory_space<vmem_shared>>
      tpu.enqueue_dma source(%dma_start3A_187 : memref<48x128xf32, #tpu.memory_space<vmem_shared>>) target(%arg15 : memref<48x128xf32, #tpu.memory_space<vmem>>) target_semaphore(%run_scoped3A : memref<!tpu.dma_semaphore, #tpu.memory_space<semaphore_mem>>)
      %dma_wait3A = arith.constant 0 : i32
      %dma_wait3A_188 = tpu.memref_slice %arg16[%multiple_of3A_173, %dma_wait3A] : memref<10000x128xf32, #tpu.memory_space<vmem_shared>> -> memref<48x128xf32, #tpu.memory_space<vmem_shared>>
      %dma_wait3A_189 = arith.constant 0 : i32
      %dma_wait3A_190 = tpu.memref_slice %arg16[%multiple_of3A_173, %dma_wait3A_189] : memref<10000x128xf32, #tpu.memory_space<vmem_shared>> -> memref<48x128xf32, #tpu.memory_space<vmem_shared>>
      tpu.wait_dma2 semaphore(%run_scoped3A : memref<!tpu.dma_semaphore, #tpu.memory_space<semaphore_mem>>) src(%dma_wait3A_190 : memref<48x128xf32, #tpu.memory_space<vmem_shared>>) dst(%arg15 : memref<48x128xf32, #tpu.memory_space<vmem>>)
      tpu.yield
    }) : () -> ()
    "tpu.region"() ({
      %run_scoped3A = tpu.sem_alloc : memref<!tpu.dma_semaphore, #tpu.memory_space<semaphore_mem>>
      %dma_start3A = tpu.memref_slice %arg6[%multiple_of3A_173, %multiple_of3A] : memref<10000x256xf32, #tpu.memory_space<hbm>> -> memref<48x128xf32, #tpu.memory_space<hbm>>
      %dma_start3A_185 = tpu.memref_slice %arg6[%multiple_of3A_173, %multiple_of3A] : memref<10000x256xf32, #tpu.memory_space<hbm>> -> memref<48x128xf32, #tpu.memory_space<hbm>>
      tpu.enqueue_dma source(%arg15 : memref<48x128xf32, #tpu.memory_space<vmem>>) target(%dma_start3A_185 : memref<48x128xf32, #tpu.memory_space<hbm>>) target_semaphore(%run_scoped3A : memref<!tpu.dma_semaphore, #tpu.memory_space<semaphore_mem>>)
      %dma_wait3A = tpu.memref_slice %arg6[%multiple_of3A_173, %multiple_of3A] : memref<10000x256xf32, #tpu.memory_space<hbm>> -> memref<48x128xf32, #tpu.memory_space<hbm>>
      %dma_wait3A_186 = tpu.memref_slice %arg6[%multiple_of3A_173, %multiple_of3A] : memref<10000x256xf32, #tpu.memory_space<hbm>> -> memref<48x128xf32, #tpu.memory_space<hbm>>
      tpu.wait_dma2 semaphore(%run_scoped3A : memref<!tpu.dma_semaphore, #tpu.memory_space<semaphore_mem>>) src(%arg15 : memref<48x128xf32, #tpu.memory_space<vmem>>) dst(%dma_wait3A_186 : memref<48x128xf32, #tpu.memory_space<hbm>>)
      tpu.yield
    }) : () -> ()
    %add3A_174 = arith.constant 528 : i32
    %add3A_175 = arith.addi %mul3A_13, %add3A_174 : i32
    %multiple_of3A_176 = tpu.assume_multiple %add3A_175, 8 : i32
    "tpu.region"() ({
      %run_scoped3A = tpu.sem_alloc : memref<!tpu.dma_semaphore, #tpu.memory_space<semaphore_mem>>
      %dma_start3A = arith.constant 0 : i32
      %dma_start3A_185 = tpu.memref_slice %arg16[%multiple_of3A_176, %dma_start3A] : memref<10000x128xf32, #tpu.memory_space<vmem_shared>> -> memref<48x128xf32, #tpu.memory_space<vmem_shared>>
      %dma_start3A_186 = arith.constant 0 : i32
      %dma_start3A_187 = tpu.memref_slice %arg16[%multiple_of3A_176, %dma_start3A_186] : memref<10000x128xf32, #tpu.memory_space<vmem_shared>> -> memref<48x128xf32, #tpu.memory_space<vmem_shared>>
      tpu.enqueue_dma source(%dma_start3A_187 : memref<48x128xf32, #tpu.memory_space<vmem_shared>>) target(%arg15 : memref<48x128xf32, #tpu.memory_space<vmem>>) target_semaphore(%run_scoped3A : memref<!tpu.dma_semaphore, #tpu.memory_space<semaphore_mem>>)
      %dma_wait3A = arith.constant 0 : i32
      %dma_wait3A_188 = tpu.memref_slice %arg16[%multiple_of3A_176, %dma_wait3A] : memref<10000x128xf32, #tpu.memory_space<vmem_shared>> -> memref<48x128xf32, #tpu.memory_space<vmem_shared>>
      %dma_wait3A_189 = arith.constant 0 : i32
      %dma_wait3A_190 = tpu.memref_slice %arg16[%multiple_of3A_176, %dma_wait3A_189] : memref<10000x128xf32, #tpu.memory_space<vmem_shared>> -> memref<48x128xf32, #tpu.memory_space<vmem_shared>>
      tpu.wait_dma2 semaphore(%run_scoped3A : memref<!tpu.dma_semaphore, #tpu.memory_space<semaphore_mem>>) src(%dma_wait3A_190 : memref<48x128xf32, #tpu.memory_space<vmem_shared>>) dst(%arg15 : memref<48x128xf32, #tpu.memory_space<vmem>>)
      tpu.yield
    }) : () -> ()
    "tpu.region"() ({
      %run_scoped3A = tpu.sem_alloc : memref<!tpu.dma_semaphore, #tpu.memory_space<semaphore_mem>>
      %dma_start3A = tpu.memref_slice %arg6[%multiple_of3A_176, %multiple_of3A] : memref<10000x256xf32, #tpu.memory_space<hbm>> -> memref<48x128xf32, #tpu.memory_space<hbm>>
      %dma_start3A_185 = tpu.memref_slice %arg6[%multiple_of3A_176, %multiple_of3A] : memref<10000x256xf32, #tpu.memory_space<hbm>> -> memref<48x128xf32, #tpu.memory_space<hbm>>
      tpu.enqueue_dma source(%arg15 : memref<48x128xf32, #tpu.memory_space<vmem>>) target(%dma_start3A_185 : memref<48x128xf32, #tpu.memory_space<hbm>>) target_semaphore(%run_scoped3A : memref<!tpu.dma_semaphore, #tpu.memory_space<semaphore_mem>>)
      %dma_wait3A = tpu.memref_slice %arg6[%multiple_of3A_176, %multiple_of3A] : memref<10000x256xf32, #tpu.memory_space<hbm>> -> memref<48x128xf32, #tpu.memory_space<hbm>>
      %dma_wait3A_186 = tpu.memref_slice %arg6[%multiple_of3A_176, %multiple_of3A] : memref<10000x256xf32, #tpu.memory_space<hbm>> -> memref<48x128xf32, #tpu.memory_space<hbm>>
      tpu.wait_dma2 semaphore(%run_scoped3A : memref<!tpu.dma_semaphore, #tpu.memory_space<semaphore_mem>>) src(%arg15 : memref<48x128xf32, #tpu.memory_space<vmem>>) dst(%dma_wait3A_186 : memref<48x128xf32, #tpu.memory_space<hbm>>)
      tpu.yield
    }) : () -> ()
    %add3A_177 = arith.constant 576 : i32
    %add3A_178 = arith.addi %mul3A_13, %add3A_177 : i32
    %multiple_of3A_179 = tpu.assume_multiple %add3A_178, 8 : i32
    "tpu.region"() ({
      %run_scoped3A = tpu.sem_alloc : memref<!tpu.dma_semaphore, #tpu.memory_space<semaphore_mem>>
      %dma_start3A = arith.constant 0 : i32
      %dma_start3A_185 = tpu.memref_slice %arg16[%multiple_of3A_179, %dma_start3A] : memref<10000x128xf32, #tpu.memory_space<vmem_shared>> -> memref<48x128xf32, #tpu.memory_space<vmem_shared>>
      %dma_start3A_186 = arith.constant 0 : i32
      %dma_start3A_187 = tpu.memref_slice %arg16[%multiple_of3A_179, %dma_start3A_186] : memref<10000x128xf32, #tpu.memory_space<vmem_shared>> -> memref<48x128xf32, #tpu.memory_space<vmem_shared>>
      tpu.enqueue_dma source(%dma_start3A_187 : memref<48x128xf32, #tpu.memory_space<vmem_shared>>) target(%arg15 : memref<48x128xf32, #tpu.memory_space<vmem>>) target_semaphore(%run_scoped3A : memref<!tpu.dma_semaphore, #tpu.memory_space<semaphore_mem>>)
      %dma_wait3A = arith.constant 0 : i32
      %dma_wait3A_188 = tpu.memref_slice %arg16[%multiple_of3A_179, %dma_wait3A] : memref<10000x128xf32, #tpu.memory_space<vmem_shared>> -> memref<48x128xf32, #tpu.memory_space<vmem_shared>>
      %dma_wait3A_189 = arith.constant 0 : i32
      %dma_wait3A_190 = tpu.memref_slice %arg16[%multiple_of3A_179, %dma_wait3A_189] : memref<10000x128xf32, #tpu.memory_space<vmem_shared>> -> memref<48x128xf32, #tpu.memory_space<vmem_shared>>
      tpu.wait_dma2 semaphore(%run_scoped3A : memref<!tpu.dma_semaphore, #tpu.memory_space<semaphore_mem>>) src(%dma_wait3A_190 : memref<48x128xf32, #tpu.memory_space<vmem_shared>>) dst(%arg15 : memref<48x128xf32, #tpu.memory_space<vmem>>)
      tpu.yield
    }) : () -> ()
    "tpu.region"() ({
      %run_scoped3A = tpu.sem_alloc : memref<!tpu.dma_semaphore, #tpu.memory_space<semaphore_mem>>
      %dma_start3A = tpu.memref_slice %arg6[%multiple_of3A_179, %multiple_of3A] : memref<10000x256xf32, #tpu.memory_space<hbm>> -> memref<48x128xf32, #tpu.memory_space<hbm>>
      %dma_start3A_185 = tpu.memref_slice %arg6[%multiple_of3A_179, %multiple_of3A] : memref<10000x256xf32, #tpu.memory_space<hbm>> -> memref<48x128xf32, #tpu.memory_space<hbm>>
      tpu.enqueue_dma source(%arg15 : memref<48x128xf32, #tpu.memory_space<vmem>>) target(%dma_start3A_185 : memref<48x128xf32, #tpu.memory_space<hbm>>) target_semaphore(%run_scoped3A : memref<!tpu.dma_semaphore, #tpu.memory_space<semaphore_mem>>)
      %dma_wait3A = tpu.memref_slice %arg6[%multiple_of3A_179, %multiple_of3A] : memref<10000x256xf32, #tpu.memory_space<hbm>> -> memref<48x128xf32, #tpu.memory_space<hbm>>
      %dma_wait3A_186 = tpu.memref_slice %arg6[%multiple_of3A_179, %multiple_of3A] : memref<10000x256xf32, #tpu.memory_space<hbm>> -> memref<48x128xf32, #tpu.memory_space<hbm>>
      tpu.wait_dma2 semaphore(%run_scoped3A : memref<!tpu.dma_semaphore, #tpu.memory_space<semaphore_mem>>) src(%arg15 : memref<48x128xf32, #tpu.memory_space<vmem>>) dst(%dma_wait3A_186 : memref<48x128xf32, #tpu.memory_space<hbm>>)
      tpu.yield
    }) : () -> ()
    %eq3A_180 = arith.constant 15 : i32
    %eq3A_181 = arith.cmpi eq, %arg1, %eq3A_180 : i32
    %convert_element_type3A_182 = arith.extui %eq3A_181 : i1 to i32
    %cond3A_183 = arith.constant 0 : i32
    %cond3A_184 = arith.cmpi ne, %convert_element_type3A_182, %cond3A_183 : i32
    scf.if %cond3A_184 {
      %multiple_of3A_185 = arith.constant 9984 : i32
      %multiple_of3A_186 = tpu.assume_multiple %multiple_of3A_185, 8 : i32
      "tpu.region"() ({
        %run_scoped3A = tpu.sem_alloc : memref<!tpu.dma_semaphore, #tpu.memory_space<semaphore_mem>>
        %dma_start3A = arith.constant 0 : i32
        %dma_start3A_187 = arith.constant 0 : i32
        %dma_start3A_188 = tpu.memref_slice %arg15[%dma_start3A, %dma_start3A_187] : memref<48x128xf32, #tpu.memory_space<vmem>> -> memref<16x128xf32, #tpu.memory_space<vmem>>
        %dma_start3A_189 = arith.constant 0 : i32
        %dma_start3A_190 = tpu.memref_slice %arg16[%multiple_of3A_186, %dma_start3A_189] : memref<10000x128xf32, #tpu.memory_space<vmem_shared>> -> memref<16x128xf32, #tpu.memory_space<vmem_shared>>
        %dma_start3A_191 = arith.constant 0 : i32
        %dma_start3A_192 = arith.constant 0 : i32
        %dma_start3A_193 = tpu.memref_slice %arg15[%dma_start3A_191, %dma_start3A_192] : memref<48x128xf32, #tpu.memory_space<vmem>> -> memref<16x128xf32, #tpu.memory_space<vmem>>
        %dma_start3A_194 = arith.constant 0 : i32
        %dma_start3A_195 = tpu.memref_slice %arg16[%multiple_of3A_186, %dma_start3A_194] : memref<10000x128xf32, #tpu.memory_space<vmem_shared>> -> memref<16x128xf32, #tpu.memory_space<vmem_shared>>
        tpu.enqueue_dma source(%dma_start3A_195 : memref<16x128xf32, #tpu.memory_space<vmem_shared>>) target(%dma_start3A_193 : memref<16x128xf32, #tpu.memory_space<vmem>>) target_semaphore(%run_scoped3A : memref<!tpu.dma_semaphore, #tpu.memory_space<semaphore_mem>>)
        %dma_wait3A = arith.constant 0 : i32
        %dma_wait3A_196 = arith.constant 0 : i32
        %dma_wait3A_197 = tpu.memref_slice %arg15[%dma_wait3A, %dma_wait3A_196] : memref<48x128xf32, #tpu.memory_space<vmem>> -> memref<16x128xf32, #tpu.memory_space<vmem>>
        %dma_wait3A_198 = arith.constant 0 : i32
        %dma_wait3A_199 = tpu.memref_slice %arg16[%multiple_of3A_186, %dma_wait3A_198] : memref<10000x128xf32, #tpu.memory_space<vmem_shared>> -> memref<16x128xf32, #tpu.memory_space<vmem_shared>>
        %dma_wait3A_200 = arith.constant 0 : i32
        %dma_wait3A_201 = arith.constant 0 : i32
        %dma_wait3A_202 = tpu.memref_slice %arg15[%dma_wait3A_200, %dma_wait3A_201] : memref<48x128xf32, #tpu.memory_space<vmem>> -> memref<16x128xf32, #tpu.memory_space<vmem>>
        %dma_wait3A_203 = arith.constant 0 : i32
        %dma_wait3A_204 = tpu.memref_slice %arg16[%multiple_of3A_186, %dma_wait3A_203] : memref<10000x128xf32, #tpu.memory_space<vmem_shared>> -> memref<16x128xf32, #tpu.memory_space<vmem_shared>>
        tpu.wait_dma2 semaphore(%run_scoped3A : memref<!tpu.dma_semaphore, #tpu.memory_space<semaphore_mem>>) src(%dma_wait3A_204 : memref<16x128xf32, #tpu.memory_space<vmem_shared>>) dst(%dma_wait3A_202 : memref<16x128xf32, #tpu.memory_space<vmem>>)
        tpu.yield
      }) : () -> ()
      "tpu.region"() ({
        %run_scoped3A = tpu.sem_alloc : memref<!tpu.dma_semaphore, #tpu.memory_space<semaphore_mem>>
        %dma_start3A = arith.constant 0 : i32
        %dma_start3A_187 = arith.constant 0 : i32
        %dma_start3A_188 = tpu.memref_slice %arg15[%dma_start3A, %dma_start3A_187] : memref<48x128xf32, #tpu.memory_space<vmem>> -> memref<16x128xf32, #tpu.memory_space<vmem>>
        %dma_start3A_189 = tpu.memref_slice %arg6[%multiple_of3A_186, %multiple_of3A] : memref<10000x256xf32, #tpu.memory_space<hbm>> -> memref<16x128xf32, #tpu.memory_space<hbm>>
        %dma_start3A_190 = tpu.memref_slice %arg6[%multiple_of3A_186, %multiple_of3A] : memref<10000x256xf32, #tpu.memory_space<hbm>> -> memref<16x128xf32, #tpu.memory_space<hbm>>
        %dma_start3A_191 = arith.constant 0 : i32
        %dma_start3A_192 = arith.constant 0 : i32
        %dma_start3A_193 = tpu.memref_slice %arg15[%dma_start3A_191, %dma_start3A_192] : memref<48x128xf32, #tpu.memory_space<vmem>> -> memref<16x128xf32, #tpu.memory_space<vmem>>
        tpu.enqueue_dma source(%dma_start3A_193 : memref<16x128xf32, #tpu.memory_space<vmem>>) target(%dma_start3A_190 : memref<16x128xf32, #tpu.memory_space<hbm>>) target_semaphore(%run_scoped3A : memref<!tpu.dma_semaphore, #tpu.memory_space<semaphore_mem>>)
        %dma_wait3A = arith.constant 0 : i32
        %dma_wait3A_194 = arith.constant 0 : i32
        %dma_wait3A_195 = tpu.memref_slice %arg15[%dma_wait3A, %dma_wait3A_194] : memref<48x128xf32, #tpu.memory_space<vmem>> -> memref<16x128xf32, #tpu.memory_space<vmem>>
        %dma_wait3A_196 = tpu.memref_slice %arg6[%multiple_of3A_186, %multiple_of3A] : memref<10000x256xf32, #tpu.memory_space<hbm>> -> memref<16x128xf32, #tpu.memory_space<hbm>>
        %dma_wait3A_197 = tpu.memref_slice %arg6[%multiple_of3A_186, %multiple_of3A] : memref<10000x256xf32, #tpu.memory_space<hbm>> -> memref<16x128xf32, #tpu.memory_space<hbm>>
        %dma_wait3A_198 = arith.constant 0 : i32
        %dma_wait3A_199 = arith.constant 0 : i32
        %dma_wait3A_200 = tpu.memref_slice %arg15[%dma_wait3A_198, %dma_wait3A_199] : memref<48x128xf32, #tpu.memory_space<vmem>> -> memref<16x128xf32, #tpu.memory_space<vmem>>
        tpu.wait_dma2 semaphore(%run_scoped3A : memref<!tpu.dma_semaphore, #tpu.memory_space<semaphore_mem>>) src(%dma_wait3A_200 : memref<16x128xf32, #tpu.memory_space<vmem>>) dst(%dma_wait3A_197 : memref<16x128xf32, #tpu.memory_space<hbm>>)
        tpu.yield
      }) : () -> ()
    } else {
    }
    return
  }
}

module attributes {stable_mosaic.version = 14 : i64} {
  func.func @_node_proj_body(%arg0: i32, %arg1: i32, %arg2: memref<1000x256xf32, #tpu.memory_space<vmem>>, %arg3: memref<256x128xf32, #tpu.memory_space<vmem>>, %arg4: memref<1x1x128xf32, #tpu.memory_space<vmem>>, %arg5: memref<1x1000x128xf32, #tpu.memory_space<vmem>>) attributes {dimension_semantics = [#tpu.dimension_semantics<arbitrary>, #tpu.dimension_semantics<arbitrary>], iteration_bounds = array<i64: 10, 8>, scalar_prefetch = 0 : i64, scratch_operands = 0 : i64, tpu.core_type = #tpu.core_type<tc>, window_params = [{transform_indices = @transform_0, window_bounds = array<i64: 1000, 256>}, {transform_indices = @transform_1, window_bounds = array<i64: 256, 128>}, {transform_indices = @transform_2, window_bounds = array<i64: 1, 1, 128>}, {transform_indices = @transform_3, window_bounds = array<i64: 1, 1000, 128>}]} {
    %get3A = arith.constant 0 : index
    %get3A_0 = arith.constant 0 : index
    %get3A_1 = vector.load %arg2[%get3A, %get3A_0] : memref<1000x256xf32, #tpu.memory_space<vmem>>, vector<1000x256xf32>
    %get3A_2 = arith.constant 0 : index
    %get3A_3 = arith.constant 0 : index
    %get3A_4 = vector.load %arg3[%get3A_2, %get3A_3] : memref<256x128xf32, #tpu.memory_space<vmem>>, vector<256x128xf32>
    %dot_general3A = arith.constant dense<0.000000e+00> : vector<1000x128xf32>
    %dot_general3A_5 = tpu.matmul %get3A_1, %get3A_4, %dot_general3A {dimension_numbers = #tpu.dot_dimension_numbers<[1], [0], [0], [1], [0, 0, 1, 1], [], []>, transpose_lhs_hint = false} : vector<1000x256xf32>, vector<256x128xf32>, vector<1000x128xf32> -> vector<1000x128xf32>
    %get3A_6 = arith.constant 0 : index
    %get3A_7 = arith.constant 0 : index
    %get3A_8 = arith.constant 0 : index
    %get3A_9 = vector.load %arg4[%get3A_6, %get3A_7, %get3A_8] : memref<1x1x128xf32, #tpu.memory_space<vmem>>, vector<1x1x128xf32>
    %get3A_10 = vector.shape_cast %get3A_9 : vector<1x1x128xf32> to vector<1x128xf32>
    %add3A = vector.broadcast %get3A_10 : vector<1x128xf32> to vector<1000x128xf32>
    %add3A_11 = arith.addf %dot_general3A_5, %add3A : vector<1000x128xf32>
    %swap3A = arith.constant 0 : index
    %swap3A_12 = arith.constant 0 : index
    %swap3A_13 = arith.constant 0 : index
    %swap3A_14 = vector.load %arg5[%swap3A, %swap3A_12, %swap3A_13] : memref<1x1000x128xf32, #tpu.memory_space<vmem>>, vector<1x1000x128xf32>
    %swap3A_15 = vector.shape_cast %swap3A_14 : vector<1x1000x128xf32> to vector<1000x128xf32>
    %swap3A_16 = vector.shape_cast %add3A_11 : vector<1000x128xf32> to vector<1x1000x128xf32>
    tpu.vector_store %arg5[%swap3A, %swap3A_12, %swap3A_13], %swap3A_16 {strides = array<i32>} : memref<1x1000x128xf32, #tpu.memory_space<vmem>>, vector<1x1000x128xf32>,
    return
  }
  func.func @transform_0(%arg0: i32, %arg1: i32) -> (i32, i32) {
    %c0_i32 = arith.constant 0 : i32
    %c0_i32_0 = arith.constant 0 : i32
    return %arg0, %c0_i32 : i32, i32
  }
  func.func @transform_1(%arg0: i32, %arg1: i32) -> (i32, i32) {
    %c0_i32 = arith.constant 0 : i32
    %c0_i32_0 = arith.constant 0 : i32
    return %c0_i32, %arg1 : i32, i32
  }
  func.func @transform_2(%arg0: i32, %arg1: i32) -> (i32, i32, i32) {
    %c0_i32 = arith.constant 0 : i32
    %c0_i32_0 = arith.constant 0 : i32
    %c0_i32_1 = arith.constant 0 : i32
    return %arg1, %c0_i32, %c0_i32_0 : i32, i32, i32
  }
  func.func @transform_3(%arg0: i32, %arg1: i32) -> (i32, i32, i32) {
    %c0_i32 = arith.constant 0 : i32
    %c0_i32_0 = arith.constant 0 : i32
    return %arg1, %arg0, %c0_i32 : i32, i32, i32
  }
}

module attributes {stable_mosaic.version = 14 : i64} {
  func.func @_edge_proj_body(%arg0: i32, %arg1: memref<2000x16xf32, #tpu.memory_space<vmem>>, %arg2: memref<16x256xf32, #tpu.memory_space<vmem>>, %arg3: memref<1x256xf32, #tpu.memory_space<vmem>>, %arg4: memref<2000x256xf32, #tpu.memory_space<vmem>>) attributes {dimension_semantics = [#tpu.dimension_semantics<arbitrary>], iteration_bounds = array<i64: 80>, scalar_prefetch = 0 : i64, scratch_operands = 0 : i64, tpu.core_type = #tpu.core_type<tc>, window_params = [{transform_indices = @transform_0, window_bounds = array<i64: 2000, 16>}, {pipeline_mode = #tpu.pipeline_mode<synchronous>, transform_indices = @transform_1, window_bounds = array<i64: 16, 256>}, {pipeline_mode = #tpu.pipeline_mode<synchronous>, transform_indices = @transform_2, window_bounds = array<i64: 1, 256>}, {transform_indices = @transform_3, window_bounds = array<i64: 2000, 256>}]} {
    %get3A = arith.constant 0 : index
    %get3A_0 = arith.constant 0 : index
    %get3A_1 = vector.load %arg1[%get3A, %get3A_0] : memref<2000x16xf32, #tpu.memory_space<vmem>>, vector<2000x16xf32>
    %get3A_2 = arith.constant 0 : index
    %get3A_3 = arith.constant 0 : index
    %get3A_4 = vector.load %arg2[%get3A_2, %get3A_3] : memref<16x256xf32, #tpu.memory_space<vmem>>, vector<16x256xf32>
    %dot_general3A = arith.constant dense<0.000000e+00> : vector<2000x256xf32>
    %dot_general3A_5 = tpu.matmul %get3A_1, %get3A_4, %dot_general3A {dimension_numbers = #tpu.dot_dimension_numbers<[1], [0], [0], [1], [0, 0, 1, 1], [], []>, transpose_lhs_hint = false} : vector<2000x16xf32>, vector<16x256xf32>, vector<2000x256xf32> -> vector<2000x256xf32>
    %get3A_6 = arith.constant 0 : index
    %get3A_7 = arith.constant 0 : index
    %get3A_8 = vector.load %arg3[%get3A_6, %get3A_7] : memref<1x256xf32, #tpu.memory_space<vmem>>, vector<1x256xf32>
    %add3A = vector.broadcast %get3A_8 : vector<1x256xf32> to vector<2000x256xf32>
    %add3A_9 = arith.addf %dot_general3A_5, %add3A : vector<2000x256xf32>
    %swap3A = arith.constant 0 : index
    %swap3A_10 = arith.constant 0 : index
    %swap3A_11 = vector.load %arg4[%swap3A, %swap3A_10] : memref<2000x256xf32, #tpu.memory_space<vmem>>, vector<2000x256xf32>
    tpu.vector_store %arg4[%swap3A, %swap3A_10], %add3A_9 {strides = array<i32>} : memref<2000x256xf32, #tpu.memory_space<vmem>>, vector<2000x256xf32>,
    return
  }
  func.func @transform_0(%arg0: i32) -> (i32, i32) {
    %c0_i32 = arith.constant 0 : i32
    %c0_i32_0 = arith.constant 0 : i32
    return %arg0, %c0_i32 : i32, i32
  }
  func.func @transform_1(%arg0: i32) -> (i32, i32) {
    %c0_i32 = arith.constant 0 : i32
    %c0_i32_0 = arith.constant 0 : i32
    %c0_i32_1 = arith.constant 0 : i32
    return %c0_i32, %c0_i32_0 : i32, i32
  }
  func.func @transform_2(%arg0: i32) -> (i32, i32) {
    %c0_i32 = arith.constant 0 : i32
    %c0_i32_0 = arith.constant 0 : i32
    %c0_i32_1 = arith.constant 0 : i32
    return %c0_i32, %c0_i32_0 : i32, i32
  }
  func.func @transform_3(%arg0: i32) -> (i32, i32) {
    %c0_i32 = arith.constant 0 : i32
    %c0_i32_0 = arith.constant 0 : i32
    return %arg0, %c0_i32 : i32, i32
  }
}

</mosaic_0001>

<sc_bundles>
// kernel: kernel.5.cloned.1.call-start
scs
__scs_entry_jumppad:
0x0: {  	(pc) =	sbr.rel $0x88, $3  }
0x1: {  	(tag) =	ssettag $0x0;
	lr =	simm.s32 $0x1  }
0x2: {  	[smem:$0x3F99] =	sst lr;
	_ =	strace $0xD0000000  }
0x3: {  	_ = 	snop  }
0x4: {  	_ = 	snop  }
0x5: {  	_ = 	snop  }
0x6: {  	_ = 	snop  }
0x7: {  	_ = 	snop  }
__scs_overlays_trampoline_lowered:
0x8: {  	[smem:$0x3FA8] =	sst s0  }
0x9: {  	[smem:$0x3FA9] =	sst s1  }
0xa: {  	[smem:$0x3FAA] =	sst s2  }
0xb: {  	[smem:$0x3FAB] =	sst s3  }
0xc: {  	[smem:$0x3FAC] =	sst s4  }
0xd: {  	[smem:$0x3FAD] =	sst s5  }
0xe: {  	[smem:$0x3FAE] =	sst s6  }
0xf: {  	[smem:$0x3FAF] =	sst s7  }
0x10: {  	[smem:$0x3FB0] =	sst s8  }
0x11: {  	[smem:$0x3FB1] =	sst s9;
	s0 =	simm.s32 @!p0 $0x0  }
0x12: {  	s1 =	sld [smem:$0x3F97];
	s0 =	simm.s32 @p0 $0x1  }
0x13: {  	[smem:$0x3FB2] =	sst s0;
	s0 =	simm.s32 @!p1 $0x0  }
0x14: {  	s2 =	sld [smem:$0x3F96];
	s0 =	simm.s32 @p1 $0x1  }
0x15: {  	[smem:$0x3FB3] =	sst s0;
	s0 =	simm.s32 @!p2 $0x0  }
0x16: {  	s3 =	sld [smem:$0x3FDB];
	s0 =	simm.s32 @p2 $0x1  }
0x17: {  	s4 =	simm.s32 $0x1BF5;
	[smem:$0x3FB5] =	sst s0  }
0x18: {  	s0 =	sld [smem:$0x3F98];
	_ =	swait.ge [sflag:s4], $0x0  }
0x19: {  	s7 =	sld [smem:$0x3F99]  }
0x1a: {  	s8 =	sadd.s32 $0xFFFFE003, lr  }
0x1b: {  	s9 =	sadd.s32 $0xFFFFFEF7, lr;
	s5 =	simm.s32 $0xFFFFFFFF;
	p2 =	slt.u32 s8, $0xFFFFF086  }
0x1c: {  	p1 =	slt.u32 s9, $0xF7A;
	s5 =	simm.s32 @!p2 $0x0  }
0x1d: {  	s5 =	simm.s32 @p1 $0x1;
	p0 =	seq.s32 s7, s2  }
0x1e: {  	s7 =	smul.u32 @!p0 $0xF7A, s2;
	p2 =	seq.s32 @!p0 s5, $0x0  }
0x1f: {  	s9 =	smul.u32 $0xF7A, s1;
	s8 =	simm.s32 @!p0 $0x1BF5;
	p2 =	por !p2, p0  }
0x20: {  	[sflag:s8] =	ssyncset.s32 @!p0 $0xFFFFF086;
	s6 =	sadd.s32 @!p0 s3, s7;
	s7 =	simm.s32 @!p0 $0x108  }
0x21: {  	s3 =	sadd.s32 s3, s9;
	s6 =	sadd.s32 @!p0 $0x88, s6;
	s7 =	simm.s32 @p2 $0x1082  }
0x22: {  	[simem:s7], [sflag:s8] =	dma.local @!p0 [hbm:s6], $0xF7A  }
0x23: {  	s9 =	sor.u32 $0xD0000000, s2;
	s6 =	simm.s32 $0x108;
	_ =	swait.ge @!p0 [sflag:s8], $0x0  }
0x24: {  	s3 =	sadd.s32 $0x88, s3;
	s6 =	simm.s32 @!p1 $0x1082;
	[sflag:s4] =	ssyncset.s32 $0xFFFFF086  }
0x25: {  	[simem:s6], [sflag:s4] =	dma.local [hbm:s3], $0xF7A  }
0x26: {  	[smem:$0x3F99] =	sst s1;
	(tag) =	ssettag s2;
	_ =	strace s9  }
0x27: {  	s1 =	sld [smem:$0x3FA9]  }
0x28: {  	s2 =	sld [smem:$0x3FAA]  }
0x29: {  	s4 =	sld [smem:$0x3FAC]  }
0x2a: {  	p0 =	seq.s32 s5, $0x0;
	s5 =	sld [smem:$0x3FAD]  }
0x2b: {  	s6 =	sld [smem:$0x3FAE]  }
0x2c: {  	s7 =	sld [smem:$0x3FAF]  }
0x2d: {  	s3 =	simm.s32 $0x108;
	s8 =	sld [smem:$0x3FB0]  }
0x2e: {  	s3 =	simm.s32 @!p0 $0x1082;
	s9 =	sld [smem:$0x3FB1]  }
0x2f: {  	lr =	sadd.s32 s0, s3;
	s0 =	sld [smem:$0x3FA8]  }
0x30: {  	s3 =	sld [smem:$0x3FAB]  }
0x31: {  	[smem:$0x3FB4] =	sst s10  }
0x32: {  	s10 =	sld [smem:$0x3FB2];
	_ =	sdelay $0x3  }
0x33: {  	p0 =	seq.s32 s10, $0x1;
	s10 =	sld [smem:$0x3FB4];
	_ =	sdelay $0x3  }
0x34: {  	[smem:$0x3FB4] =	sst s10  }
0x35: {  	s10 =	sld [smem:$0x3FB3];
	_ =	sdelay $0x3  }
0x36: {  	p1 =	seq.s32 s10, $0x1;
	s10 =	sld [smem:$0x3FB4];
	_ =	sdelay $0x3  }
0x37: {  	[smem:$0x3FB4] =	sst s10  }
0x38: {  	s10 =	sld [smem:$0x3FB5]  }
0x39: {  	_ = 	snop;
	(pc) =	sbr.ind lr, $3  }
0x3a: {  	_ = 	snop  }
0x3b: {  	_ = 	snop  }
0x3c: {  	p2 =	seq.s32 s10, $0x1;
	s10 =	sld [smem:$0x3FB4]  }
0x3d: {  	_ =	shalt  }
0x3e: {  	_ =	shalt  }
0x3f: {  	_ =	shalt  }
0x40: {  	_ =	shalt  }
0x41: {  	_ =	shalt  }
0x42: {  	_ =	shalt  }
0x43: {  	_ =	shalt  }
0x44: {  	_ =	shalt  }
0x45: {  	_ =	shalt  }
0x46: {  	_ =	shalt  }
0x47: {  	_ =	shalt  }
0x48: {  	_ =	shalt  }
0x49: {  	_ =	shalt  }
0x4a: {  	_ =	shalt  }
0x4b: {  	_ =	shalt  }
0x4c: {  	_ =	shalt  }
0x4d: {  	_ =	shalt  }
0x4e: {  	_ =	shalt  }
0x4f: {  	_ =	shalt  }
0x50: {  	_ =	shalt  }
0x51: {  	_ =	shalt  }
0x52: {  	_ =	shalt  }
0x53: {  	_ =	shalt  }
0x54: {  	_ =	shalt  }
0x55: {  	_ =	shalt  }
0x56: {  	_ =	shalt  }
0x57: {  	_ =	shalt  }
0x58: {  	_ =	shalt  }
0x59: {  	_ =	shalt  }
0x5a: {  	_ =	shalt  }
0x5b: {  	_ =	shalt  }
0x5c: {  	_ =	shalt  }
0x5d: {  	_ =	shalt  }
0x5e: {  	_ =	shalt  }
0x5f: {  	_ =	shalt  }
0x60: {  	_ =	shalt  }
0x61: {  	_ =	shalt  }
0x62: {  	_ =	shalt  }
0x63: {  	_ =	shalt  }
0x64: {  	_ =	shalt  }
0x65: {  	_ =	shalt  }
0x66: {  	_ =	shalt  }
0x67: {  	_ =	shalt  }
0x68: {  	_ =	shalt  }
0x69: {  	_ =	shalt  }
0x6a: {  	_ =	shalt  }
0x6b: {  	_ =	shalt  }
0x6c: {  	_ =	shalt  }
0x6d: {  	_ =	shalt  }
0x6e: {  	_ =	shalt  }
0x6f: {  	_ =	shalt  }
0x70: {  	_ =	shalt  }
0x71: {  	_ =	shalt  }
0x72: {  	_ =	shalt  }
0x73: {  	_ =	shalt  }
0x74: {  	_ =	shalt  }
0x75: {  	_ =	shalt  }
0x76: {  	_ =	shalt  }
0x77: {  	_ =	shalt  }
0x78: {  	_ =	shalt  }
0x79: {  	_ =	shalt  }
0x7a: {  	_ =	shalt  }
0x7b: {  	_ =	shalt  }
0x7c: {  	_ =	shalt  }
0x7d: {  	_ =	shalt  }
0x7e: {  	_ =	shalt  }
0x7f: {  	_ =	shalt  }
0x80: {  	_ =	shalt  }
0x81: {  	_ =	shalt  }
0x82: {  	_ =	shalt  }
0x83: {  	_ =	shalt  }
0x84: {  	_ =	shalt  }
0x85: {  	_ =	shalt  }
0x86: {  	_ =	shalt  }
0x87: {  	_ =	shalt  }
.Lfunc_end0:
.L_simem_size_0:
called_computation_lowered:
.L_overlay_start_0:
0x88: {  	s2 =	sld [smem:$0x3FD9]  }
0x89: {  	s3 =	sld [smem:$0x3FFE];
	_ =	sdelay $0x1  }
0x8a: {  	s1 =	srdreg.scid  }
0x8b: {  	s0 =	sand.u32 $0x1, s1  }
0x8c: {  	s14 =	sshll.u32 s0, $0xA;
	s2 =	sadd.s32 s3, s2  }
0x8d: {  	s2 =	sadd.s32 s2, s14  }
0x8e: {  	[smem:$0x3FC0] =	sst s2  }
0x8f: {  	_ = 	snop  }
0x90: {  	s2 =	sld [smem:$0x3FD0];
	_ =	sdelay $0x2  }
0x91: {  	s15 =	simm.s32 $0xA;
	s4 =	simm.s32 $0x10  }
0x92: {  	[smem:s4], [sflag:s15] =	dma.local [hbm:s2], $0x1  }
0x93: {  	_ =	swait.eq [sflag:s15], $0x1  }
0x94: {  	[sflag:s15] =	ssyncset.done $0x0  }
0x95: {  	s16 =	sld [smem:$0x10];
	[sflag:s15] =	ssyncadd.s32 $0xFFFFFFFF  }
0x96: {  	s17 =	sld [smem:$0x11];
	(tm) =	ssettm $0x1  }
0x97: {  	s18 =	sld [smem:$0x3FFB];
	_ =	sdelay $0x3  }
0x98: {  	_ =	strace s18  }
0x99: {  	s4 =	sld [smem:$0x3FFC];
	_ =	sdelay $0x3  }
0x9a: {  	_ =	strace s4  }
0x9b: {  	s4 =	sld [smem:$0x3FFD];
	_ =	sdelay $0x3  }
0x9c: {  	_ =	strace s4  }
0x9d: {  	_ =	strace $0x8FFFFFFF  }
0x9e: {  	s19 =	sld [smem:$0x3FDB];
	_ =	sdelay $0x1  }
0x9f: {  	s5 =	simm.s32 $_scs_section_size  }
0xa0: {  	s6 =	simm.s32 $_size__tile_overlayer_lowered;
	s7 =	simm.s32 $_tile_overlayer_lowered  }
0xa1: {  	s22 =	simm.s32 $0x1BFF;
	s21 =	sshll.u32 s7, $0x1;
	s4 =	sadd.s32 s5, s19  }
0xa2: {  	s8 =	simm.s32 $0x0;
	s20 =	sshll.u32 s6, $0x1;
	s6 =	sadd.s32 s21, s4  }
0xa3: {  	[timem:s8], [sflag:s22] =	dma.local [hbm:s6], s20  }
0xa4: {  	_ =	swait.ge [sflag:s22], s20  }
0xa5: {  	s5 =	ssub.s32 $0x0, s20;
	[sflag:s22] =	ssyncset.done $0x0  }
0xa6: {  	[sflag:s22] =	ssyncadd.s32 s5;
	_ =	sdelay $0x1  }
0xa7: {  	s23 =	simm.s32 $0x1B8B  }
0xa8: {  	_ =	swait.ge [sflag:s23], $0x1  }
0xa9: {  	[sflag:s23] =	ssyncset.done $0x0  }
0xaa: {  	s25 =	simm.s32 $0x1B8E;
	s24 =	sld [smem:$0x3FFE];
	[sflag:s23] =	ssyncadd.s32 $0xFFFFFFFF  }
0xab: {  	s26 =	simm.s32 $execute0_lowered;
	[smem:$0x3FD2] =	sst s25  }
0xac: {  	s6 =	sshll.u32 s26, $0x1;
	_ =	strace $0x80000046;
	[dreg:$0x1] =	wrdreg $0xFFFFFFFF  }
0xad: {  	s28 =	simm.s32 $_size_execute0_lowered;
	s4 =	sadd.s32 s4, s6;
	[dreg:$0x0] =	wrdreg $0x0  }
0xae: {  	s6 =	sshll.u32 s28, $0x1;
	[dreg:$0x2] =	wrdreg s4  }
0xaf: {  	[dreg:$0x3] =	wrdreg s6  }
0xb0: {  	[dreg:$0x4] =	wrdreg $0xC0  }
0xb1: {  	_ =	task [dreg:s8], $0x5FFFF  }
0xb2: {  	[dreg:$0x1] =	wrdreg $0xFFFFFFFF  }
0xb3: {  	[dreg:$0x0] =	wrdreg $0x60  }
0xb4: {  	[dreg:$0x2] =	wrdreg s24  }
0xb5: {  	[dreg:$0x3] =	wrdreg s17  }
0xb6: {  	[dreg:$0x4] =	wrdreg s16  }
0xb7: {  	[dreg:$0x5] =	wrdreg $0xBD800  }
0xb8: {  	[dreg:$0x6] =	wrdreg $0x9  }
0xb9: {  	_ =	task.clear_ibuf [dreg:s8], $0x7FFFF;
	_ =	strace $0x90000046  }
0xba: {  	s29 =	simm.s32 $0x9;
	_ =	strace $0x80000048  }
0xbb: {  	_ =	swait.ge [sflag:s29], $0x1  }
0xbc: {  	[sflag:s29] =	ssyncadd.s32 $0xFFFFFFFF  }
0xbd: {  	_ =	strace $0x90000048  }
0xbe: {  	_ =	sfence  }
0xbf: {  	s30 =	sld [smem:$0x0];
	_ =	sdelay $0x2  }
0xc0: {  	s31 =	sshll.u32 s1, $0xD;
	s1 =	sshrl.u32 s1, $0x2  }
0xc1: {  	s3 =	sand.u32 $0x4000, s31;
	s1 =	sadd.s32 s1, s30  }
0xc2: {  	s0 =	sor.u32 s3, s0;
	s1 =	sshll.u32 s1, $0x11  }
0xc3: {  	s0 =	sor.u32 s1, s0  }
0xc4: {  	s0 =	sadd.s32 $0x8F2B, s0  }
0xc5: {  	[sflag:s0] =	ssyncadd.remote.s32 $0x1  }
0xc6: {  	_ =	sfence.sel $0xFFFF  }
0xc7: {  	[dreg:$0x0] =	wrdreg $0xFFFFFFFF;
	(pc) =	sbr.abs _section_cstart, $3  }
0xc8: {  	[dreg:$0x1] =	wrdreg $0xFFFFFFFF  }
0xc9: {  	_ =	task.clear_ibuf [dreg:s8], $0x2FFFF;
	_ =	strace $0x9FFFFFFF  }
0xca: {  	(tm) =	ssettm $0x7FFFFFFF  }
0xcb: {  	_ =	shalt  }
tec
execute0_lowered:
.L_overlay_start_1:
0x0: {  	(tag) =	ssettag $0x1  }
0x1: {  	s0 =	srdreg.scid  }
0x2: {  	s23 =	stileid.u32;
	s7 =	rddreg [dreg:$0x0]  }
0x3: {  	s1 =	simm.s32 $0x0;
	s29 =	rddreg [dreg:$0x2];
	s10 =	sand.u32 $0x1, s0  }
0x4: {  	s12 =	smul.u32 $0x270, s23;
	[smem:$0x7FF] =	sst s1;
	s0 =	ssub.s32 $0x2, s10  }
0x5: {  	s20 =	smul.u32 $0x27000, s23;
	s5 =	sshll.u32 s10, $0xA;
	s2 =	sshrl.u32 s0, $0x1  }
0x6: {  	s22 =	sadd.s32 $0x30, s12;
	s28 =	sadd.s32 $0x60, s12;
	s1 =	sadd.s32 $0x90, s12  }
0x7: {  	s30 =	sadd.s32 $0xC0, s12;
	s31 =	sadd.s32 $0xF0, s12;
	s18 =	sadd.s32 $0x120, s12  }
0x8: {  	s15 =	sadd.s32 $0x150, s12;
	s17 =	sadd.s32 $0x180, s12;
	s24 =	sor.u32 s5, s20  }
0x9: {  	s11 =	sadd.s32 $0x1B0, s12;
	s21 =	ssub.s32 s0, s2;
	[smem:$0x7E3] =	sst s24  }
0xa: {  	s25 =	sshll.u32 s22, $0x8;
	s0 =	sshll.u32 s28, $0x8;
	s4 =	sshll.u32 s1, $0x8  }
0xb: {  	s26 =	sor.u32 s5, s25;
	s6 =	sor.u32 s5, s4;
	s4 =	rddreg [dreg:$0x3]  }
0xc: {  	s8 =	sshll.u32 s30, $0x8;
	s3 =	sor.u32 s5, s0;
	[smem:$0x7E4] =	sst s26  }
0xd: {  	s13 =	sshll.u32 s31, $0x8;
	s14 =	sshll.u32 s18, $0x8;
	[smem:$0x7E5] =	sst s3  }
0xe: {  	s20 =	sshll.u32 s15, $0x8;
	s9 =	sor.u32 s5, s8;
	[smem:$0x7E6] =	sst s6  }
0xf: {  	s1 =	sshll.u32 s1, $0x7;
	s16 =	sor.u32 s5, s13;
	[smem:$0x7E7] =	sst s9  }
0x10: {  	s2 =	sshll.u32 s30, $0x7;
	s19 =	sor.u32 s5, s14;
	[smem:$0x7E8] =	sst s16  }
0x11: {  	s24 =	sor.u32 s5, s20;
	s25 =	sshll.u32 s17, $0x8;
	[smem:$0x7E9] =	sst s19  }
0x12: {  	s13 =	sadd.s32 $0x1E0, s12;
	s14 =	smul.u32 $0x2710, s10;
	[smem:$0x7EA] =	sst s24  }
0x13: {  	s26 =	sshll.u32 s11, $0x8;
	s3 =	sor.u32 s5, s25;
	s16 =	sadd.s32 $0x210, s12  }
0x14: {  	s8 =	sshll.u32 s13, $0x8;
	s19 =	sadd.s32 $0x240, s12;
	[smem:$0x7EB] =	sst s3  }
0x15: {  	s6 =	sor.u32 s5, s26;
	s24 =	sor.u32 s5, s8;
	s9 =	sshll.u32 s16, $0x8  }
0x16: {  	s12 =	sadd.s32 s12, s14;
	s20 =	sadd.s32 $0x4E20, s14;
	s3 =	smul.u32 $0x4E000, s23  }
0x17: {  	s0 =	sadd.s32 $0xEA60, s14;
	s8 =	sshll.u32 s22, $0x7;
	[smem:$0x7EC] =	sst s6  }
0x18: {  	s25 =	sor.u32 s5, s9;
	s6 =	sshll.u32 s19, $0x8;
	s9 =	sshll.u32 s12, $0x4  }
0x19: {  	s12 =	sadd.s32 $0x9C40, s14;
	s14 =	sshll.u32 s28, $0x7;
	s26 =	sor.u32 s5, s6  }
0x1a: {  	_ =	strace $0x80000047;
	s5 =	sadd.s32 $0x40400, s7;
	[smem:$0x7FC] =	sst s20  }
0x1b: {  	[smem:$0x7FD] =	sst s0;
	s3 =	sshrl.u32 s3, $0x2;
	s22 =	sadd.s32 s14, s4  }
0x1c: {  	s20 =	sadd.s32 s8, s4;
	s0 =	sadd.s32 s1, s4;
	[dreg:$0x6] =	wrdreg s22  }
0x1d: {  	s8 =	sshll.u32 s31, $0x7;
	s14 =	sadd.s32 s2, s4;
	[dreg:$0x8] =	wrdreg s0  }
0x1e: {  	s1 =	sshll.u32 s15, $0x7;
	s9 =	sadd.s32 s5, s9;
	[dreg:$0x9] =	wrdreg s14  }
0x1f: {  	s28 =	sadd.s32 s3, s4;
	s2 =	sadd.s32 s8, s4;
	[dreg:$0xa] =	wrdreg s20  }
0x20: {  	s22 =	sshll.u32 s18, $0x7;
	s8 =	sshll.u32 s17, $0x7;
	[dreg:$0x5] =	wrdreg s9  }
0x21: {  	s17 =	sadd.s32 s22, s4;
	s22 =	sshll.u32 s11, $0x7;
	[dreg:$0xb] =	wrdreg s2  }
0x22: {  	s18 =	sadd.s32 s1, s4;
	s31 =	sadd.s32 s22, s4;
	s22 =	sld [smem:$0x7E3]  }
0x23: {  	s1 =	sshll.u32 s13, $0x7;
	s30 =	sadd.s32 s8, s4;
	[dreg:$0xd] =	wrdreg s18  }
0x24: {  	s8 =	smul.u32 $0x138800, s10;
	s11 =	sadd.s32 s1, s4;
	[dreg:$0xc] =	wrdreg s17  }
0x25: {  	s1 =	sshrl.u32 s22, $0x3;
	s22 =	sshll.u32 s10, $0x7;
	s10 =	sld [smem:$0x7E4]  }
0x26: {  	s13 =	sshll.u32 s16, $0x7;
	s16 =	sshll.u32 s19, $0x7;
	[dreg:$0xe] =	wrdreg s30  }
0x27: {  	s19 =	sshrl.u32 s8, $0x3;
	s8 =	sadd.s32 s16, s4;
	s16 =	sld [smem:$0x7E5]  }
0x28: {  	[dreg:$0x10] =	wrdreg s11;
	s3 =	sadd.s32 s29, s1;
	s15 =	sshrl.u32 s10, $0x3  }
0x29: {  	[dreg:$0x13] =	wrdreg s3;
	s3 =	sadd.s32 s29, s15  }
0x2a: {  	s0 =	sadd.s32 s5, s19;
	s19 =	sshrl.u32 s16, $0x3;
	[dreg:$0x14] =	wrdreg s3  }
0x2b: {  	s13 =	sadd.s32 s13, s4;
	s3 =	sadd.s32 s29, s19;
	s19 =	sld [smem:$0x7E7]  }
0x2c: {  	[dreg:$0x11] =	wrdreg s13  }
0x2d: {  	[dreg:$0xf] =	wrdreg s31  }
0x2e: {  	s10 =	sld [smem:$0x7E6];
	s1 =	sshrl.u32 s19, $0x3  }
0x2f: {  	[dreg:$0x15] =	wrdreg s3;
	s3 =	sadd.s32 s29, s1  }
0x30: {  	[dreg:$0x17] =	wrdreg s3  }
0x31: {  	s3 =	sld [smem:$0x7E8]  }
0x32: {  	[dreg:$0x12] =	wrdreg s8;
	s0 =	sadd.s32 $0x27000, s0  }
0x33: {  	[smem:$0x7ED] =	sst s0;
	s15 =	sshrl.u32 s10, $0x3  }
0x34: {  	s16 =	sadd.s32 s29, s15;
	s15 =	sld [smem:$0x7E9];
	s10 =	sshrl.u32 s3, $0x3  }
0x35: {  	[dreg:$0x16] =	wrdreg s16;
	s3 =	sadd.s32 s29, s10  }
0x36: {  	[dreg:$0x18] =	wrdreg s3  }
0x37: {  	s3 =	sld [smem:$0x7EA]  }
0x38: {  	s19 =	smov.u32 s28;
	s16 =	sshrl.u32 s15, $0x3;
	s15 =	sld [smem:$0x7EB]  }
0x39: {  	[dreg:$0x7] =	wrdreg s19;
	s1 =	sadd.s32 s29, s16  }
0x3a: {  	[dreg:$0x19] =	wrdreg s1;
	s10 =	sshrl.u32 s3, $0x3  }
0x3b: {  	s16 =	sshrl.u32 s15, $0x3;
	s3 =	sadd.s32 s29, s10;
	s10 =	sld [smem:$0x7EC]  }
0x3c: {  	s1 =	sshrl.u32 s24, $0x3;
	[dreg:$0x1a] =	wrdreg s3;
	s3 =	sadd.s32 s29, s16  }
0x3d: {  	s24 =	sadd.s32 s22, s29;
	[dreg:$0x1b] =	wrdreg s3;
	s3 =	sadd.s32 s29, s1  }
0x3e: {  	s1 =	sadd.s32 $0x300, s9;
	s15 =	sshrl.u32 s10, $0x3;
	[dreg:$0x1d] =	wrdreg s3  }
0x3f: {  	s10 =	sshrl.u32 s25, $0x3;
	s25 =	sadd.s32 $0x4E000, s24;
	[smem:$0x7F0] =	sst s1  }
0x40: {  	s24 =	sadd.s32 $0x1500, s9;
	[smem:$0x7EE] =	sst s25  }
0x41: {  	s1 =	sadd.s32 $0x1E00, s9;
	[smem:$0x7F6] =	sst s24  }
0x42: {  	s16 =	sadd.s32 s29, s15;
	[smem:$0x7F9] =	sst s1  }
0x43: {  	s3 =	sadd.s32 s29, s10;
	[dreg:$0x1c] =	wrdreg s16  }
0x44: {  	s15 =	sshrl.u32 s26, $0x3;
	s26 =	smax.u32 s21, $0x1;
	[dreg:$0x1e] =	wrdreg s3  }
0x45: {  	s10 =	sadd.s32 $0x900, s9;
	[smem:$0x7EF] =	sst s26  }
0x46: {  	p0 =	sne.s32 s23, $0xF;
	s21 =	sadd.s32 $0x1200, s9;
	[smem:$0x7F2] =	sst s10  }
0x47: {  	s6 =	sadd.s32 $0x178C00, s7;
	s25 =	sadd.s32 $0x1800, s9;
	[smem:$0x7F5] =	sst s21  }
0x48: {  	s7 =	sadd.s32 $0x1C00, s7;
	s16 =	sadd.s32 s29, s15;
	[smem:$0x7F7] =	sst s25  }
0x49: {  	v1 =	vmov s12;
	s12 =	simm.s32 $0x1;
	s3 =	sadd.s32 $0x600, s9;
	[dreg:$0x1f] =	wrdreg s16  }
0x4a: {  	s0 =	smul.u32 $0x2710, s23;
	s15 =	sadd.s32 $0xC00, s9;
	[smem:$0x7F1] =	sst s3  }
0x4b: {  	s23 =	smul.u32 $0x1F400, s23;
	s28 =	simm.s32 $0x400;
	[smem:$0x7F3] =	sst s15  }
0x4c: {  	s24 =	simm.s32 $0xA580;
	s16 =	sadd.s32 $0xF00, s9;
	s15 =	sld [smem:$0x7FC]  }
0x4d: {  	s1 =	simm.s32 $0x0;
	s26 =	sadd.s32 $0x1B00, s9;
	[smem:$0x7F4] =	sst s16  }
0x4e: {  	s10 =	sadd.s32 $0x2400, s9;
	s21 =	sadd.s32 $0x138000, s4;
	s16 =	sld [smem:$0x7FD]  }
0x4f: {  	s25 =	simm.s32 $0x2;
	s29 =	simm.s32 $0x580;
	[smem:$0x7F8] =	sst s26  }
0x50: {  	s3 =	sadd.s32 $0x2100, s9;
	[smem:$0x7FB] =	sst s10;
	s26 =	simm.s32 $0x50  }
0x51: {  	s9 =	simm.s32 $0x5580;
	s10 =	simm.s32 $0x800;
	[smem:$0x7FA] =	sst s3;
	v0 =	vmov s15;
	v2 =	vmov s16  }
.LBB2_1:
0x52: {  	[smem:$0x7E2] =	sst s1  }
0x53: {  	s15 =	rddreg [dreg:$0x5];
	s16 =	simm.s32 $0x0  }
0x54: {  	[tilespmem:s24], [sflag:$0x2] =	stream.linear.gather [hbm4b:s15+s16], $0x1800, $0x38;
	[tilespmem:$0x1F600] =	vst v63  }
0x55: {  	_ =	swait.ge [sflag:s25], $0x1800  }
0x56: {  	[sflag:s25] =	ssyncset.done $0x0  }
0x57: {  	[sflag:s25] =	ssyncadd.s32 $0xFFFFE800  }
0x58: {  	[spmem:s19] =	stream.linear.scatter [tilespmem:s24], [sflag:$0x2], $0x1800, $0x38;
	[tilespmem:$0x1F600] =	vst v63  }
0x59: {  	_ =	swait.ge [sflag:s25], $0x1800  }
0x5a: {  	s3 =	sld [smem:$0x7F0]  }
0x5b: {  	[sflag:s25] =	ssyncset.done $0x0  }
0x5c: {  	[sflag:s25] =	ssyncadd.s32 $0xFFFFE800  }
0x5d: {  	[tilespmem:s24], [sflag:$0x2] =	stream.linear.gather [hbm4b:s3+s16], $0x1800, $0x38;
	[tilespmem:$0x1F600] =	vst v63  }
0x5e: {  	_ =	swait.ge [sflag:s25], $0x1800  }
0x5f: {  	[sflag:s25] =	ssyncset.done $0x0  }
0x60: {  	[sflag:s25] =	ssyncadd.s32 $0xFFFFE800  }
0x61: {  	[spmem:s20] =	stream.linear.scatter [tilespmem:s24], [sflag:$0x2], $0x1800, $0x38;
	[tilespmem:$0x1F600] =	vst v63  }
0x62: {  	_ =	swait.ge [sflag:s25], $0x1800  }
0x63: {  	s1 =	sld [smem:$0x7F1]  }
0x64: {  	[sflag:s25] =	ssyncset.done $0x0  }
0x65: {  	[sflag:s25] =	ssyncadd.s32 $0xFFFFE800  }
0x66: {  	[tilespmem:s24], [sflag:$0x2] =	stream.linear.gather [hbm4b:s1+s16], $0x1800, $0x38;
	[tilespmem:$0x1F600] =	vst v63  }
0x67: {  	_ =	swait.ge [sflag:s25], $0x1800  }
0x68: {  	[sflag:s25] =	ssyncset.done $0x0  }
0x69: {  	s15 =	rddreg [dreg:$0x6];
	[sflag:s25] =	ssyncadd.s32 $0xFFFFE800  }
0x6a: {  	[spmem:s15] =	stream.linear.scatter [tilespmem:s24], [sflag:$0x2], $0x1800, $0x38;
	[tilespmem:$0x1F600] =	vst v63  }
0x6b: {  	_ =	swait.ge [sflag:s25], $0x1800  }
0x6c: {  	s19 =	sld [smem:$0x7F2]  }
0x6d: {  	[sflag:s25] =	ssyncset.done $0x0  }
0x6e: {  	[sflag:s25] =	ssyncadd.s32 $0xFFFFE800  }
0x6f: {  	[tilespmem:s24], [sflag:$0x2] =	stream.linear.gather [hbm4b:s19+s16], $0x1800, $0x38;
	[tilespmem:$0x1F600] =	vst v63  }
0x70: {  	_ =	swait.ge [sflag:s25], $0x1800  }
0x71: {  	[sflag:s25] =	ssyncset.done $0x0  }
0x72: {  	s20 =	rddreg [dreg:$0x8];
	[sflag:s25] =	ssyncadd.s32 $0xFFFFE800  }
0x73: {  	[spmem:s20] =	stream.linear.scatter [tilespmem:s24], [sflag:$0x2], $0x1800, $0x38;
	[tilespmem:$0x1F600] =	vst v63  }
0x74: {  	_ =	swait.ge [sflag:s25], $0x1800  }
0x75: {  	s3 =	sld [smem:$0x7F3]  }
0x76: {  	[sflag:s25] =	ssyncset.done $0x0  }
0x77: {  	[sflag:s25] =	ssyncadd.s32 $0xFFFFE800  }
0x78: {  	[tilespmem:s24], [sflag:$0x2] =	stream.linear.gather [hbm4b:s3+s16], $0x1800, $0x38;
	[tilespmem:$0x1F600] =	vst v63  }
0x79: {  	_ =	swait.ge [sflag:s25], $0x1800  }
0x7a: {  	[sflag:s25] =	ssyncset.done $0x0  }
0x7b: {  	[sflag:s25] =	ssyncadd.s32 $0xFFFFE800  }
0x7c: {  	[spmem:s14] =	stream.linear.scatter [tilespmem:s24], [sflag:$0x2], $0x1800, $0x38;
	[tilespmem:$0x1F600] =	vst v63  }
0x7d: {  	_ =	swait.ge [sflag:s25], $0x1800  }
0x7e: {  	s14 =	sld [smem:$0x7F4]  }
0x7f: {  	[sflag:s25] =	ssyncset.done $0x0  }
0x80: {  	[sflag:s25] =	ssyncadd.s32 $0xFFFFE800  }
0x81: {  	[tilespmem:s24], [sflag:$0x2] =	stream.linear.gather [hbm4b:s14+s16], $0x1800, $0x38;
	[tilespmem:$0x1F600] =	vst v63  }
0x82: {  	_ =	swait.ge [sflag:s25], $0x1800  }
0x83: {  	[sflag:s25] =	ssyncset.done $0x0  }
0x84: {  	[sflag:s25] =	ssyncadd.s32 $0xFFFFE800  }
0x85: {  	[spmem:s2] =	stream.linear.scatter [tilespmem:s24], [sflag:$0x2], $0x1800, $0x38;
	[tilespmem:$0x1F600] =	vst v63  }
0x86: {  	_ =	swait.ge [sflag:s25], $0x1800  }
0x87: {  	s15 =	sld [smem:$0x7F5]  }
0x88: {  	[sflag:s25] =	ssyncset.done $0x0  }
0x89: {  	[sflag:s25] =	ssyncadd.s32 $0xFFFFE800  }
0x8a: {  	[tilespmem:s24], [sflag:$0x2] =	stream.linear.gather [hbm4b:s15+s16], $0x1800, $0x38;
	[tilespmem:$0x1F600] =	vst v63  }
0x8b: {  	_ =	swait.ge [sflag:s25], $0x1800  }
0x8c: {  	[sflag:s25] =	ssyncset.done $0x0  }
0x8d: {  	[sflag:s25] =	ssyncadd.s32 $0xFFFFE800  }
0x8e: {  	[spmem:s17] =	stream.linear.scatter [tilespmem:s24], [sflag:$0x2], $0x1800, $0x38;
	[tilespmem:$0x1F600] =	vst v63  }
0x8f: {  	_ =	swait.ge [sflag:s25], $0x1800  }
0x90: {  	s17 =	sld [smem:$0x7F6]  }
0x91: {  	[sflag:s25] =	ssyncset.done $0x0  }
0x92: {  	[sflag:s25] =	ssyncadd.s32 $0xFFFFE800  }
0x93: {  	[tilespmem:s24], [sflag:$0x2] =	stream.linear.gather [hbm4b:s17+s16], $0x1800, $0x38;
	[tilespmem:$0x1F600] =	vst v63  }
0x94: {  	_ =	swait.ge [sflag:s25], $0x1800  }
0x95: {  	[sflag:s25] =	ssyncset.done $0x0  }
0x96: {  	[sflag:s25] =	ssyncadd.s32 $0xFFFFE800  }
0x97: {  	[spmem:s18] =	stream.linear.scatter [tilespmem:s24], [sflag:$0x2], $0x1800, $0x38;
	[tilespmem:$0x1F600] =	vst v63  }
0x98: {  	_ =	swait.ge [sflag:s25], $0x1800  }
0x99: {  	s18 =	sld [smem:$0x7F7]  }
0x9a: {  	[sflag:s25] =	ssyncset.done $0x0  }
0x9b: {  	[sflag:s25] =	ssyncadd.s32 $0xFFFFE800  }
0x9c: {  	[tilespmem:s24], [sflag:$0x2] =	stream.linear.gather [hbm4b:s18+s16], $0x1800, $0x38;
	[tilespmem:$0x1F600] =	vst v63  }
0x9d: {  	_ =	swait.ge [sflag:s25], $0x1800  }
0x9e: {  	[sflag:s25] =	ssyncset.done $0x0  }
0x9f: {  	[sflag:s25] =	ssyncadd.s32 $0xFFFFE800  }
0xa0: {  	[spmem:s30] =	stream.linear.scatter [tilespmem:s24], [sflag:$0x2], $0x1800, $0x38;
	[tilespmem:$0x1F600] =	vst v63  }
0xa1: {  	_ =	swait.ge [sflag:s25], $0x1800  }
0xa2: {  	s19 =	sld [smem:$0x7F8]  }
0xa3: {  	[sflag:s25] =	ssyncset.done $0x0  }
0xa4: {  	[sflag:s25] =	ssyncadd.s32 $0xFFFFE800  }
0xa5: {  	[tilespmem:s24], [sflag:$0x2] =	stream.linear.gather [hbm4b:s19+s16], $0x1800, $0x38;
	[tilespmem:$0x1F600] =	vst v63  }
0xa6: {  	_ =	swait.ge [sflag:s25], $0x1800  }
0xa7: {  	[sflag:s25] =	ssyncset.done $0x0  }
0xa8: {  	[sflag:s25] =	ssyncadd.s32 $0xFFFFE800  }
0xa9: {  	[spmem:s31] =	stream.linear.scatter [tilespmem:s24], [sflag:$0x2], $0x1800, $0x38;
	[tilespmem:$0x1F600] =	vst v63  }
0xaa: {  	_ =	swait.ge [sflag:s25], $0x1800  }
0xab: {  	s20 =	sld [smem:$0x7F9]  }
0xac: {  	[sflag:s25] =	ssyncset.done $0x0  }
0xad: {  	[sflag:s25] =	ssyncadd.s32 $0xFFFFE800  }
0xae: {  	[tilespmem:s24], [sflag:$0x2] =	stream.linear.gather [hbm4b:s20+s16], $0x1800, $0x38;
	[tilespmem:$0x1F600] =	vst v63  }
0xaf: {  	_ =	swait.ge [sflag:s25], $0x1800  }
0xb0: {  	[sflag:s25] =	ssyncset.done $0x0  }
0xb1: {  	[sflag:s25] =	ssyncadd.s32 $0xFFFFE800  }
0xb2: {  	[spmem:s11] =	stream.linear.scatter [tilespmem:s24], [sflag:$0x2], $0x1800, $0x38;
	[tilespmem:$0x1F600] =	vst v63  }
0xb3: {  	_ =	swait.ge [sflag:s25], $0x1800  }
0xb4: {  	s30 =	sld [smem:$0x7FA]  }
0xb5: {  	[sflag:s25] =	ssyncset.done $0x0  }
0xb6: {  	[sflag:s25] =	ssyncadd.s32 $0xFFFFE800  }
0xb7: {  	[tilespmem:s24], [sflag:$0x2] =	stream.linear.gather [hbm4b:s30+s16], $0x1800, $0x38;
	[tilespmem:$0x1F600] =	vst v63  }
0xb8: {  	_ =	swait.ge [sflag:s25], $0x1800  }
0xb9: {  	[sflag:s25] =	ssyncset.done $0x0  }
0xba: {  	[sflag:s25] =	ssyncadd.s32 $0xFFFFE800  }
0xbb: {  	[spmem:s13] =	stream.linear.scatter [tilespmem:s24], [sflag:$0x2], $0x1800, $0x38;
	[tilespmem:$0x1F600] =	vst v63  }
0xbc: {  	_ =	swait.ge [sflag:s25], $0x1800  }
0xbd: {  	s31 =	sld [smem:$0x7FB]  }
0xbe: {  	[sflag:s25] =	ssyncset.done $0x0  }
0xbf: {  	[sflag:s25] =	ssyncadd.s32 $0xFFFFE800  }
0xc0: {  	[tilespmem:s24], [sflag:$0x2] =	stream.linear.gather [hbm4b:s31+s16], $0x1800, $0x38;
	[tilespmem:$0x1F600] =	vst v63  }
0xc1: {  	_ =	swait.ge [sflag:s25], $0x1800  }
0xc2: {  	[sflag:s25] =	ssyncset.done $0x0  }
0xc3: {  	[sflag:s25] =	ssyncadd.s32 $0xFFFFE800  }
0xc4: {  	[spmem:s8] =	stream.linear.scatter [tilespmem:s24], [sflag:$0x2], $0x1800, $0x38;
	[tilespmem:$0x1F600] =	vst v63  }
0xc5: {  	_ =	swait.ge [sflag:s25], $0x1800  }
0xc6: {  	s1 =	sld [smem:$0x7ED]  }
0xc7: {  	[sflag:s25] =	ssyncset.done $0x0  }
0xc8: {  	s15 =	simm.s32 @!p0 $0x0;
	s16 =	simm.s32 @!p0 $0xA580;
	[sflag:s25] =	ssyncadd.s32 $0xFFFFE800  }
0xc9: {  	[tilespmem:s16], [sflag:$0x2] =	stream.linear.gather @!p0 [hbm4b:s1+s15], $0x800, $0x38;
	[tilespmem:$0x1F600] =	vst v63  }
0xca: {  	s15 =	simm.s32 @!p0 $0x2  }
0xcb: {  	_ =	swait.ge @!p0 [sflag:s15], $0x800  }
0xcc: {  	[sflag:s15] =	ssyncset.done @!p0 $0x0  }
0xcd: {  	[sflag:s15] =	ssyncadd.s32 @!p0 $0xFFFFF800  }
0xce: {  	[spmem:s21] =	stream.linear.scatter @!p0 [tilespmem:s16], [sflag:$0x2], $0x800, $0x38;
	[tilespmem:$0x1F600] =	vst v63  }
0xcf: {  	_ =	swait.ge @!p0 [sflag:s15], $0x800  }
0xd0: {  	[sflag:s15] =	ssyncset.done @!p0 $0x0  }
0xd1: {  	s3 =	simm.s32 $0x2D80;
	s2 =	simm.s32 $0x480;
	[sflag:s15] =	ssyncadd.s32 @!p0 $0xFFFFF800  }
0xd2: {  	s11 =	simm.s32 $0x7D80;
	s13 =	simm.s32 $0x80;
	[bflag:$0x0] =	sbarrier.arrive $0xFFFF  }
0xd3: {  	s8 =	simm.s32 $0x500;
	s15 =	simm.s32 $0x0;
	s1 =	rddreg [dreg:$0x1]  }
.LBB2_2:
0xd4: {  	s16 =	sshll.u32 s15, $0xA  }
0xd5: {  	s16 =	sadd.s32 s23, s16  }
0xd6: {  	s16 =	sshrl.u32 s16, $0x3  }
0xd7: {  	s17 =	simm.s32 $0x0;
	s16 =	sadd.s32 s7, s16  }
0xd8: {  	[tilespmem:s17], [sflag:$0x2] =	stream.linear.gather [hbm4b:s16+s17], $0x400, $0x38;
	[tilespmem:$0x1F600] =	vst v63  }
0xd9: {  	_ =	swait.ge [sflag:s25], $0x400  }
0xda: {  	[sflag:s25] =	ssyncset.done $0x0  }
0xdb: {  	[sflag:s25] =	ssyncadd.s32 $0xFFFFFC00  }
0xdc: {  	v3 =	vld [tilespmem:$0x80]  }
0xdd: {  	v4 =	vld [tilespmem:$0x0];
	_ =	sdelay $0x1  }
0xde: {  	v5 =	vld [tilespmem:$0x90]  }
0xdf: {  	v6 =	vld [tilespmem:$0x10]  }
0xe0: {  	v3 =	vadd.s32 v0, v3  }
0xe1: {  	v7 =	vld [tilespmem:$0xA0];
	[tilespmem:$0x400] =	vst v3;
	v3 =	vadd.s32 v1, v4  }
0xe2: {  	[tilespmem:$0x480] =	vst v3;
	v3 =	vadd.s32 v2, v4;
	v4 =	vld [tilespmem:$0x20]  }
0xe3: {  	[tilespmem:$0x500] =	vst v3;
	v3 =	vadd.s32 v0, v5  }
0xe4: {  	v5 =	vld [tilespmem:$0xB0];
	[tilespmem:$0x410] =	vst v3;
	v3 =	vadd.s32 v1, v6  }
0xe5: {  	[tilespmem:$0x490] =	vst v3;
	v3 =	vadd.s32 v2, v6;
	v6 =	vld [tilespmem:$0x30]  }
0xe6: {  	[tilespmem:$0x510] =	vst v3;
	v3 =	vadd.s32 v0, v7  }
0xe7: {  	v7 =	vld [tilespmem:$0xC0];
	[tilespmem:$0x420] =	vst v3;
	v3 =	vadd.s32 v1, v4  }
0xe8: {  	[tilespmem:$0x4A0] =	vst v3;
	v3 =	vadd.s32 v2, v4;
	v4 =	vld [tilespmem:$0x40]  }
0xe9: {  	[tilespmem:$0x520] =	vst v3;
	v3 =	vadd.s32 v0, v5  }
0xea: {  	[tilespmem:$0x430] =	vst v3;
	v3 =	vadd.s32 v1, v6  }
0xeb: {  	[tilespmem:$0x4B0] =	vst v3;
	v3 =	vadd.s32 v2, v6  }
0xec: {  	[tilespmem:$0x530] =	vst v3;
	v3 =	vadd.s32 v0, v7  }
0xed: {  	s30 =	smul.u32 $0x50, s15;
	[tilespmem:$0x440] =	vst v3;
	v3 =	vadd.s32 v1, v4  }
0xee: {  	[tilespmem:$0x4C0] =	vst v3;
	v3 =	vadd.s32 v2, v4  }
0xef: {  	s16 =	sadd.s32 s0, s30;
	[tilespmem:$0x540] =	vst v3  }
0xf0: {  	[tilespmem:s29], [sflag:$0x1] =	stream.indirect.gather [hbm4b:s5+s26], $0x80, s28, s26, $0xb8;
	[tilespmem:$0x1F600] =	vst v63  }
0xf1: {  	s16 =	sshll.u32 s16, $0x5  }
0xf2: {  	[tilespmem:s3], [sflag:$0x1] =	stream.indirect.gather [hbm4b:s5+s26], $0x80, s2, s26, $0xb8;
	[tilespmem:$0x1F600] =	vst v63  }
0xf3: {  	s16 =	sor.u32 s22, s16  }
0xf4: {  	[tilespmem:s9], [sflag:$0x1] =	stream.indirect.gather [hbm4b:s5+s26], $0x80, s8, s26, $0xb8;
	[tilespmem:$0x1F600] =	vst v63  }
0xf5: {  	s31 =	sadd.s32 s6, s16  }
0xf6: {  	[tilespmem:s11], [sflag:$0x1] =	stream.strided.gather [hbm4b:s31+s28], $0x2800, s10, s28, $0x38;
	[tilespmem:$0x1F600] =	vst v63  }
0xf7: {  	_ =	swait.ge [sflag:s12], $0x2800  }
0xf8: {  	[sflag:s12] =	ssyncset.done $0x0  }
0xf9: {  	[sflag:s12] =	ssyncadd.s32 $0xFFFFD800  }
0xfa: {  	_ =	swait.ge [sflag:s12], $0x2800  }
0xfb: {  	[sflag:s12] =	ssyncset.done $0x0  }
0xfc: {  	[sflag:s12] =	ssyncadd.s32 $0xFFFFD800  }
0xfd: {  	_ =	swait.ge [sflag:s12], $0x2800  }
0xfe: {  	[sflag:s12] =	ssyncset.done $0x0  }
0xff: {  	[sflag:s12] =	ssyncadd.s32 $0xFFFFD800  }
0x100: {  	_ =	swait.ge [sflag:s12], $0x2800  }
0x101: {  	[sflag:s12] =	ssyncset.done $0x0  }
0x102: {  	s18 =	simm.s32 $0x0;
	[sflag:s12] =	ssyncadd.s32 $0xFFFFD800  }
0x103: {  	v3 =	vld [tilespmem:s18+$0x7D80]  }
0x104: {  	v4 =	vld [tilespmem:s18+$0x7D90]  }
0x105: {  	v5 =	vld [tilespmem:s18+$0x7DA0]  }
0x106: {  	v6 =	vld [tilespmem:s18+$0x7DB0]  }
0x107: {  	v7 =	vld [tilespmem:s18+$0x7DC0]  }
0x108: {  	v8 =	vld [tilespmem:s18+$0x7DD0]  }
0x109: {  	v11 =	vld [tilespmem:s18+$0x2D80]  }
0x10a: {  	v12 =	vld [tilespmem:s18+$0x2D90]  }
0x10b: {  	v13 =	vld [tilespmem:s18+$0x2DA0]  }
0x10c: {  	v14 =	vld [tilespmem:s18+$0x2DB0]  }
0x10d: {  	v15 =	vld [tilespmem:s18+$0x2DC0]  }
0x10e: {  	v16 =	vld [tilespmem:s18+$0x2DD0]  }
0x10f: {  	v17 =	vld [tilespmem:s18+$0x2DE0]  }
0x110: {  	v18 =	vld [tilespmem:s18+$0x580]  }
0x111: {  	v19 =	vld [tilespmem:s18+$0x2DF0]  }
0x112: {  	v20 =	vld [tilespmem:s18+$0x590]  }
0x113: {  	v21 =	vld [tilespmem:s18+$0x5A0]  }
0x114: {  	v22 =	vld [tilespmem:s18+$0x5B0]  }
0x115: {  	v23 =	vld [tilespmem:s18+$0x5C0]  }
0x116: {  	v11 =	vadd.f32 v11, v18;
	v18 =	vld [tilespmem:s18+$0x5D0]  }
0x117: {  	v12 =	vadd.f32 v12, v20;
	v20 =	vld [tilespmem:s18+$0x5E0]  }
0x118: {  	v13 =	vadd.f32 v13, v21;
	v3 =	vadd.f32 v3, v11;
	v11 =	vld [tilespmem:s18+$0x5F0]  }
0x119: {  	v9 =	vld [tilespmem:s18+$0x7DE0];
	v12 =	vadd.f32 v4, v12;
	v4 =	vadd.f32 v14, v22  }
0x11a: {  	s17 =	simm.s32 $0x80;
	v10 =	vld [tilespmem:s18+$0x7DF0];
	v13 =	vadd.f32 v5, v13;
	v5 =	vadd.f32 v15, v23;
	[tilespmem:s18+$0x580] =	vst v3  }
0x11b: {  	v15 =	vadd.f32 v6, v4;
	v21 =	vld [tilespmem:s17+$0x7D80];
	[tilespmem:s18+$0x590] =	vst v12;
	v4 =	vadd.f32 v16, v18  }
0x11c: {  	v5 =	vadd.f32 v7, v5;
	v6 =	vadd.f32 v17, v20;
	v14 =	vld [tilespmem:s17+$0x7D90];
	[tilespmem:s18+$0x5A0] =	vst v13  }
0x11d: {  	v24 =	vld [tilespmem:s17+$0x7DA0];
	[tilespmem:s18+$0x5B0] =	vst v15;
	v8 =	vadd.f32 v8, v4;
	v4 =	vadd.f32 v19, v11  }
0x11e: {  	v9 =	vadd.f32 v9, v6;
	v16 =	vld [tilespmem:s17+$0x7DB0];
	[tilespmem:s18+$0x5C0] =	vst v5;
	v5 =	vsub.f32 $0.0e+00, v5  }
0x11f: {  	v7 =	vld [tilespmem:s17+$0x7DC0];
	[tilespmem:s18+$0x5D0] =	vst v8;
	v10 =	vadd.f32 v10, v4;
	v8 =	vsub.f32 $0.0e+00, v8  }
0x120: {  	v6 =	vld [tilespmem:s17+$0x7DD0];
	[tilespmem:s18+$0x5E0] =	vst v9;
	v11 =	vmul.f32 $1.442695020e+00, v5;
	v9 =	vsub.f32 $0.0e+00, v9  }
0x121: {  	v4 =	vld [tilespmem:s17+$0x7DE0];
	[tilespmem:s18+$0x5F0] =	vst v10;
	v8 =	vmul.f32 $1.442695020e+00, v8;
	v10 =	vsub.f32 $0.0e+00, v10  }
0x122: {  	v15 =	vsub.f32 $0.0e+00, v15;
	v9 =	vmul.f32 $1.442695020e+00, v9;
	(erf) = vpow2.f32 v11  }
0x123: {  	v10 =	vmul.f32 $1.442695020e+00, v10;
	(erf) = vpow2.f32 v8  }
0x124: {  	v8 =	vmul.f32 $1.442695020e+00, v15;
	(erf) = vpow2.f32 v9  }
0x125: {  	(erf) = vpow2.f32 v10  }
0x126: {  	(erf) = vpow2.f32 v8;
	v8 =	vsub.f32 $0.0e+00, v12  }
0x127: {  	v9 =	vsub.f32 $0.0e+00, v13  }
0x128: {  	v12 =	vmul.f32 $1.442695020e+00, v8  }
0x129: {  	v29 =	vld [tilespmem:s18+$0x55E0];
	v3 =	vsub.f32 $0.0e+00, v3;
	v11 =	vmul.f32 $1.442695020e+00, v9  }
0x12a: {  	v30 =	vld [tilespmem:s18+$0x55F0]  }
0x12b: {  	v20 =	vld [tilespmem:s18+$0x55D0];
	v3 =	vmul.f32 $1.442695020e+00, v3;
	(erf) = vpow2.f32 v11  }
0x12c: {  	v5 =	vld [tilespmem:s17+$0x7DF0];
	(erf) = vpow2.f32 v12;
	v12 =	vpop (erf)  }
0x12d: {  	v17 =	vld [tilespmem:s17+$0x2D80];
	(erf) = vpow2.f32 v3;
	v3 =	vadd.f32 $1.000000000e+00, v12  }
0x12e: {  	v18 =	vld [tilespmem:s17+$0x2D90]  }
0x12f: {  	v19 =	vld [tilespmem:s17+$0x2DA0];
	v12 =	vpop (erf)  }
0x130: {  	v26 =	vld [tilespmem:s17+$0x2DC0];
	v22 =	vpop (erf)  }
0x131: {  	v27 =	vld [tilespmem:s17+$0x2DD0];
	(erf) = vrcp.f32 v3;
	v3 =	vpop (erf)  }
0x132: {  	v28 =	vld [tilespmem:s17+$0x5B0];
	v12 =	vadd.f32 $1.000000000e+00, v12;
	v23 =	vpop (erf)  }
0x133: {  	v31 =	vld [tilespmem:s17+$0x5C0];
	v22 =	vadd.f32 $1.000000000e+00, v22;
	v23 =	vadd.f32 $1.000000000e+00, v23  }
0x134: {  	(erf) = vrcp.f32 v12;
	v12 =	vld [tilespmem:s17+$0x580];
	v3 =	vadd.f32 $1.000000000e+00, v3  }
0x135: {  	v32 =	vld [tilespmem:s17+$0x5D0];
	(erf) = vrcp.f32 v22  }
0x136: {  	v15 =	vld [tilespmem:s17+$0x2DB0];
	(erf) = vrcp.f32 v3  }
0x137: {  	v13 =	vld [tilespmem:s18+$0x55C0];
	(erf) = vrcp.f32 v23;
	v23 =	vpop (erf)  }
0x138: {  	v10 =	vld [tilespmem:s17+$0x2DE0];
	v23 =	vadd.f32 $1.000000000e+00, v23;
	v25 =	vpop (erf)  }
0x139: {  	v22 =	vld [tilespmem:s17+$0x590];
	v12 =	vadd.f32 v17, v12;
	v17 =	vadd.f32 $1.000000000e+00, v25;
	v33 =	vpop (erf)  }
0x13a: {  	v3 =	vld [tilespmem:s17+$0x5A0];
	(erf) = vrcp.f32 v23;
	v33 =	vadd.f32 $1.000000000e+00, v33  }
0x13b: {  	v9 =	vld [tilespmem:s17+$0x2DF0];
	(erf) = vrcp.f32 v17  }
0x13c: {  	v8 =	vld [tilespmem:s18+$0x55A0];
	(erf) = vrcp.f32 v33  }
0x13d: {  	v11 =	vld [tilespmem:s18+$0x55B0]  }
0x13e: {  	v12 =	vadd.f32 v21, v12;
	v25 =	vld [tilespmem:s17+$0x5E0];
	v17 =	vadd.f32 v18, v22;
	v18 =	vpop (erf)  }
0x13f: {  	v3 =	vadd.f32 v19, v3;
	v23 =	vld [tilespmem:s17+$0x5F0];
	v13 =	vmul.f32 v18, v13;
	v18 =	vpop (erf)  }
0x140: {  	v22 =	vld [tilespmem:s18+$0x5590];
	[tilespmem:s17+$0x580] =	vst v12;
	v17 =	vadd.f32 v14, v17;
	v14 =	vadd.f32 v15, v28;
	v18 =	vmul.f32 v18, v20;
	v15 =	vpop (erf)  }
0x141: {  	s19 =	simm.s32 $0x100;
	v19 =	vld [tilespmem:s18+$0x5580];
	v20 =	vadd.f32 v24, v3;
	v28 =	vadd.f32 v26, v31;
	v21 =	vmul.f32 v15, v29;
	v15 =	vpop (erf)  }
0x142: {  	s20 =	simm.s32 $0x600;
	v3 =	vld [tilespmem:s19+$0x7D80];
	v29 =	vadd.f32 v27, v32;
	[tilespmem:s17+$0x590] =	vst v17;
	v24 =	vadd.f32 v16, v14;
	v26 =	vmul.f32 v15, v30;
	v27 =	vpop (erf)  }
.LBB2_3:
0x143: {  	p1 =	sne.s32 s20, $0x9E00;
	v16 =	vld [tilespmem:s19+$0x7D90];
	[tilespmem:s17+$0x5A0] =	vst v20;
	v7 =	vadd.f32 v7, v28;
	v10 =	vadd.f32 v10, v25;
	v11 =	vmul.f32 v27, v11;
	v14 =	vpop (erf)  }
0x144: {  	v15 =	vld [tilespmem:s19+$0x7DA0];
	[tilespmem:s17+$0x5B0] =	vst v24;
	v6 =	vadd.f32 v6, v29;
	v9 =	vadd.f32 v9, v23;
	v8 =	vmul.f32 v14, v8;
	v23 =	vpop (erf)  }
0x145: {  	v14 =	vld [tilespmem:s19+$0x7DB0];
	[tilespmem:s17+$0x5C0] =	vst v7;
	v25 =	vsub.f32 $0.0e+00, v7;
	v4 =	vadd.f32 v4, v10;
	v10 =	vmul.f32 v23, v22;
	v22 =	vpop (erf)  }
0x146: {  	v7 =	vld [tilespmem:s19+$0x7DC0];
	[tilespmem:s17+$0x5D0] =	vst v6;
	v23 =	vsub.f32 $0.0e+00, v6;
	v5 =	vadd.f32 v5, v9;
	v9 =	vmul.f32 v22, v19  }
0x147: {  	v19 =	vsub.f32 $0.0e+00, v24;
	v6 =	vld [tilespmem:s19+$0x7DD0];
	v22 =	vmul.f32 $1.442695020e+00, v25;
	[tilespmem:s17+$0x5E0] =	vst v4;
	v24 =	vsub.f32 $0.0e+00, v4  }
0x148: {  	v20 =	vsub.f32 $0.0e+00, v20;
	v4 =	vld [tilespmem:s19+$0x7DE0];
	v23 =	vmul.f32 $1.442695020e+00, v23;
	[tilespmem:s17+$0x5F0] =	vst v5;
	v25 =	vsub.f32 $0.0e+00, v5  }
0x149: {  	v17 =	vsub.f32 $0.0e+00, v17;
	v5 =	vld [tilespmem:s19+$0x7DF0];
	v24 =	vmul.f32 $1.442695020e+00, v24;
	(erf) = vpow2.f32 v22;
	[tilespmem:s18+$0x55F0] =	vst v26  }
0x14a: {  	v12 =	vsub.f32 $0.0e+00, v12;
	v22 =	vld [tilespmem:s19+$0x2D80];
	v25 =	vmul.f32 $1.442695020e+00, v25;
	(erf) = vpow2.f32 v23;
	[tilespmem:s18+$0x55E0] =	vst v21  }
0x14b: {  	v19 =	vmul.f32 $1.442695020e+00, v19;
	v21 =	vld [tilespmem:s19+$0x2D90];
	(erf) = vpow2.f32 v24;
	[tilespmem:s18+$0x55D0] =	vst v18  }
0x14c: {  	v20 =	vmul.f32 $1.442695020e+00, v20;
	v18 =	vld [tilespmem:s19+$0x2DA0];
	(erf) = vpow2.f32 v25;
	[tilespmem:s18+$0x55C0] =	vst v13  }
0x14d: {  	v13 =	vmul.f32 $1.442695020e+00, v17;
	v24 =	vld [tilespmem:s19+$0x2DB0];
	(erf) = vpow2.f32 v19;
	[tilespmem:s18+$0x55B0] =	vst v11  }
0x14e: {  	v11 =	vmul.f32 $1.442695020e+00, v12;
	v19 =	vld [tilespmem:s19+$0x2DC0];
	(erf) = vpow2.f32 v20;
	[tilespmem:s18+$0x55A0] =	vst v8  }
0x14f: {  	v26 =	vld [tilespmem:s19+$0x2DD0];
	(erf) = vpow2.f32 v13;
	[tilespmem:s18+$0x5590] =	vst v10  }
0x150: {  	v10 =	vld [tilespmem:s19+$0x2DE0];
	(erf) = vpow2.f32 v11;
	[tilespmem:s18+$0x5580] =	vst v9;
	s18 =	smov.u32 s17;
	s17 =	smov.u32 s19  }
0x151: {  	v9 =	vld [tilespmem:s17+$0x2DF0]  }
0x152: {  	v8 =	vld [tilespmem:s18+$0x55A0];
	v12 =	vpop (erf)  }
0x153: {  	v11 =	vld [tilespmem:s18+$0x55B0];
	v25 =	vadd.f32 $1.000000000e+00, v12;
	v13 =	vpop (erf)  }
0x154: {  	v17 =	vld [tilespmem:s18+$0x55C0];
	v13 =	vadd.f32 $1.000000000e+00, v13;
	v20 =	vpop (erf)  }
0x155: {  	v27 =	vld [tilespmem:s18+$0x55D0];
	v20 =	vadd.f32 $1.000000000e+00, v20;
	(erf) = vrcp.f32 v25;
	v12 =	vpop (erf)  }
0x156: {  	v29 =	vld [tilespmem:s18+$0x55E0];
	v12 =	vadd.f32 $1.000000000e+00, v12;
	v23 =	vpop (erf);
	(erf) = vrcp.f32 v13  }
0x157: {  	v13 =	vadd.f32 $1.000000000e+00, v23;
	v30 =	vld [tilespmem:s18+$0x55F0];
	v23 =	vpop (erf);
	(erf) = vrcp.f32 v20  }
0x158: {  	v20 =	vld [tilespmem:s17+$0x580];
	v23 =	vadd.f32 $1.000000000e+00, v23;
	v25 =	vpop (erf);
	(erf) = vrcp.f32 v12  }
0x159: {  	v12 =	vld [tilespmem:s17+$0x590];
	v25 =	vadd.f32 $1.000000000e+00, v25;
	v28 =	vpop (erf);
	(erf) = vrcp.f32 v13  }
0x15a: {  	v13 =	vld [tilespmem:s17+$0x5A0];
	v28 =	vadd.f32 $1.000000000e+00, v28;
	(erf) = vrcp.f32 v23  }
0x15b: {  	v31 =	vld [tilespmem:s17+$0x5B0];
	(erf) = vrcp.f32 v25  }
0x15c: {  	v32 =	vld [tilespmem:s17+$0x5C0];
	(erf) = vrcp.f32 v28  }
0x15d: {  	v20 =	vadd.f32 v22, v20;
	v33 =	vld [tilespmem:s17+$0x5D0]  }
.Ltmp0:
0x15e: {  	v28 =	vadd.f32 v21, v12;
	v25 =	vld [tilespmem:s17+$0x5E0];
	v22 =	vpop (erf);
	(pc) =	sbr.rel @p1 .LBB2_3-.Ltmp0, $4  }
0x15f: {  	v12 =	vadd.f32 v3, v20;
	v3 =	vadd.f32 v18, v13;
	v23 =	vld [tilespmem:s17+$0x5F0];
	v13 =	vmul.f32 v22, v17;
	v18 =	vpop (erf)  }
0x160: {  	v17 =	vadd.f32 v16, v28;
	v16 =	vadd.f32 v24, v31;
	v22 =	vld [tilespmem:s18+$0x5590];
	v18 =	vmul.f32 v18, v27;
	v21 =	vpop (erf)  }
0x161: {  	s19 =	sshra.s32 s20, $0x2;
	[tilespmem:s17+$0x580] =	vst v12;
	v20 =	vadd.f32 v15, v3;
	v28 =	vadd.f32 v19, v32;
	v19 =	vld [tilespmem:s18+$0x5580];
	v21 =	vmul.f32 v21, v29;
	v15 =	vpop (erf)  }
0x162: {  	s20 =	sadd.s32 $0x200, s20;
	v3 =	vld [tilespmem:s19+$0x7D80];
	[tilespmem:s17+$0x590] =	vst v17;
	v24 =	vadd.f32 v14, v16;
	v29 =	vadd.f32 v26, v33;
	v26 =	vmul.f32 v15, v30;
	v27 =	vpop (erf)  }
0x163: {  	v14 =	vld [tilespmem:s19+$0x7D90];
	[tilespmem:s17+$0x5A0] =	vst v20;
	v7 =	vadd.f32 v7, v28;
	v10 =	vadd.f32 v10, v25  }
0x164: {  	v15 =	vld [tilespmem:s19+$0x7DA0];
	[tilespmem:s17+$0x5B0] =	vst v24;
	v6 =	vadd.f32 v6, v29;
	v9 =	vadd.f32 v9, v23  }
0x165: {  	v16 =	vld [tilespmem:s19+$0x7DB0];
	[tilespmem:s17+$0x5C0] =	vst v7;
	v4 =	vadd.f32 v4, v10  }
0x166: {  	v25 =	vld [tilespmem:s19+$0x7DC0];
	[tilespmem:s17+$0x5D0] =	vst v6;
	v5 =	vadd.f32 v5, v9  }
0x167: {  	v7 =	vsub.f32 $0.0e+00, v7;
	v10 =	vld [tilespmem:s19+$0x7DD0];
	[tilespmem:s17+$0x5E0] =	vst v4  }
0x168: {  	v6 =	vsub.f32 $0.0e+00, v6;
	v9 =	vld [tilespmem:s19+$0x7DE0];
	[tilespmem:s17+$0x5F0] =	vst v5  }
0x169: {  	v7 =	vmul.f32 $1.442695020e+00, v7;
	v4 =	vsub.f32 $0.0e+00, v4;
	v23 =	vld [tilespmem:s19+$0x7DF0];
	[tilespmem:s18+$0x55F0] =	vst v26  }
0x16a: {  	v11 =	vmul.f32 v27, v11;
	v41 =	vpop (erf);
	v6 =	vmul.f32 $1.442695020e+00, v6;
	v26 =	vld [tilespmem:s19+$0x2D80];
	[tilespmem:s18+$0x55E0] =	vst v21  }
0x16b: {  	v42 =	vpop (erf);
	v4 =	vmul.f32 $1.442695020e+00, v4;
	(erf) = vpow2.f32 v7;
	v43 =	vld [tilespmem:s19+$0x2D90];
	[tilespmem:s18+$0x55D0] =	vst v18  }
0x16c: {  	v8 =	vmul.f32 v41, v8;
	v5 =	vsub.f32 $0.0e+00, v5;
	(erf) = vpow2.f32 v6;
	v7 =	vld [tilespmem:s19+$0x2DA0];
	[tilespmem:s18+$0x55C0] =	vst v13  }
0x16d: {  	v52 =	vpop (erf);
	v21 =	vmul.f32 v42, v22;
	(erf) = vpow2.f32 v4;
	v4 =	vld [tilespmem:s19+$0x2DB0];
	[tilespmem:s18+$0x55B0] =	vst v11  }
0x16e: {  	v54 =	vmul.f32 v52, v19;
	v5 =	vmul.f32 $1.442695020e+00, v5;
	v50 =	vld [tilespmem:s19+$0x2DC0];
	[tilespmem:s18+$0x55A0] =	vst v8  }
0x16f: {  	v53 =	vld [tilespmem:s19+$0x2DD0];
	[tilespmem:s18+$0x5590] =	vst v21  }
0x170: {  	v44 =	vsub.f32 $0.0e+00, v24;
	(erf) = vpow2.f32 v5;
	v55 =	vld [tilespmem:s19+$0x2DE0];
	[tilespmem:s18+$0x5580] =	vst v54  }
0x171: {  	v45 =	vsub.f32 $0.0e+00, v20;
	v57 =	vld [tilespmem:s19+$0x2DF0]  }
0x172: {  	v46 =	vsub.f32 $0.0e+00, v17;
	v47 =	vmul.f32 $1.442695020e+00, v44;
	v60 =	vld [tilespmem:s19+$0x580]  }
0x173: {  	v12 =	vsub.f32 $0.0e+00, v12;
	v48 =	vmul.f32 $1.442695020e+00, v45;
	v62 =	vld [tilespmem:s19+$0x590]  }
0x174: {  	v49 =	vmul.f32 $1.442695020e+00, v46;
	(erf) = vpow2.f32 v47;
	v33 =	vld [tilespmem:s19+$0x5C0]  }
0x175: {  	v51 =	vmul.f32 $1.442695020e+00, v12;
	(erf) = vpow2.f32 v48;
	v35 =	vld [tilespmem:s19+$0x5D0]  }
0x176: {  	(erf) = vpow2.f32 v49;
	v30 =	vld [tilespmem:s19+$0x5E0];
	v56 =	vpop (erf)  }
0x177: {  	(erf) = vpow2.f32 v51;
	v31 =	vld [tilespmem:s19+$0x5F0];
	v58 =	vpop (erf)  }
0x178: {  	v44 =	vld [tilespmem:s19+$0x5A0];
	v5 =	vadd.f32 $1.000000000e+00, v56;
	v59 =	vpop (erf)  }
0x179: {  	v13 =	vadd.f32 $1.000000000e+00, v58;
	v61 =	vpop (erf);
	v17 =	vadd.f32 $1.000000000e+00, v59  }
0x17a: {  	v19 =	vadd.f32 $1.000000000e+00, v61;
	v41 =	vadd.f32 v26, v60  }
0x17b: {  	v6 =	vadd.f32 v50, v33;
	v42 =	vadd.f32 v43, v62  }
0x17c: {  	(erf) = vrcp.f32 v5;
	v12 =	vadd.f32 v53, v35;
	v8 =	vadd.f32 v55, v30  }
0x17d: {  	v63 =	vpop (erf);
	(erf) = vrcp.f32 v13;
	v11 =	vadd.f32 v57, v31;
	v7 =	vadd.f32 v7, v44  }
0x17e: {  	v43 =	vld [tilespmem:s19+$0x5B0];
	v34 =	vpop (erf);
	v37 =	vadd.f32 $1.000000000e+00, v63;
	(erf) = vrcp.f32 v17;
	v6 =	vadd.f32 v25, v6  }
0x17f: {  	v36 =	vpop (erf);
	v38 =	vadd.f32 $1.000000000e+00, v34;
	(erf) = vrcp.f32 v19;
	v10 =	vadd.f32 v10, v12  }
0x180: {  	v39 =	vpop (erf);
	v40 =	vadd.f32 $1.000000000e+00, v36;
	(erf) = vrcp.f32 v37;
	v46 =	vsub.f32 $0.0e+00, v6  }
0x181: {  	v8 =	vadd.f32 v9, v8;
	v24 =	vadd.f32 $1.000000000e+00, v39;
	(erf) = vrcp.f32 v38  }
0x182: {  	v11 =	vadd.f32 v23, v11;
	(erf) = vrcp.f32 v40;
	v13 =	vmul.f32 $1.442695020e+00, v46  }
0x183: {  	v18 =	vld [tilespmem:s17+$0x55A0];
	v48 =	vsub.f32 $0.0e+00, v10;
	v4 =	vadd.f32 v4, v43;
	(erf) = vrcp.f32 v24  }
0x184: {  	v45 =	vld [tilespmem:s17+$0x55B0];
	v3 =	vadd.f32 v3, v41;
	v50 =	vsub.f32 $0.0e+00, v8;
	(erf) = vpow2.f32 v13  }
0x185: {  	v47 =	vld [tilespmem:s17+$0x55C0];
	v53 =	vsub.f32 $0.0e+00, v11;
	v52 =	vmul.f32 $1.442695020e+00, v48;
	v4 =	vadd.f32 v16, v4;
	v55 =	vpop (erf)  }
0x186: {  	v49 =	vld [tilespmem:s17+$0x55D0];
	v14 =	vadd.f32 v14, v42;
	v7 =	vadd.f32 v15, v7;
	v17 =	vmul.f32 $1.442695020e+00, v50;
	v58 =	vpop (erf)  }
0x187: {  	v51 =	vld [tilespmem:s17+$0x55E0];
	v57 =	vmul.f32 $1.442695020e+00, v53;
	(erf) = vpow2.f32 v52;
	v61 =	vsub.f32 $0.0e+00, v4;
	v59 =	vpop (erf)  }
0x188: {  	v54 =	vld [tilespmem:s17+$0x55F0];
	v63 =	vsub.f32 $0.0e+00, v7;
	(erf) = vpow2.f32 v17;
	v62 =	vpop (erf)  }
0x189: {  	v56 =	vld [tilespmem:s17+$0x5590];
	[tilespmem:s19+$0x580] =	vst v3;
	v29 =	vsub.f32 $0.0e+00, v14;
	(erf) = vpow2.f32 v57;
	v30 =	vmul.f32 $1.442695020e+00, v61;
	v28 =	vpop (erf)  }
0x18a: {  	v3 =	vsub.f32 $0.0e+00, v3;
	v60 =	vld [tilespmem:s17+$0x5580];
	[tilespmem:s19+$0x590] =	vst v14;
	v32 =	vmul.f32 $1.442695020e+00, v63;
	v31 =	vpop (erf)  }
0x18b: {  	[tilespmem:s19+$0x5A0] =	vst v7;
	v34 =	vmul.f32 $1.442695020e+00, v29;
	(erf) = vpow2.f32 v30;
	v33 =	vpop (erf)  }
0x18c: {  	[tilespmem:s19+$0x5C0] =	vst v6;
	v3 =	vmul.f32 $1.442695020e+00, v3;
	(erf) = vpow2.f32 v32;
	v35 =	vpop (erf)  }
0x18d: {  	[tilespmem:s19+$0x5D0] =	vst v10;
	(erf) = vpow2.f32 v34;
	v37 =	vpop (erf)  }
0x18e: {  	[tilespmem:s19+$0x5E0] =	vst v8;
	(erf) = vpow2.f32 v3;
	v3 =	vadd.f32 $1.000000000e+00, v37  }
0x18f: {  	[tilespmem:s19+$0x5F0] =	vst v11;
	v9 =	vmul.f32 v55, v47  }
0x190: {  	[tilespmem:s19+$0x5B0] =	vst v4;
	v5 =	vmul.f32 v58, v49;
	v39 =	vpop (erf)  }
0x191: {  	v38 =	vmul.f32 v59, v51;
	[tilespmem:s17+$0x55C0] =	vst v9;
	v40 =	vadd.f32 $1.000000000e+00, v39;
	v41 =	vpop (erf)  }
0x192: {  	v36 =	vmul.f32 v62, v54;
	[tilespmem:s17+$0x55D0] =	vst v5;
	v6 =	vadd.f32 $1.000000000e+00, v41;
	(erf) = vrcp.f32 v3;
	v3 =	vpop (erf)  }
0x193: {  	[tilespmem:s17+$0x55E0] =	vst v38;
	v42 =	vmul.f32 v28, v45;
	(erf) = vrcp.f32 v40;
	v3 =	vadd.f32 $1.000000000e+00, v3  }
0x194: {  	[tilespmem:s17+$0x55F0] =	vst v36;
	v43 =	vmul.f32 v31, v18;
	(erf) = vrcp.f32 v6  }
0x195: {  	[tilespmem:s17+$0x55B0] =	vst v42;
	v45 =	vpop (erf);
	(erf) = vrcp.f32 v3;
	v3 =	vmul.f32 v35, v60  }
0x196: {  	v44 =	vmul.f32 v33, v56;
	[tilespmem:s17+$0x55A0] =	vst v43;
	v4 =	vadd.f32 $1.000000000e+00, v45;
	v46 =	vpop (erf)  }
0x197: {  	v47 =	vpop (erf);
	[tilespmem:s17+$0x5580] =	vst v3;
	v3 =	vadd.f32 $1.000000000e+00, v46  }
0x198: {  	[tilespmem:s17+$0x5590] =	vst v44;
	v5 =	vadd.f32 $1.000000000e+00, v47;
	v49 =	vpop (erf);
	(erf) = vrcp.f32 v4  }
0x199: {  	v7 =	vadd.f32 $1.000000000e+00, v49;
	v8 =	vld [tilespmem:s19+$0x55D0];
	(erf) = vrcp.f32 v3  }
0x19a: {  	v9 =	vld [tilespmem:s19+$0x55C0];
	(erf) = vrcp.f32 v5  }
0x19b: {  	v3 =	vld [tilespmem:s19+$0x55E0];
	v51 =	vpop (erf);
	(erf) = vrcp.f32 v7  }
0x19c: {  	v50 =	vld [tilespmem:s19+$0x55F0]  }
0x19d: {  	v54 =	vld [tilespmem:s19+$0x55B0];
	v52 =	vpop (erf)  }
0x19e: {  	v48 =	vld [tilespmem:s19+$0x55A0];
	v7 =	vmul.f32 v52, v8  }
0x19f: {  	v56 =	vld [tilespmem:s19+$0x5590];
	v53 =	vpop (erf);
	v58 =	vmul.f32 v51, v9  }
0x1a0: {  	v57 =	vld [tilespmem:s19+$0x5580];
	v55 =	vpop (erf);
	v3 =	vmul.f32 v53, v3;
	[tilespmem:s19+$0x55D0] =	vst v7  }
0x1a1: {  	v4 =	vmul.f32 v55, v50;
	v59 =	vpop (erf);
	[tilespmem:s19+$0x55C0] =	vst v58  }
0x1a2: {  	[tilespmem:s19+$0x55E0] =	vst v3;
	v3 =	vmul.f32 v59, v54;
	v60 =	vpop (erf)  }
0x1a3: {  	[tilespmem:s19+$0x55F0] =	vst v4;
	v5 =	vmul.f32 v60, v48;
	v61 =	vpop (erf)  }
0x1a4: {  	[tilespmem:s19+$0x55B0] =	vst v3;
	v62 =	vmul.f32 v61, v56;
	v63 =	vpop (erf)  }
0x1a5: {  	v3 =	vmul.f32 v63, v57;
	[tilespmem:s19+$0x55A0] =	vst v5  }
0x1a6: {  	[tilespmem:s19+$0x5590] =	vst v62  }
0x1a7: {  	s16 =	sadd.s32 s1, s16;
	[tilespmem:s19+$0x5580] =	vst v3  }
0x1a8: {  	[hbm4b:s16+s28] =	stream.strided.scatter [tilespmem:s29], [sflag:$0x2], $0x2800, s10, s28, $0x38;
	[tilespmem:$0x1F600] =	vst v63  }
0x1a9: {  	s15 =	sadd.s32 $0x1, s15;
	_ =	swait.ge [sflag:s25], $0x2800  }
0x1aa: {  	p1 =	sne.s32 s15, $0x7D;
	[sflag:s25] =	ssyncset.done $0x0  }
.Ltmp1:
0x1ab: {  	[sflag:s25] =	ssyncadd.s32 $0xFFFFD800;
	(pc) =	sbr.rel @p1 .LBB2_2-.Ltmp1, $4  }
0x1ac: {  	[spmem:s4] =	stream.indirect.scatter.add.f32 [tilespmem:s9], [sflag:$0x2], $0x80, s13, s26, $0xb8;
	[tilespmem:$0x1F600] =	vst v63  }
0x1ad: {  	_ =	swait.ge [sflag:s25], $0x2800  }
0x1ae: {  	[sflag:s25] =	ssyncset.done $0x0  }
0x1af: {  	[sflag:s25] =	ssyncadd.s32 $0xFFFFD800  }
0x1b0: {  	[bflag:$0x0] =	sbarrier.arrive $0xFFFF  }
0x1b1: {  	s19 =	rddreg [dreg:$0x7]  }
0x1b2: {  	[tilespmem:s24], [sflag:$0x2] =	stream.linear.gather [spmem:s19], $0x1800, $0x38;
	[tilespmem:$0x1F600] =	vst v63  }
0x1b3: {  	_ =	swait.ge [sflag:s25], $0x1800  }
0x1b4: {  	[sflag:s25] =	ssyncset.done $0x0  }
0x1b5: {  	s1 =	rddreg [dreg:$0x13];
	[sflag:s25] =	ssyncadd.s32 $0xFFFFE800  }
0x1b6: {  	[hbm4b:s1+s28] =	stream.strided.scatter [tilespmem:s24], [sflag:$0x2], $0x1800, s10, s28, $0x38;
	[tilespmem:$0x1F600] =	vst v63  }
0x1b7: {  	_ =	swait.ge [sflag:s25], $0x1800  }
0x1b8: {  	[sflag:s25] =	ssyncset.done $0x0  }
0x1b9: {  	s20 =	rddreg [dreg:$0xa];
	[sflag:s25] =	ssyncadd.s32 $0xFFFFE800  }
0x1ba: {  	[tilespmem:s24], [sflag:$0x2] =	stream.linear.gather [spmem:s20], $0x1800, $0x38;
	[tilespmem:$0x1F600] =	vst v63  }
0x1bb: {  	_ =	swait.ge [sflag:s25], $0x1800  }
0x1bc: {  	[sflag:s25] =	ssyncset.done $0x0  }
0x1bd: {  	s8 =	rddreg [dreg:$0x14];
	[sflag:s25] =	ssyncadd.s32 $0xFFFFE800  }
0x1be: {  	[hbm4b:s8+s28] =	stream.strided.scatter [tilespmem:s24], [sflag:$0x2], $0x1800, s10, s28, $0x38;
	[tilespmem:$0x1F600] =	vst v63  }
0x1bf: {  	_ =	swait.ge [sflag:s25], $0x1800  }
0x1c0: {  	[sflag:s25] =	ssyncset.done $0x0  }
0x1c1: {  	s11 =	rddreg [dreg:$0x6];
	[sflag:s25] =	ssyncadd.s32 $0xFFFFE800  }
0x1c2: {  	[tilespmem:s24], [sflag:$0x2] =	stream.linear.gather [spmem:s11], $0x1800, $0x38;
	[tilespmem:$0x1F600] =	vst v63  }
0x1c3: {  	_ =	swait.ge [sflag:s25], $0x1800  }
0x1c4: {  	[sflag:s25] =	ssyncset.done $0x0  }
0x1c5: {  	s13 =	rddreg [dreg:$0x15];
	[sflag:s25] =	ssyncadd.s32 $0xFFFFE800  }
0x1c6: {  	[hbm4b:s13+s28] =	stream.strided.scatter [tilespmem:s24], [sflag:$0x2], $0x1800, s10, s28, $0x38;
	[tilespmem:$0x1F600] =	vst v63  }
0x1c7: {  	_ =	swait.ge [sflag:s25], $0x1800  }
0x1c8: {  	[sflag:s25] =	ssyncset.done $0x0  }
0x1c9: {  	s14 =	rddreg [dreg:$0x8];
	[sflag:s25] =	ssyncadd.s32 $0xFFFFE800  }
0x1ca: {  	[tilespmem:s24], [sflag:$0x2] =	stream.linear.gather [spmem:s14], $0x1800, $0x38;
	[tilespmem:$0x1F600] =	vst v63  }
0x1cb: {  	_ =	swait.ge [sflag:s25], $0x1800  }
0x1cc: {  	[sflag:s25] =	ssyncset.done $0x0  }
0x1cd: {  	s2 =	rddreg [dreg:$0x16];
	[sflag:s25] =	ssyncadd.s32 $0xFFFFE800  }
0x1ce: {  	[hbm4b:s2+s28] =	stream.strided.scatter [tilespmem:s24], [sflag:$0x2], $0x1800, s10, s28, $0x38;
	[tilespmem:$0x1F600] =	vst v63  }
0x1cf: {  	_ =	swait.ge [sflag:s25], $0x1800  }
0x1d0: {  	[sflag:s25] =	ssyncset.done $0x0  }
0x1d1: {  	s14 =	rddreg [dreg:$0x9];
	[sflag:s25] =	ssyncadd.s32 $0xFFFFE800  }
0x1d2: {  	[tilespmem:s24], [sflag:$0x2] =	stream.linear.gather [spmem:s14], $0x1800, $0x38;
	[tilespmem:$0x1F600] =	vst v63  }
0x1d3: {  	_ =	swait.ge [sflag:s25], $0x1800  }
0x1d4: {  	[sflag:s25] =	ssyncset.done $0x0  }
0x1d5: {  	s15 =	rddreg [dreg:$0x17];
	[sflag:s25] =	ssyncadd.s32 $0xFFFFE800  }
0x1d6: {  	[hbm4b:s15+s28] =	stream.strided.scatter [tilespmem:s24], [sflag:$0x2], $0x1800, s10, s28, $0x38;
	[tilespmem:$0x1F600] =	vst v63  }
0x1d7: {  	_ =	swait.ge [sflag:s25], $0x1800  }
0x1d8: {  	[sflag:s25] =	ssyncset.done $0x0  }
0x1d9: {  	s2 =	rddreg [dreg:$0xb];
	[sflag:s25] =	ssyncadd.s32 $0xFFFFE800  }
0x1da: {  	[tilespmem:s24], [sflag:$0x2] =	stream.linear.gather [spmem:s2], $0x1800, $0x38;
	[tilespmem:$0x1F600] =	vst v63  }
0x1db: {  	_ =	swait.ge [sflag:s25], $0x1800  }
0x1dc: {  	[sflag:s25] =	ssyncset.done $0x0  }
0x1dd: {  	s3 =	rddreg [dreg:$0x18];
	[sflag:s25] =	ssyncadd.s32 $0xFFFFE800  }
0x1de: {  	[hbm4b:s3+s28] =	stream.strided.scatter [tilespmem:s24], [sflag:$0x2], $0x1800, s10, s28, $0x38;
	[tilespmem:$0x1F600] =	vst v63  }
0x1df: {  	_ =	swait.ge [sflag:s25], $0x1800  }
0x1e0: {  	[sflag:s25] =	ssyncset.done $0x0  }
0x1e1: {  	s3 =	rddreg [dreg:$0xc];
	[sflag:s25] =	ssyncadd.s32 $0xFFFFE800  }
0x1e2: {  	[tilespmem:s24], [sflag:$0x2] =	stream.linear.gather [spmem:s3], $0x1800, $0x38;
	[tilespmem:$0x1F600] =	vst v63  }
0x1e3: {  	_ =	swait.ge [sflag:s25], $0x1800  }
0x1e4: {  	[sflag:s25] =	ssyncset.done $0x0  }
0x1e5: {  	s4 =	rddreg [dreg:$0x19];
	[sflag:s25] =	ssyncadd.s32 $0xFFFFE800  }
0x1e6: {  	[hbm4b:s4+s28] =	stream.strided.scatter [tilespmem:s24], [sflag:$0x2], $0x1800, s10, s28, $0x38;
	[tilespmem:$0x1F600] =	vst v63  }
0x1e7: {  	_ =	swait.ge [sflag:s25], $0x1800  }
0x1e8: {  	[sflag:s25] =	ssyncset.done $0x0  }
0x1e9: {  	s4 =	rddreg [dreg:$0xd];
	[sflag:s25] =	ssyncadd.s32 $0xFFFFE800  }
0x1ea: {  	[tilespmem:s24], [sflag:$0x2] =	stream.linear.gather [spmem:s4], $0x1800, $0x38;
	[tilespmem:$0x1F600] =	vst v63  }
0x1eb: {  	_ =	swait.ge [sflag:s25], $0x1800  }
0x1ec: {  	[sflag:s25] =	ssyncset.done $0x0  }
0x1ed: {  	s8 =	rddreg [dreg:$0x1a];
	[sflag:s25] =	ssyncadd.s32 $0xFFFFE800  }
0x1ee: {  	[hbm4b:s8+s28] =	stream.strided.scatter [tilespmem:s24], [sflag:$0x2], $0x1800, s10, s28, $0x38;
	[tilespmem:$0x1F600] =	vst v63  }
0x1ef: {  	_ =	swait.ge [sflag:s25], $0x1800  }
0x1f0: {  	[sflag:s25] =	ssyncset.done $0x0  }
0x1f1: {  	s30 =	rddreg [dreg:$0xe];
	[sflag:s25] =	ssyncadd.s32 $0xFFFFE800  }
0x1f2: {  	[tilespmem:s24], [sflag:$0x2] =	stream.linear.gather [spmem:s30], $0x1800, $0x38;
	[tilespmem:$0x1F600] =	vst v63  }
0x1f3: {  	_ =	swait.ge [sflag:s25], $0x1800  }
0x1f4: {  	[sflag:s25] =	ssyncset.done $0x0  }
0x1f5: {  	s16 =	rddreg [dreg:$0x1b];
	[sflag:s25] =	ssyncadd.s32 $0xFFFFE800  }
0x1f6: {  	[hbm4b:s16+s28] =	stream.strided.scatter [tilespmem:s24], [sflag:$0x2], $0x1800, s10, s28, $0x38;
	[tilespmem:$0x1F600] =	vst v63  }
0x1f7: {  	_ =	swait.ge [sflag:s25], $0x1800  }
0x1f8: {  	[sflag:s25] =	ssyncset.done $0x0  }
0x1f9: {  	s31 =	rddreg [dreg:$0xf];
	[sflag:s25] =	ssyncadd.s32 $0xFFFFE800  }
0x1fa: {  	[tilespmem:s24], [sflag:$0x2] =	stream.linear.gather [spmem:s31], $0x1800, $0x38;
	[tilespmem:$0x1F600] =	vst v63  }
0x1fb: {  	_ =	swait.ge [sflag:s25], $0x1800  }
0x1fc: {  	[sflag:s25] =	ssyncset.done $0x0  }
0x1fd: {  	s17 =	rddreg [dreg:$0x1c];
	[sflag:s25] =	ssyncadd.s32 $0xFFFFE800  }
0x1fe: {  	[hbm4b:s17+s28] =	stream.strided.scatter [tilespmem:s24], [sflag:$0x2], $0x1800, s10, s28, $0x38;
	[tilespmem:$0x1F600] =	vst v63  }
0x1ff: {  	_ =	swait.ge [sflag:s25], $0x1800  }
0x200: {  	[sflag:s25] =	ssyncset.done $0x0  }
0x201: {  	s11 =	rddreg [dreg:$0x10];
	[sflag:s25] =	ssyncadd.s32 $0xFFFFE800  }
0x202: {  	[tilespmem:s24], [sflag:$0x2] =	stream.linear.gather [spmem:s11], $0x1800, $0x38;
	[tilespmem:$0x1F600] =	vst v63  }
0x203: {  	_ =	swait.ge [sflag:s25], $0x1800  }
0x204: {  	[sflag:s25] =	ssyncset.done $0x0  }
0x205: {  	s18 =	rddreg [dreg:$0x1d];
	[sflag:s25] =	ssyncadd.s32 $0xFFFFE800  }
0x206: {  	[hbm4b:s18+s28] =	stream.strided.scatter [tilespmem:s24], [sflag:$0x2], $0x1800, s10, s28, $0x38;
	[tilespmem:$0x1F600] =	vst v63  }
0x207: {  	_ =	swait.ge [sflag:s25], $0x1800  }
0x208: {  	[sflag:s25] =	ssyncset.done $0x0  }
0x209: {  	s13 =	rddreg [dreg:$0x11];
	[sflag:s25] =	ssyncadd.s32 $0xFFFFE800  }
0x20a: {  	[tilespmem:s24], [sflag:$0x2] =	stream.linear.gather [spmem:s13], $0x1800, $0x38;
	[tilespmem:$0x1F600] =	vst v63  }
0x20b: {  	_ =	swait.ge [sflag:s25], $0x1800  }
0x20c: {  	[sflag:s25] =	ssyncset.done $0x0  }
0x20d: {  	s1 =	rddreg [dreg:$0x1e];
	[sflag:s25] =	ssyncadd.s32 $0xFFFFE800  }
0x20e: {  	[hbm4b:s1+s28] =	stream.strided.scatter [tilespmem:s24], [sflag:$0x2], $0x1800, s10, s28, $0x38;
	[tilespmem:$0x1F600] =	vst v63  }
0x20f: {  	_ =	swait.ge [sflag:s25], $0x1800  }
0x210: {  	[sflag:s25] =	ssyncset.done $0x0  }
0x211: {  	s8 =	rddreg [dreg:$0x12];
	[sflag:s25] =	ssyncadd.s32 $0xFFFFE800  }
0x212: {  	[tilespmem:s24], [sflag:$0x2] =	stream.linear.gather [spmem:s8], $0x1800, $0x38;
	[tilespmem:$0x1F600] =	vst v63  }
0x213: {  	_ =	swait.ge [sflag:s25], $0x1800  }
0x214: {  	[sflag:s25] =	ssyncset.done $0x0  }
0x215: {  	s15 =	rddreg [dreg:$0x1f];
	[sflag:s25] =	ssyncadd.s32 $0xFFFFE800  }
0x216: {  	[hbm4b:s15+s28] =	stream.strided.scatter [tilespmem:s24], [sflag:$0x2], $0x1800, s10, s28, $0x38;
	[tilespmem:$0x1F600] =	vst v63  }
0x217: {  	_ =	swait.ge [sflag:s25], $0x1800  }
0x218: {  	[sflag:s25] =	ssyncset.done $0x0  }
0x219: {  	s16 =	simm.s32 @!p0 $0x2;
	s15 =	simm.s32 @!p0 $0xA580;
	[sflag:s25] =	ssyncadd.s32 $0xFFFFE800  }
0x21a: {  	[tilespmem:s15], [sflag:$0x2] =	stream.linear.gather @!p0 [spmem:s21], $0x800, $0x38;
	[tilespmem:$0x1F600] =	vst v63  }
0x21b: {  	_ =	swait.ge @!p0 [sflag:s16], $0x800  }
0x21c: {  	s1 =	smov.u32 s21;
	s21 =	sld [smem:$0x7EE]  }
0x21d: {  	[sflag:s16] =	ssyncset.done @!p0 $0x0  }
0x21e: {  	s17 =	simm.s32 @!p0 $0x400;
	s18 =	simm.s32 @!p0 $0x800;
	[sflag:s16] =	ssyncadd.s32 @!p0 $0xFFFFF800  }
0x21f: {  	[hbm4b:s21+s17] =	stream.strided.scatter @!p0 [tilespmem:s15], [sflag:$0x2], $0x800, s18, s17, $0x38;
	[tilespmem:$0x1F600] =	vst v63  }
0x220: {  	s18 =	smov.u32 s4;
	s4 =	rddreg [dreg:$0x3];
	_ =	swait.ge @!p0 [sflag:s16], $0x800  }
0x221: {  	s17 =	smov.u32 s3;
	s3 =	sld [smem:$0x7E2]  }
0x222: {  	s15 =	sld [smem:$0x7EF];
	_ =	sdelay $0x1  }
0x223: {  	s21 =	smov.u32 s1;
	s1 =	sadd.s32 $0x1, s3  }
0x224: {  	p1 =	sne.s32 s1, s15  }
.Ltmp2:
0x225: {  	_ = 	snop;
	(pc) =	sbr.rel @p1 .LBB2_1-.Ltmp2, $3  }
0x226: {  	_ =	sdelay $0x1  }
0x227: {  	[sflag:s16] =	ssyncset.done @!p0 $0x0  }
0x228: {  	[sflag:s16] =	ssyncadd.s32 @!p0 $0xFFFFF800  }
0x229: {  	_ =	sfence.sel $0x180000  }
0x22a: {  	[bflag:$0x0] =	sbarrier.arrive $0xFFFF  }
0x22b: {  	_ =	strace $0x90000047  }
0x22c: {  	s0 =	stileid.u32;
	[bflag:$0x2] =	sbarrier.arrive $0xFFFF  }
0x22d: {  	p0 =	sne.s32 s0, $0x0;
	s0 =	rddreg [dreg:$0x4]  }
0x22e: {  	s0 =	sadd.s32 @!p0 $0x100000, s0  }
0x22f: {  	[sflag:s0] =	ssyncadd.tile.s32 @!p0 $0x1;
	_ =	shalt  }
.Lfunc_end2:
_tile_overlayer_lowered:
.L_overlay_start_2:
0x230: {  	(tag) =	ssettag $0x2  }
0x231: {  	s0 =	rddreg [dreg:$0x0];
	s2 =	stileid.u32  }
0x232: {  	s1 =	rddreg [dreg:$0x1];
	p0 =	sne.s32 s2, $0x0  }
0x233: {  	s3 =	rddreg [dreg:$0x2];
	[bflag:$0x3] =	sbarrier.arrive $0xFFFF;
	s2 =	simm.s32 @!p0 $0x1C02  }
0x234: {  	[timem:s3], [sflag:s2] =	dma.local @!p0 [hbm:s0], s1  }
0x235: {  	s0 =	simm.s32 @!p0 $0x2  }
0x236: {  	_ =	swait.ge @!p0 [sflag:s0], s1  }
0x237: {  	s1 =	ssub.s32 @!p0 $0x0, s1;
	[sflag:s0] =	ssyncset.done @!p0 $0x0  }
0x238: {  	[sflag:s0] =	ssyncadd.s32 @!p0 s1  }
0x239: {  	[bflag:$0x3] =	sbarrier.arrive $0xFFFF  }
0x23a: {  	_ =	shalt  }

</sc_bundles>
